<compile_context>
chip_gen: v7x
topology: tpu7x:2x2x1
jax: 0.10.2.dev20260603
libtpu: 0.0.44.dev20260713+nightly
codegen_flags: <defaults>
</compile_context>

<pallas_src>
import functools

import jax
import jax.numpy as jnp
from jax import lax
from jax.experimental import pallas as pl
from jax.experimental.pallas import tpu as pltpu
from jax.experimental.pallas import tpu_sc as plsc

_CONF = 0.25
_N = 20000
_C = 84
_MAXN = 2000
_KCONF = 0x3E800000
_ROWS = 160
_COLS = 125
_NPAD = 20480
_NEG = -0x80000000
_NT = 16
_CH = _NPAD // _NT
_NG = _CH // 16


def _tc_dense(x_ref, key_ref, v_ref, br_ref):
    x = x_ref[...]
    scores = jnp.max(x[4:], axis=0)
    v = scores + jnp.sum(x[:4], axis=0)
    bits = jax.lax.bitcast_convert_type(scores, jnp.int32)
    key = jnp.where(bits >= 0, bits, bits ^ 0x7FFFFFFF)
    key_ref[...] = jnp.concatenate(
        [key, jnp.full((_ROWS, 3), _NEG, dtype=jnp.int32)], axis=1)
    v_ref[...] = jnp.concatenate(
        [v, jnp.zeros((_ROWS, 3), dtype=jnp.float32)], axis=1)

    kcnt = jnp.sum((key >= _KCONF).astype(jnp.int32))
    over = kcnt > _MAXN
    maxkey = jnp.max(key)
    lo_b = jnp.where(over, jnp.int32(_KCONF), jnp.int32(_KCONF - 1))
    hi_b = jnp.where(over, jnp.maximum(maxkey, _KCONF),
                     jnp.int32(_KCONF - 1))
    na_b = jnp.sum((key > hi_b).astype(jnp.int32))
    it = jax.lax.broadcasted_iota(jnp.int32, (1, 16), 1)
    br_ref[...] = jnp.where(
        it == 0, lo_b, jnp.where(it == 1, hi_b, jnp.where(
            it == 2, na_b, jnp.where(it == 3, kcnt, 0))))


def _rot16(x, idx):
    return lax.gather(
        x, idx[:, None],
        dimension_numbers=lax.GatherDimensionNumbers(
            offset_dims=(), collapsed_slice_dims=(0,), start_index_map=(0,)),
        slice_sizes=(1,),
        mode=lax.GatherScatterMode.PROMISE_IN_BOUNDS)


def _lane():
    return lax.iota(jnp.int32, 16)


def _tree_sum(v):
    lane = _lane()
    for d in (8, 4, 2, 1):
        v = v + _rot16(v, (lane + d) & 15)
    return v[0]


def _tree_max(v):
    lane = _lane()
    for d in (8, 4, 2, 1):
        v = jnp.maximum(v, _rot16(v, (lane + d) & 15))
    return v[0]


def _hs_cumsum(x):
    lane = _lane()
    for d in (1, 2, 4, 8):
        sh = _rot16(x, (lane - d) & 15)
        x = x + jnp.where(lane >= d, sh, 0)
    return x


def _probe_at(lo, hi, j):
    rng = hi - lo
    q, rem = rng // 17, rng % 17
    return hi - (j * q + (j * rem) // 17)


def _sc_body(key_hbm, v_hbm, br_hbm, out_hbm,
             kv, vv, sti, rbi, stf, rbf, sh_i, sh_f):
    sid = lax.axis_index("s")
    base = sid * _CH
    lane = _lane()
    pltpu.sync_copy(key_hbm.at[pl.ds(base, _CH)], kv)
    pltpu.sync_copy(v_hbm.at[pl.ds(base, _CH)], vv)
    pltpu.sync_copy(br_hbm, sti)
    brv = sti[pl.ds(0, 16)]
    lo0 = brv[0]
    hi0 = brv[1]
    na0 = brv[2]
    k_total = brv[3]
    over = k_total > _MAXN

    def s_body(i, c):
        lo, hi, na = c
        done = lo >= hi
        slot = (i & 1) * (_NT * 16)
        ng = jnp.where(done, 0, _NG)
        rng = hi - lo
        q = rng // 17
        rem = rng - 17 * q
        trs = []
        for r in range(16):
            jr = ((lane + r) & 15) + 1
            trs.append(hi - (jr * q + ((jr * rem) * 241 >> 12)))

        def cg_body(g, accs):
            k = kv[pl.ds(g * 16, 16)]
            return tuple(accs[r] + jnp.where(k >= trs[r], 1, 0)
                         for r in range(16))

        accs = lax.fori_loop(
            0, ng, cg_body,
            tuple(jnp.zeros((16,), jnp.int32) for _ in range(16)))
        cntv = jnp.zeros((16,), jnp.int32)
        for r in range(16):
            cntv = cntv + _rot16(accs[r], (lane - r) & 15)
        sti[...] = cntv
        pltpu.sync_copy(sti, sh_i.at[pl.ds(slot + sid * 16, 16)])
        plsc.subcore_barrier()
        pltpu.sync_copy(sh_i.at[pl.ds(slot, _NT * 16)], rbi)

        gcnt = lax.fori_loop(
            0, _NT, lambda j, a: a + rbi[pl.ds(j * 16, 16)],
            jnp.zeros((16,), jnp.int32), unroll=16)
        prop = gcnt >= _MAXN
        ntrue = _tree_sum(jnp.where(prop, 1, 0))
        anyp = ntrue > 0
        js = 16 - ntrue
        t_js = _probe_at(lo, hi, js + 1)
        t_prev = _probe_at(lo, hi, js)
        t_last = _probe_at(lo, hi, 16)
        gprev = _tree_sum(jnp.where(lane == js - 1, gcnt, 0))
        glast = gcnt[15]
        new_lo = jnp.where(anyp, jnp.maximum(lo, t_js), lo)
        new_hi = jnp.where(
            anyp,
            jnp.where(js >= 1, jnp.minimum(hi, t_prev - 1), hi),
            jnp.minimum(hi, t_last - 1))
        new_na = jnp.where(anyp, jnp.where(js >= 1, gprev, na), glast)
        return (jnp.where(done, lo, new_lo),
                jnp.where(done, hi, new_hi),
                jnp.where(done, na, new_na))

    t, _, na = lax.fori_loop(
        0, 8, s_body, (lo0, hi0, na0))

    t_eff = jnp.where(over, t, jnp.int32(_KCONF - 1))
    r_total = jnp.where(over, _MAXN - na, 0)

    def eq_body(g, acc):
        k = kv[pl.ds(g * 16, 16)]
        return acc + jnp.where(k == t_eff, 1, 0)

    eq_local = _tree_sum(lax.fori_loop(
        0, _NG, eq_body, jnp.zeros((16,), jnp.int32)))
    sti[...] = jnp.where(lane == 0, eq_local, 0)
    pltpu.sync_copy(sti, sh_i.at[pl.ds(sid * 16, 16)])
    plsc.subcore_barrier()
    pltpu.sync_copy(sh_i.at[pl.ds(0, _NT * 16)], rbi)

    pacc = lax.fori_loop(
        0, _NT,
        lambda i, a: a + jnp.where(i < sid, rbi[pl.ds(i * 16, 16)], 0),
        jnp.zeros((16,), jnp.int32), unroll=16)
    prefix = pacc[0]
    q_w = jnp.clip(r_total - prefix, 0, eq_local)

    def f_body(g, carry):
        acc, ec = carry
        k = kv[pl.ds(g * 16, 16)]
        val = vv[pl.ds(g * 16, 16)]
        eqm = k == t_eff
        eqi = jnp.where(eqm, 1, 0)
        cum = _hs_cumsum(eqi) + ec
        sel = (k > t_eff) | (eqm & (cum <= q_w))
        acc = acc + jnp.where(sel, val, 0.0)
        return acc, ec + _tree_sum(eqi)

    facc, _ = lax.fori_loop(
        0, _NG, f_body, (jnp.zeros((16,), jnp.float32), jnp.int32(0)))
    stf[...] = facc
    pltpu.sync_copy(stf, sh_f.at[pl.ds(sid * 16, 16)])
    plsc.subcore_barrier()

    @pl.when(sid == 0)
    def _():
        pltpu.sync_copy(sh_f, rbf)
        vacc = lax.fori_loop(
            0, _NT, lambda i, a: a + rbf[pl.ds(i * 16, 16)],
            jnp.zeros((16,), jnp.float32), unroll=16)
        lanesum = vacc
        ln = _lane()
        for d in (8, 4, 2, 1):
            lanesum = lanesum + _rot16(lanesum, (ln + d) & 15)
        stf[...] = lanesum
        pltpu.sync_copy(stf, out_hbm)


@jax.jit
def kernel(model_output):
    x = model_output.reshape(_C, _ROWS, _COLS)
    keyp, vp, br = pl.pallas_call(
        _tc_dense,
        out_shape=(jax.ShapeDtypeStruct((_ROWS, 128), jnp.int32),
                   jax.ShapeDtypeStruct((_ROWS, 128), jnp.float32),
                   jax.ShapeDtypeStruct((1, 16), jnp.int32)),
    )(x)

    sc_select = functools.partial(
        pl.kernel,
        out_type=jax.ShapeDtypeStruct((16,), jnp.float32),
        mesh=plsc.VectorSubcoreMesh(
            core_axis_name="c", subcore_axis_name="s", num_cores=1),
        scratch_types=[
            pltpu.VMEM((_CH,), jnp.int32),
            pltpu.VMEM((_CH,), jnp.float32),
            pltpu.VMEM((16,), jnp.int32),
            pltpu.VMEM((_NT * 16,), jnp.int32),
            pltpu.VMEM((16,), jnp.float32),
            pltpu.VMEM((_NT * 16,), jnp.float32),
            pltpu.VMEM_SHARED((2 * _NT * 16,), jnp.int32),
            pltpu.VMEM_SHARED((_NT * 16,), jnp.float32),
        ],
    )(_sc_body)

    out = sc_select(keyp.reshape(_NPAD), vp.reshape(_NPAD),
                    br.reshape(16))
    return out[0].reshape(())

# --- scband reference (transcript-rebuilt; emitter-appended) ---
"""Pipeline reference for scband-yolov8-target-22084721836339 (READ-ONLY COPY).

The authoritative reference and input builder live on the scoring server;
editing this copy changes nothing except your own understanding.
"""

import jax, jax.numpy as jnp
import numpy as np

CONF = 0.25
RATIO = 0.1

def setup_inputs(seed: int = 0) -> dict:
    key = jax.random.key(seed)
    model_output = jax.random.normal(key, (1, 84, 20000), dtype=jnp.float32)
    return {"model_output": model_output}

def reference(model_output):
    # _normalize_output: [1, C, N] -> [C, N] -> transpose to [N, C] since C < N
    x = model_output[0]
    if x.shape[0] < x.shape[1]:
        x = x.T
    boxes_ = x[:, :4]
    logits_ = x[:, 4:]
    scores = jnp.max(logits_, axis=1)
    # torch.sort(scores, descending=True)
    order = jnp.argsort(-scores)
    post_result = logits_[order]
    pre_post_boxes = boxes_[order]
    n = x.shape[0]
    max_num = min(max(1, int(n * RATIO)), n)
    # per-row max of sorted logits == sorted scores (descending)
    top_scores = jnp.max(post_result[:max_num], axis=1)
    # break at first score < conf -> prefix mask via cumprod (faithful to the loop break)
    valid = jnp.cumprod((top_scores >= CONF).astype(jnp.float32)).astype(bool)
    # ouput_type == 'all': append score and 4 box coords per kept detection, then sum
    score_sum = jnp.sum(jnp.where(valid, top_scores, jnp.zeros_like(top_scores)))
    box_sum = jnp.sum(jnp.where(valid[:, None], pre_post_boxes[:max_num], jnp.zeros_like(pre_post_boxes[:max_num])))
    return score_sum + box_sum

if __name__ == "__main__":
    import jax
    _d = setup_inputs()
    print(jax.jit(kernel)(*tuple(_d.values())))

</pallas_src>

<mosaic_0001>
#map = affine_map<(d0, d1) -> (0)>
module attributes {stable_mosaic.version = 14 : i64} {
  func.func @_sc_body(%arg0: i32, %arg1: i32, %arg2: memref<20480xi32, #tpu.memory_space<hbm>>, %arg3: memref<20480xf32, #tpu.memory_space<hbm>>, %arg4: memref<16xi32, #tpu.memory_space<hbm>>, %arg5: memref<16xf32, #tpu.memory_space<hbm>>, %arg6: memref<1280xi32, #tpu.memory_space<vmem>>, %arg7: memref<1280xf32, #tpu.memory_space<vmem>>, %arg8: memref<16xi32, #tpu.memory_space<vmem>>, %arg9: memref<256xi32, #tpu.memory_space<vmem>>, %arg10: memref<16xf32, #tpu.memory_space<vmem>>, %arg11: memref<256xf32, #tpu.memory_space<vmem>>, %arg12: memref<512xi32, #tpu.memory_space<vmem_shared>>, %arg13: memref<256xf32, #tpu.memory_space<vmem_shared>>) attributes {dimension_semantics = [#tpu.dimension_semantics<core_parallel>, #tpu.dimension_semantics<subcore_parallel>], iteration_bounds = array<i64: 1, 16>, scalar_prefetch = 0 : i64, scratch_operands = 8 : i64, tpu.core_type = #tpu.core_type<sc_vector_subcore>, window_params = [{transform_indices = #map}, {transform_indices = #map}, {transform_indices = #map}, {transform_indices = #map}]} {
    %mul3A = arith.constant 1280 : i32
    %mul3A_0 = arith.muli %arg1, %mul3A : i32
    %iota3A = tpu.iota {dimensions = array<i32: 0>} : vector<16xi32>
    "tpu.region"() ({
      %run_scoped3A = tpu.sem_alloc : memref<!tpu.dma_semaphore, #tpu.memory_space<semaphore_mem>>
      %dma_start3A = tpu.memref_slice %arg2[%mul3A_0] : memref<20480xi32, #tpu.memory_space<hbm>> -> memref<1280xi32, #tpu.memory_space<hbm>>
      %dma_start3A_277 = tpu.memref_slice %arg2[%mul3A_0] : memref<20480xi32, #tpu.memory_space<hbm>> -> memref<1280xi32, #tpu.memory_space<hbm>>
      tpu.enqueue_dma source(%dma_start3A_277 : memref<1280xi32, #tpu.memory_space<hbm>>) target(%arg6 : memref<1280xi32, #tpu.memory_space<vmem>>) target_semaphore(%run_scoped3A : memref<!tpu.dma_semaphore, #tpu.memory_space<semaphore_mem>>)
      %dma_wait3A = tpu.memref_slice %arg2[%mul3A_0] : memref<20480xi32, #tpu.memory_space<hbm>> -> memref<1280xi32, #tpu.memory_space<hbm>>
      %dma_wait3A_278 = tpu.memref_slice %arg2[%mul3A_0] : memref<20480xi32, #tpu.memory_space<hbm>> -> memref<1280xi32, #tpu.memory_space<hbm>>
      tpu.wait_dma2 semaphore(%run_scoped3A : memref<!tpu.dma_semaphore, #tpu.memory_space<semaphore_mem>>) src(%dma_wait3A_278 : memref<1280xi32, #tpu.memory_space<hbm>>) dst(%arg6 : memref<1280xi32, #tpu.memory_space<vmem>>)
      tpu.yield
    }) : () -> ()
    "tpu.region"() ({
      %run_scoped3A = tpu.sem_alloc : memref<!tpu.dma_semaphore, #tpu.memory_space<semaphore_mem>>
      %dma_start3A = tpu.memref_slice %arg3[%mul3A_0] : memref<20480xf32, #tpu.memory_space<hbm>> -> memref<1280xf32, #tpu.memory_space<hbm>>
      %dma_start3A_277 = tpu.memref_slice %arg3[%mul3A_0] : memref<20480xf32, #tpu.memory_space<hbm>> -> memref<1280xf32, #tpu.memory_space<hbm>>
      tpu.enqueue_dma source(%dma_start3A_277 : memref<1280xf32, #tpu.memory_space<hbm>>) target(%arg7 : memref<1280xf32, #tpu.memory_space<vmem>>) target_semaphore(%run_scoped3A : memref<!tpu.dma_semaphore, #tpu.memory_space<semaphore_mem>>)
      %dma_wait3A = tpu.memref_slice %arg3[%mul3A_0] : memref<20480xf32, #tpu.memory_space<hbm>> -> memref<1280xf32, #tpu.memory_space<hbm>>
      %dma_wait3A_278 = tpu.memref_slice %arg3[%mul3A_0] : memref<20480xf32, #tpu.memory_space<hbm>> -> memref<1280xf32, #tpu.memory_space<hbm>>
      tpu.wait_dma2 semaphore(%run_scoped3A : memref<!tpu.dma_semaphore, #tpu.memory_space<semaphore_mem>>) src(%dma_wait3A_278 : memref<1280xf32, #tpu.memory_space<hbm>>) dst(%arg7 : memref<1280xf32, #tpu.memory_space<vmem>>)
      tpu.yield
    }) : () -> ()
    "tpu.region"() ({
      %run_scoped3A = tpu.sem_alloc : memref<!tpu.dma_semaphore, #tpu.memory_space<semaphore_mem>>
      tpu.enqueue_dma source(%arg4 : memref<16xi32, #tpu.memory_space<hbm>>) target(%arg8 : memref<16xi32, #tpu.memory_space<vmem>>) target_semaphore(%run_scoped3A : memref<!tpu.dma_semaphore, #tpu.memory_space<semaphore_mem>>)
      tpu.wait_dma2 semaphore(%run_scoped3A : memref<!tpu.dma_semaphore, #tpu.memory_space<semaphore_mem>>) src(%arg4 : memref<16xi32, #tpu.memory_space<hbm>>) dst(%arg8 : memref<16xi32, #tpu.memory_space<vmem>>)
      tpu.yield
    }) : () -> ()
    %get3A = arith.constant 0 : index
    %get3A_1 = tpu.vector_load %arg8[%get3A] {strides = array<i32>} : memref<16xi32, #tpu.memory_space<vmem>>, vector<16xi32>,
    %get3A_2 = vector.shape_cast %get3A_1 : vector<16xi32> to vector<16xi32>
    %slice3A = vector.extract_strided_slice %get3A_2 {offsets = [0], sizes = [1], strides = [1]} : vector<16xi32> to vector<1xi32>
    %squeeze3A = vector.extract %slice3A[0] : i32 from vector<1xi32>
    %slice3A_3 = vector.extract_strided_slice %get3A_2 {offsets = [1], sizes = [1], strides = [1]} : vector<16xi32> to vector<1xi32>
    %squeeze3A_4 = vector.extract %slice3A_3[0] : i32 from vector<1xi32>
    %slice3A_5 = vector.extract_strided_slice %get3A_2 {offsets = [2], sizes = [1], strides = [1]} : vector<16xi32> to vector<1xi32>
    %squeeze3A_6 = vector.extract %slice3A_5[0] : i32 from vector<1xi32>
    %slice3A_7 = vector.extract_strided_slice %get3A_2 {offsets = [3], sizes = [1], strides = [1]} : vector<16xi32> to vector<1xi32>
    %squeeze3A_8 = vector.extract %slice3A_7[0] : i32 from vector<1xi32>
    %gt3A = arith.constant 2000 : i32
    %gt3A_9 = arith.cmpi sgt, %squeeze3A_8, %gt3A : i32
    %scan3A = arith.constant 0 : i32
    %scan3A_10 = arith.constant 8 : i32
    %scan3A_11 = arith.addi %scan3A, %scan3A_10 : i32
    %scan3A_12 = arith.constant 1 : i32
    %scan3A_13:3 = scf.for %scan3A_277 = %scan3A to %scan3A_11 step %scan3A_12 iter_args(%scan3A_278 = %squeeze3A, %scan3A_279 = %squeeze3A_4, %scan3A_280 = %squeeze3A_6) -> (i32, i32, i32)  : i32 {
      %ge3A = arith.cmpi sge, %scan3A_278, %scan3A_279 : i32
      %and3A_281 = arith.constant 1 : i32
      %and3A_282 = arith.andi %scan3A_277, %and3A_281 : i32
      %mul3A_283 = arith.constant 256 : i32
      %mul3A_284 = arith.muli %and3A_282, %mul3A_283 : i32
      %jit3A_285 = arith.constant 0 : i32
      %jit3A_286 = arith.constant 80 : i32
      %select_n3A_287 = arith.select %ge3A, %jit3A_285, %jit3A_286 : i32
      %sub3A_288 = arith.subi %scan3A_279, %scan3A_278 : i32
      %jit3A_289 = arith.constant 17 : i32
      %div3A = arith.divsi %sub3A_288, %jit3A_289 : i32
      %sign3A = arith.constant 0 : i32
      %sign3A_290 = arith.cmpi sgt, %sub3A_288, %sign3A : i32
      %sign3A_291 = arith.extui %sign3A_290 : i1 to i32
      %sign3A_292 = arith.constant 0 : i32
      %sign3A_293 = arith.cmpi slt, %sub3A_288, %sign3A_292 : i32
      %sign3A_294 = arith.extui %sign3A_293 : i1 to i32
      %sign3A_295 = arith.subi %sign3A_291, %sign3A_294 : i32
      %sign3A_296 = arith.constant 0 : i32
      %sign3A_297 = arith.cmpi sgt, %jit3A_289, %sign3A_296 : i32
      %sign3A_298 = arith.extui %sign3A_297 : i1 to i32
      %sign3A_299 = arith.constant 0 : i32
      %sign3A_300 = arith.cmpi slt, %jit3A_289, %sign3A_299 : i32
      %sign3A_301 = arith.extui %sign3A_300 : i1 to i32
      %sign3A_302 = arith.subi %sign3A_298, %sign3A_301 : i32
      %ne3A = arith.cmpi ne, %sign3A_295, %sign3A_302 : i32
      %rem3A = arith.remsi %sub3A_288, %jit3A_289 : i32
      %ne3A_303 = arith.constant 0 : i32
      %ne3A_304 = arith.cmpi ne, %rem3A, %ne3A_303 : i32
      %and3A_305 = arith.andi %ne3A, %ne3A_304 : i1
      %sub3A_306 = arith.constant 1 : i32
      %sub3A_307 = arith.subi %div3A, %sub3A_306 : i32
      %select_n3A_308 = arith.select %and3A_305, %sub3A_307, %div3A : i32
      %mul3A_309 = arith.constant 17 : i32
      %mul3A_310 = arith.muli %mul3A_309, %select_n3A_308 : i32
      %sub3A_311 = arith.subi %sub3A_288, %mul3A_310 : i32
      %add3A_312 = arith.constant 0 : i32
      %add3A_313 = vector.broadcast %add3A_312 : i32 to vector<16xi32>
      %add3A_314 = arith.addi %iota3A, %add3A_313 : vector<16xi32>
      %and3A_315 = arith.constant 15 : i32
      %and3A_316 = vector.broadcast %and3A_315 : i32 to vector<16xi32>
      %and3A_317 = arith.andi %add3A_314, %and3A_316 : vector<16xi32>
      %add3A_318 = arith.constant 1 : i32
      %add3A_319 = vector.broadcast %add3A_318 : i32 to vector<16xi32>
      %add3A_320 = arith.addi %and3A_317, %add3A_319 : vector<16xi32>
      %mul3A_321 = vector.broadcast %select_n3A_308 : i32 to vector<16xi32>
      %mul3A_322 = arith.muli %add3A_320, %mul3A_321 : vector<16xi32>
      %mul3A_323 = vector.broadcast %sub3A_311 : i32 to vector<16xi32>
      %mul3A_324 = arith.muli %add3A_320, %mul3A_323 : vector<16xi32>
      %mul3A_325 = arith.constant 241 : i32
      %mul3A_326 = vector.broadcast %mul3A_325 : i32 to vector<16xi32>
      %mul3A_327 = arith.muli %mul3A_324, %mul3A_326 : vector<16xi32>
      %shift_right_arithmetic3A = arith.constant 12 : i32
      %shift_right_arithmetic3A_328 = vector.broadcast %shift_right_arithmetic3A : i32 to vector<16xi32>
      %shift_right_arithmetic3A_329 = arith.shrsi %mul3A_327, %shift_right_arithmetic3A_328 : vector<16xi32>
      %add3A_330 = arith.addi %mul3A_322, %shift_right_arithmetic3A_329 : vector<16xi32>
      %sub3A_331 = vector.broadcast %scan3A_279 : i32 to vector<16xi32>
      %sub3A_332 = arith.subi %sub3A_331, %add3A_330 : vector<16xi32>
      %add3A_333 = arith.constant 1 : i32
      %add3A_334 = vector.broadcast %add3A_333 : i32 to vector<16xi32>
      %add3A_335 = arith.addi %iota3A, %add3A_334 : vector<16xi32>
      %and3A_336 = arith.constant 15 : i32
      %and3A_337 = vector.broadcast %and3A_336 : i32 to vector<16xi32>
      %and3A_338 = arith.andi %add3A_335, %and3A_337 : vector<16xi32>
      %add3A_339 = arith.constant 1 : i32
      %add3A_340 = vector.broadcast %add3A_339 : i32 to vector<16xi32>
      %add3A_341 = arith.addi %and3A_338, %add3A_340 : vector<16xi32>
      %mul3A_342 = vector.broadcast %select_n3A_308 : i32 to vector<16xi32>
      %mul3A_343 = arith.muli %add3A_341, %mul3A_342 : vector<16xi32>
      %mul3A_344 = vector.broadcast %sub3A_311 : i32 to vector<16xi32>
      %mul3A_345 = arith.muli %add3A_341, %mul3A_344 : vector<16xi32>
      %mul3A_346 = arith.constant 241 : i32
      %mul3A_347 = vector.broadcast %mul3A_346 : i32 to vector<16xi32>
      %mul3A_348 = arith.muli %mul3A_345, %mul3A_347 : vector<16xi32>
      %shift_right_arithmetic3A_349 = arith.constant 12 : i32
      %shift_right_arithmetic3A_350 = vector.broadcast %shift_right_arithmetic3A_349 : i32 to vector<16xi32>
      %shift_right_arithmetic3A_351 = arith.shrsi %mul3A_348, %shift_right_arithmetic3A_350 : vector<16xi32>
      %add3A_352 = arith.addi %mul3A_343, %shift_right_arithmetic3A_351 : vector<16xi32>
      %sub3A_353 = vector.broadcast %scan3A_279 : i32 to vector<16xi32>
      %sub3A_354 = arith.subi %sub3A_353, %add3A_352 : vector<16xi32>
      %add3A_355 = arith.constant 2 : i32
      %add3A_356 = vector.broadcast %add3A_355 : i32 to vector<16xi32>
      %add3A_357 = arith.addi %iota3A, %add3A_356 : vector<16xi32>
      %and3A_358 = arith.constant 15 : i32
      %and3A_359 = vector.broadcast %and3A_358 : i32 to vector<16xi32>
      %and3A_360 = arith.andi %add3A_357, %and3A_359 : vector<16xi32>
      %add3A_361 = arith.constant 1 : i32
      %add3A_362 = vector.broadcast %add3A_361 : i32 to vector<16xi32>
      %add3A_363 = arith.addi %and3A_360, %add3A_362 : vector<16xi32>
      %mul3A_364 = vector.broadcast %select_n3A_308 : i32 to vector<16xi32>
      %mul3A_365 = arith.muli %add3A_363, %mul3A_364 : vector<16xi32>
      %mul3A_366 = vector.broadcast %sub3A_311 : i32 to vector<16xi32>
      %mul3A_367 = arith.muli %add3A_363, %mul3A_366 : vector<16xi32>
      %mul3A_368 = arith.constant 241 : i32
      %mul3A_369 = vector.broadcast %mul3A_368 : i32 to vector<16xi32>
      %mul3A_370 = arith.muli %mul3A_367, %mul3A_369 : vector<16xi32>
      %shift_right_arithmetic3A_371 = arith.constant 12 : i32
      %shift_right_arithmetic3A_372 = vector.broadcast %shift_right_arithmetic3A_371 : i32 to vector<16xi32>
      %shift_right_arithmetic3A_373 = arith.shrsi %mul3A_370, %shift_right_arithmetic3A_372 : vector<16xi32>
      %add3A_374 = arith.addi %mul3A_365, %shift_right_arithmetic3A_373 : vector<16xi32>
      %sub3A_375 = vector.broadcast %scan3A_279 : i32 to vector<16xi32>
      %sub3A_376 = arith.subi %sub3A_375, %add3A_374 : vector<16xi32>
      %add3A_377 = arith.constant 3 : i32
      %add3A_378 = vector.broadcast %add3A_377 : i32 to vector<16xi32>
      %add3A_379 = arith.addi %iota3A, %add3A_378 : vector<16xi32>
      %and3A_380 = arith.constant 15 : i32
      %and3A_381 = vector.broadcast %and3A_380 : i32 to vector<16xi32>
      %and3A_382 = arith.andi %add3A_379, %and3A_381 : vector<16xi32>
      %add3A_383 = arith.constant 1 : i32
      %add3A_384 = vector.broadcast %add3A_383 : i32 to vector<16xi32>
      %add3A_385 = arith.addi %and3A_382, %add3A_384 : vector<16xi32>
      %mul3A_386 = vector.broadcast %select_n3A_308 : i32 to vector<16xi32>
      %mul3A_387 = arith.muli %add3A_385, %mul3A_386 : vector<16xi32>
      %mul3A_388 = vector.broadcast %sub3A_311 : i32 to vector<16xi32>
      %mul3A_389 = arith.muli %add3A_385, %mul3A_388 : vector<16xi32>
      %mul3A_390 = arith.constant 241 : i32
      %mul3A_391 = vector.broadcast %mul3A_390 : i32 to vector<16xi32>
      %mul3A_392 = arith.muli %mul3A_389, %mul3A_391 : vector<16xi32>
      %shift_right_arithmetic3A_393 = arith.constant 12 : i32
      %shift_right_arithmetic3A_394 = vector.broadcast %shift_right_arithmetic3A_393 : i32 to vector<16xi32>
      %shift_right_arithmetic3A_395 = arith.shrsi %mul3A_392, %shift_right_arithmetic3A_394 : vector<16xi32>
      %add3A_396 = arith.addi %mul3A_387, %shift_right_arithmetic3A_395 : vector<16xi32>
      %sub3A_397 = vector.broadcast %scan3A_279 : i32 to vector<16xi32>
      %sub3A_398 = arith.subi %sub3A_397, %add3A_396 : vector<16xi32>
      %add3A_399 = arith.constant 4 : i32
      %add3A_400 = vector.broadcast %add3A_399 : i32 to vector<16xi32>
      %add3A_401 = arith.addi %iota3A, %add3A_400 : vector<16xi32>
      %and3A_402 = arith.constant 15 : i32
      %and3A_403 = vector.broadcast %and3A_402 : i32 to vector<16xi32>
      %and3A_404 = arith.andi %add3A_401, %and3A_403 : vector<16xi32>
      %add3A_405 = arith.constant 1 : i32
      %add3A_406 = vector.broadcast %add3A_405 : i32 to vector<16xi32>
      %add3A_407 = arith.addi %and3A_404, %add3A_406 : vector<16xi32>
      %mul3A_408 = vector.broadcast %select_n3A_308 : i32 to vector<16xi32>
      %mul3A_409 = arith.muli %add3A_407, %mul3A_408 : vector<16xi32>
      %mul3A_410 = vector.broadcast %sub3A_311 : i32 to vector<16xi32>
      %mul3A_411 = arith.muli %add3A_407, %mul3A_410 : vector<16xi32>
      %mul3A_412 = arith.constant 241 : i32
      %mul3A_413 = vector.broadcast %mul3A_412 : i32 to vector<16xi32>
      %mul3A_414 = arith.muli %mul3A_411, %mul3A_413 : vector<16xi32>
      %shift_right_arithmetic3A_415 = arith.constant 12 : i32
      %shift_right_arithmetic3A_416 = vector.broadcast %shift_right_arithmetic3A_415 : i32 to vector<16xi32>
      %shift_right_arithmetic3A_417 = arith.shrsi %mul3A_414, %shift_right_arithmetic3A_416 : vector<16xi32>
      %add3A_418 = arith.addi %mul3A_409, %shift_right_arithmetic3A_417 : vector<16xi32>
      %sub3A_419 = vector.broadcast %scan3A_279 : i32 to vector<16xi32>
      %sub3A_420 = arith.subi %sub3A_419, %add3A_418 : vector<16xi32>
      %add3A_421 = arith.constant 5 : i32
      %add3A_422 = vector.broadcast %add3A_421 : i32 to vector<16xi32>
      %add3A_423 = arith.addi %iota3A, %add3A_422 : vector<16xi32>
      %and3A_424 = arith.constant 15 : i32
      %and3A_425 = vector.broadcast %and3A_424 : i32 to vector<16xi32>
      %and3A_426 = arith.andi %add3A_423, %and3A_425 : vector<16xi32>
      %add3A_427 = arith.constant 1 : i32
      %add3A_428 = vector.broadcast %add3A_427 : i32 to vector<16xi32>
      %add3A_429 = arith.addi %and3A_426, %add3A_428 : vector<16xi32>
      %mul3A_430 = vector.broadcast %select_n3A_308 : i32 to vector<16xi32>
      %mul3A_431 = arith.muli %add3A_429, %mul3A_430 : vector<16xi32>
      %mul3A_432 = vector.broadcast %sub3A_311 : i32 to vector<16xi32>
      %mul3A_433 = arith.muli %add3A_429, %mul3A_432 : vector<16xi32>
      %mul3A_434 = arith.constant 241 : i32
      %mul3A_435 = vector.broadcast %mul3A_434 : i32 to vector<16xi32>
      %mul3A_436 = arith.muli %mul3A_433, %mul3A_435 : vector<16xi32>
      %shift_right_arithmetic3A_437 = arith.constant 12 : i32
      %shift_right_arithmetic3A_438 = vector.broadcast %shift_right_arithmetic3A_437 : i32 to vector<16xi32>
      %shift_right_arithmetic3A_439 = arith.shrsi %mul3A_436, %shift_right_arithmetic3A_438 : vector<16xi32>
      %add3A_440 = arith.addi %mul3A_431, %shift_right_arithmetic3A_439 : vector<16xi32>
      %sub3A_441 = vector.broadcast %scan3A_279 : i32 to vector<16xi32>
      %sub3A_442 = arith.subi %sub3A_441, %add3A_440 : vector<16xi32>
      %add3A_443 = arith.constant 6 : i32
      %add3A_444 = vector.broadcast %add3A_443 : i32 to vector<16xi32>
      %add3A_445 = arith.addi %iota3A, %add3A_444 : vector<16xi32>
      %and3A_446 = arith.constant 15 : i32
      %and3A_447 = vector.broadcast %and3A_446 : i32 to vector<16xi32>
      %and3A_448 = arith.andi %add3A_445, %and3A_447 : vector<16xi32>
      %add3A_449 = arith.constant 1 : i32
      %add3A_450 = vector.broadcast %add3A_449 : i32 to vector<16xi32>
      %add3A_451 = arith.addi %and3A_448, %add3A_450 : vector<16xi32>
      %mul3A_452 = vector.broadcast %select_n3A_308 : i32 to vector<16xi32>
      %mul3A_453 = arith.muli %add3A_451, %mul3A_452 : vector<16xi32>
      %mul3A_454 = vector.broadcast %sub3A_311 : i32 to vector<16xi32>
      %mul3A_455 = arith.muli %add3A_451, %mul3A_454 : vector<16xi32>
      %mul3A_456 = arith.constant 241 : i32
      %mul3A_457 = vector.broadcast %mul3A_456 : i32 to vector<16xi32>
      %mul3A_458 = arith.muli %mul3A_455, %mul3A_457 : vector<16xi32>
      %shift_right_arithmetic3A_459 = arith.constant 12 : i32
      %shift_right_arithmetic3A_460 = vector.broadcast %shift_right_arithmetic3A_459 : i32 to vector<16xi32>
      %shift_right_arithmetic3A_461 = arith.shrsi %mul3A_458, %shift_right_arithmetic3A_460 : vector<16xi32>
      %add3A_462 = arith.addi %mul3A_453, %shift_right_arithmetic3A_461 : vector<16xi32>
      %sub3A_463 = vector.broadcast %scan3A_279 : i32 to vector<16xi32>
      %sub3A_464 = arith.subi %sub3A_463, %add3A_462 : vector<16xi32>
      %add3A_465 = arith.constant 7 : i32
      %add3A_466 = vector.broadcast %add3A_465 : i32 to vector<16xi32>
      %add3A_467 = arith.addi %iota3A, %add3A_466 : vector<16xi32>
      %and3A_468 = arith.constant 15 : i32
      %and3A_469 = vector.broadcast %and3A_468 : i32 to vector<16xi32>
      %and3A_470 = arith.andi %add3A_467, %and3A_469 : vector<16xi32>
      %add3A_471 = arith.constant 1 : i32
      %add3A_472 = vector.broadcast %add3A_471 : i32 to vector<16xi32>
      %add3A_473 = arith.addi %and3A_470, %add3A_472 : vector<16xi32>
      %mul3A_474 = vector.broadcast %select_n3A_308 : i32 to vector<16xi32>
      %mul3A_475 = arith.muli %add3A_473, %mul3A_474 : vector<16xi32>
      %mul3A_476 = vector.broadcast %sub3A_311 : i32 to vector<16xi32>
      %mul3A_477 = arith.muli %add3A_473, %mul3A_476 : vector<16xi32>
      %mul3A_478 = arith.constant 241 : i32
      %mul3A_479 = vector.broadcast %mul3A_478 : i32 to vector<16xi32>
      %mul3A_480 = arith.muli %mul3A_477, %mul3A_479 : vector<16xi32>
      %shift_right_arithmetic3A_481 = arith.constant 12 : i32
      %shift_right_arithmetic3A_482 = vector.broadcast %shift_right_arithmetic3A_481 : i32 to vector<16xi32>
      %shift_right_arithmetic3A_483 = arith.shrsi %mul3A_480, %shift_right_arithmetic3A_482 : vector<16xi32>
      %add3A_484 = arith.addi %mul3A_475, %shift_right_arithmetic3A_483 : vector<16xi32>
      %sub3A_485 = vector.broadcast %scan3A_279 : i32 to vector<16xi32>
      %sub3A_486 = arith.subi %sub3A_485, %add3A_484 : vector<16xi32>
      %add3A_487 = arith.constant 8 : i32
      %add3A_488 = vector.broadcast %add3A_487 : i32 to vector<16xi32>
      %add3A_489 = arith.addi %iota3A, %add3A_488 : vector<16xi32>
      %and3A_490 = arith.constant 15 : i32
      %and3A_491 = vector.broadcast %and3A_490 : i32 to vector<16xi32>
      %and3A_492 = arith.andi %add3A_489, %and3A_491 : vector<16xi32>
      %add3A_493 = arith.constant 1 : i32
      %add3A_494 = vector.broadcast %add3A_493 : i32 to vector<16xi32>
      %add3A_495 = arith.addi %and3A_492, %add3A_494 : vector<16xi32>
      %mul3A_496 = vector.broadcast %select_n3A_308 : i32 to vector<16xi32>
      %mul3A_497 = arith.muli %add3A_495, %mul3A_496 : vector<16xi32>
      %mul3A_498 = vector.broadcast %sub3A_311 : i32 to vector<16xi32>
      %mul3A_499 = arith.muli %add3A_495, %mul3A_498 : vector<16xi32>
      %mul3A_500 = arith.constant 241 : i32
      %mul3A_501 = vector.broadcast %mul3A_500 : i32 to vector<16xi32>
      %mul3A_502 = arith.muli %mul3A_499, %mul3A_501 : vector<16xi32>
      %shift_right_arithmetic3A_503 = arith.constant 12 : i32
      %shift_right_arithmetic3A_504 = vector.broadcast %shift_right_arithmetic3A_503 : i32 to vector<16xi32>
      %shift_right_arithmetic3A_505 = arith.shrsi %mul3A_502, %shift_right_arithmetic3A_504 : vector<16xi32>
      %add3A_506 = arith.addi %mul3A_497, %shift_right_arithmetic3A_505 : vector<16xi32>
      %sub3A_507 = vector.broadcast %scan3A_279 : i32 to vector<16xi32>
      %sub3A_508 = arith.subi %sub3A_507, %add3A_506 : vector<16xi32>
      %add3A_509 = arith.constant 9 : i32
      %add3A_510 = vector.broadcast %add3A_509 : i32 to vector<16xi32>
      %add3A_511 = arith.addi %iota3A, %add3A_510 : vector<16xi32>
      %and3A_512 = arith.constant 15 : i32
      %and3A_513 = vector.broadcast %and3A_512 : i32 to vector<16xi32>
      %and3A_514 = arith.andi %add3A_511, %and3A_513 : vector<16xi32>
      %add3A_515 = arith.constant 1 : i32
      %add3A_516 = vector.broadcast %add3A_515 : i32 to vector<16xi32>
      %add3A_517 = arith.addi %and3A_514, %add3A_516 : vector<16xi32>
      %mul3A_518 = vector.broadcast %select_n3A_308 : i32 to vector<16xi32>
      %mul3A_519 = arith.muli %add3A_517, %mul3A_518 : vector<16xi32>
      %mul3A_520 = vector.broadcast %sub3A_311 : i32 to vector<16xi32>
      %mul3A_521 = arith.muli %add3A_517, %mul3A_520 : vector<16xi32>
      %mul3A_522 = arith.constant 241 : i32
      %mul3A_523 = vector.broadcast %mul3A_522 : i32 to vector<16xi32>
      %mul3A_524 = arith.muli %mul3A_521, %mul3A_523 : vector<16xi32>
      %shift_right_arithmetic3A_525 = arith.constant 12 : i32
      %shift_right_arithmetic3A_526 = vector.broadcast %shift_right_arithmetic3A_525 : i32 to vector<16xi32>
      %shift_right_arithmetic3A_527 = arith.shrsi %mul3A_524, %shift_right_arithmetic3A_526 : vector<16xi32>
      %add3A_528 = arith.addi %mul3A_519, %shift_right_arithmetic3A_527 : vector<16xi32>
      %sub3A_529 = vector.broadcast %scan3A_279 : i32 to vector<16xi32>
      %sub3A_530 = arith.subi %sub3A_529, %add3A_528 : vector<16xi32>
      %add3A_531 = arith.constant 10 : i32
      %add3A_532 = vector.broadcast %add3A_531 : i32 to vector<16xi32>
      %add3A_533 = arith.addi %iota3A, %add3A_532 : vector<16xi32>
      %and3A_534 = arith.constant 15 : i32
      %and3A_535 = vector.broadcast %and3A_534 : i32 to vector<16xi32>
      %and3A_536 = arith.andi %add3A_533, %and3A_535 : vector<16xi32>
      %add3A_537 = arith.constant 1 : i32
      %add3A_538 = vector.broadcast %add3A_537 : i32 to vector<16xi32>
      %add3A_539 = arith.addi %and3A_536, %add3A_538 : vector<16xi32>
      %mul3A_540 = vector.broadcast %select_n3A_308 : i32 to vector<16xi32>
      %mul3A_541 = arith.muli %add3A_539, %mul3A_540 : vector<16xi32>
      %mul3A_542 = vector.broadcast %sub3A_311 : i32 to vector<16xi32>
      %mul3A_543 = arith.muli %add3A_539, %mul3A_542 : vector<16xi32>
      %mul3A_544 = arith.constant 241 : i32
      %mul3A_545 = vector.broadcast %mul3A_544 : i32 to vector<16xi32>
      %mul3A_546 = arith.muli %mul3A_543, %mul3A_545 : vector<16xi32>
      %shift_right_arithmetic3A_547 = arith.constant 12 : i32
      %shift_right_arithmetic3A_548 = vector.broadcast %shift_right_arithmetic3A_547 : i32 to vector<16xi32>
      %shift_right_arithmetic3A_549 = arith.shrsi %mul3A_546, %shift_right_arithmetic3A_548 : vector<16xi32>
      %add3A_550 = arith.addi %mul3A_541, %shift_right_arithmetic3A_549 : vector<16xi32>
      %sub3A_551 = vector.broadcast %scan3A_279 : i32 to vector<16xi32>
      %sub3A_552 = arith.subi %sub3A_551, %add3A_550 : vector<16xi32>
      %add3A_553 = arith.constant 11 : i32
      %add3A_554 = vector.broadcast %add3A_553 : i32 to vector<16xi32>
      %add3A_555 = arith.addi %iota3A, %add3A_554 : vector<16xi32>
      %and3A_556 = arith.constant 15 : i32
      %and3A_557 = vector.broadcast %and3A_556 : i32 to vector<16xi32>
      %and3A_558 = arith.andi %add3A_555, %and3A_557 : vector<16xi32>
      %add3A_559 = arith.constant 1 : i32
      %add3A_560 = vector.broadcast %add3A_559 : i32 to vector<16xi32>
      %add3A_561 = arith.addi %and3A_558, %add3A_560 : vector<16xi32>
      %mul3A_562 = vector.broadcast %select_n3A_308 : i32 to vector<16xi32>
      %mul3A_563 = arith.muli %add3A_561, %mul3A_562 : vector<16xi32>
      %mul3A_564 = vector.broadcast %sub3A_311 : i32 to vector<16xi32>
      %mul3A_565 = arith.muli %add3A_561, %mul3A_564 : vector<16xi32>
      %mul3A_566 = arith.constant 241 : i32
      %mul3A_567 = vector.broadcast %mul3A_566 : i32 to vector<16xi32>
      %mul3A_568 = arith.muli %mul3A_565, %mul3A_567 : vector<16xi32>
      %shift_right_arithmetic3A_569 = arith.constant 12 : i32
      %shift_right_arithmetic3A_570 = vector.broadcast %shift_right_arithmetic3A_569 : i32 to vector<16xi32>
      %shift_right_arithmetic3A_571 = arith.shrsi %mul3A_568, %shift_right_arithmetic3A_570 : vector<16xi32>
      %add3A_572 = arith.addi %mul3A_563, %shift_right_arithmetic3A_571 : vector<16xi32>
      %sub3A_573 = vector.broadcast %scan3A_279 : i32 to vector<16xi32>
      %sub3A_574 = arith.subi %sub3A_573, %add3A_572 : vector<16xi32>
      %add3A_575 = arith.constant 12 : i32
      %add3A_576 = vector.broadcast %add3A_575 : i32 to vector<16xi32>
      %add3A_577 = arith.addi %iota3A, %add3A_576 : vector<16xi32>
      %and3A_578 = arith.constant 15 : i32
      %and3A_579 = vector.broadcast %and3A_578 : i32 to vector<16xi32>
      %and3A_580 = arith.andi %add3A_577, %and3A_579 : vector<16xi32>
      %add3A_581 = arith.constant 1 : i32
      %add3A_582 = vector.broadcast %add3A_581 : i32 to vector<16xi32>
      %add3A_583 = arith.addi %and3A_580, %add3A_582 : vector<16xi32>
      %mul3A_584 = vector.broadcast %select_n3A_308 : i32 to vector<16xi32>
      %mul3A_585 = arith.muli %add3A_583, %mul3A_584 : vector<16xi32>
      %mul3A_586 = vector.broadcast %sub3A_311 : i32 to vector<16xi32>
      %mul3A_587 = arith.muli %add3A_583, %mul3A_586 : vector<16xi32>
      %mul3A_588 = arith.constant 241 : i32
      %mul3A_589 = vector.broadcast %mul3A_588 : i32 to vector<16xi32>
      %mul3A_590 = arith.muli %mul3A_587, %mul3A_589 : vector<16xi32>
      %shift_right_arithmetic3A_591 = arith.constant 12 : i32
      %shift_right_arithmetic3A_592 = vector.broadcast %shift_right_arithmetic3A_591 : i32 to vector<16xi32>
      %shift_right_arithmetic3A_593 = arith.shrsi %mul3A_590, %shift_right_arithmetic3A_592 : vector<16xi32>
      %add3A_594 = arith.addi %mul3A_585, %shift_right_arithmetic3A_593 : vector<16xi32>
      %sub3A_595 = vector.broadcast %scan3A_279 : i32 to vector<16xi32>
      %sub3A_596 = arith.subi %sub3A_595, %add3A_594 : vector<16xi32>
      %add3A_597 = arith.constant 13 : i32
      %add3A_598 = vector.broadcast %add3A_597 : i32 to vector<16xi32>
      %add3A_599 = arith.addi %iota3A, %add3A_598 : vector<16xi32>
      %and3A_600 = arith.constant 15 : i32
      %and3A_601 = vector.broadcast %and3A_600 : i32 to vector<16xi32>
      %and3A_602 = arith.andi %add3A_599, %and3A_601 : vector<16xi32>
      %add3A_603 = arith.constant 1 : i32
      %add3A_604 = vector.broadcast %add3A_603 : i32 to vector<16xi32>
      %add3A_605 = arith.addi %and3A_602, %add3A_604 : vector<16xi32>
      %mul3A_606 = vector.broadcast %select_n3A_308 : i32 to vector<16xi32>
      %mul3A_607 = arith.muli %add3A_605, %mul3A_606 : vector<16xi32>
      %mul3A_608 = vector.broadcast %sub3A_311 : i32 to vector<16xi32>
      %mul3A_609 = arith.muli %add3A_605, %mul3A_608 : vector<16xi32>
      %mul3A_610 = arith.constant 241 : i32
      %mul3A_611 = vector.broadcast %mul3A_610 : i32 to vector<16xi32>
      %mul3A_612 = arith.muli %mul3A_609, %mul3A_611 : vector<16xi32>
      %shift_right_arithmetic3A_613 = arith.constant 12 : i32
      %shift_right_arithmetic3A_614 = vector.broadcast %shift_right_arithmetic3A_613 : i32 to vector<16xi32>
      %shift_right_arithmetic3A_615 = arith.shrsi %mul3A_612, %shift_right_arithmetic3A_614 : vector<16xi32>
      %add3A_616 = arith.addi %mul3A_607, %shift_right_arithmetic3A_615 : vector<16xi32>
      %sub3A_617 = vector.broadcast %scan3A_279 : i32 to vector<16xi32>
      %sub3A_618 = arith.subi %sub3A_617, %add3A_616 : vector<16xi32>
      %add3A_619 = arith.constant 14 : i32
      %add3A_620 = vector.broadcast %add3A_619 : i32 to vector<16xi32>
      %add3A_621 = arith.addi %iota3A, %add3A_620 : vector<16xi32>
      %and3A_622 = arith.constant 15 : i32
      %and3A_623 = vector.broadcast %and3A_622 : i32 to vector<16xi32>
      %and3A_624 = arith.andi %add3A_621, %and3A_623 : vector<16xi32>
      %add3A_625 = arith.constant 1 : i32
      %add3A_626 = vector.broadcast %add3A_625 : i32 to vector<16xi32>
      %add3A_627 = arith.addi %and3A_624, %add3A_626 : vector<16xi32>
      %mul3A_628 = vector.broadcast %select_n3A_308 : i32 to vector<16xi32>
      %mul3A_629 = arith.muli %add3A_627, %mul3A_628 : vector<16xi32>
      %mul3A_630 = vector.broadcast %sub3A_311 : i32 to vector<16xi32>
      %mul3A_631 = arith.muli %add3A_627, %mul3A_630 : vector<16xi32>
      %mul3A_632 = arith.constant 241 : i32
      %mul3A_633 = vector.broadcast %mul3A_632 : i32 to vector<16xi32>
      %mul3A_634 = arith.muli %mul3A_631, %mul3A_633 : vector<16xi32>
      %shift_right_arithmetic3A_635 = arith.constant 12 : i32
      %shift_right_arithmetic3A_636 = vector.broadcast %shift_right_arithmetic3A_635 : i32 to vector<16xi32>
      %shift_right_arithmetic3A_637 = arith.shrsi %mul3A_634, %shift_right_arithmetic3A_636 : vector<16xi32>
      %add3A_638 = arith.addi %mul3A_629, %shift_right_arithmetic3A_637 : vector<16xi32>
      %sub3A_639 = vector.broadcast %scan3A_279 : i32 to vector<16xi32>
      %sub3A_640 = arith.subi %sub3A_639, %add3A_638 : vector<16xi32>
      %add3A_641 = arith.constant 15 : i32
      %add3A_642 = vector.broadcast %add3A_641 : i32 to vector<16xi32>
      %add3A_643 = arith.addi %iota3A, %add3A_642 : vector<16xi32>
      %and3A_644 = arith.constant 15 : i32
      %and3A_645 = vector.broadcast %and3A_644 : i32 to vector<16xi32>
      %and3A_646 = arith.andi %add3A_643, %and3A_645 : vector<16xi32>
      %add3A_647 = arith.constant 1 : i32
      %add3A_648 = vector.broadcast %add3A_647 : i32 to vector<16xi32>
      %add3A_649 = arith.addi %and3A_646, %add3A_648 : vector<16xi32>
      %mul3A_650 = vector.broadcast %select_n3A_308 : i32 to vector<16xi32>
      %mul3A_651 = arith.muli %add3A_649, %mul3A_650 : vector<16xi32>
      %mul3A_652 = vector.broadcast %sub3A_311 : i32 to vector<16xi32>
      %mul3A_653 = arith.muli %add3A_649, %mul3A_652 : vector<16xi32>
      %mul3A_654 = arith.constant 241 : i32
      %mul3A_655 = vector.broadcast %mul3A_654 : i32 to vector<16xi32>
      %mul3A_656 = arith.muli %mul3A_653, %mul3A_655 : vector<16xi32>
      %shift_right_arithmetic3A_657 = arith.constant 12 : i32
      %shift_right_arithmetic3A_658 = vector.broadcast %shift_right_arithmetic3A_657 : i32 to vector<16xi32>
      %shift_right_arithmetic3A_659 = arith.shrsi %mul3A_656, %shift_right_arithmetic3A_658 : vector<16xi32>
      %add3A_660 = arith.addi %mul3A_651, %shift_right_arithmetic3A_659 : vector<16xi32>
      %sub3A_661 = vector.broadcast %scan3A_279 : i32 to vector<16xi32>
      %sub3A_662 = arith.subi %sub3A_661, %add3A_660 : vector<16xi32>
      %broadcast_in_dim3A_663 = arith.constant 0 : i32
      %broadcast_in_dim3A_664 = vector.broadcast %broadcast_in_dim3A_663 : i32 to vector<16xi32>
      %broadcast_in_dim3A_665 = arith.constant 0 : i32
      %broadcast_in_dim3A_666 = vector.broadcast %broadcast_in_dim3A_665 : i32 to vector<16xi32>
      %broadcast_in_dim3A_667 = arith.constant 0 : i32
      %broadcast_in_dim3A_668 = vector.broadcast %broadcast_in_dim3A_667 : i32 to vector<16xi32>
      %broadcast_in_dim3A_669 = arith.constant 0 : i32
      %broadcast_in_dim3A_670 = vector.broadcast %broadcast_in_dim3A_669 : i32 to vector<16xi32>
      %broadcast_in_dim3A_671 = arith.constant 0 : i32
      %broadcast_in_dim3A_672 = vector.broadcast %broadcast_in_dim3A_671 : i32 to vector<16xi32>
      %broadcast_in_dim3A_673 = arith.constant 0 : i32
      %broadcast_in_dim3A_674 = vector.broadcast %broadcast_in_dim3A_673 : i32 to vector<16xi32>
      %broadcast_in_dim3A_675 = arith.constant 0 : i32
      %broadcast_in_dim3A_676 = vector.broadcast %broadcast_in_dim3A_675 : i32 to vector<16xi32>
      %broadcast_in_dim3A_677 = arith.constant 0 : i32
      %broadcast_in_dim3A_678 = vector.broadcast %broadcast_in_dim3A_677 : i32 to vector<16xi32>
      %broadcast_in_dim3A_679 = arith.constant 0 : i32
      %broadcast_in_dim3A_680 = vector.broadcast %broadcast_in_dim3A_679 : i32 to vector<16xi32>
      %broadcast_in_dim3A_681 = arith.constant 0 : i32
      %broadcast_in_dim3A_682 = vector.broadcast %broadcast_in_dim3A_681 : i32 to vector<16xi32>
      %broadcast_in_dim3A_683 = arith.constant 0 : i32
      %broadcast_in_dim3A_684 = vector.broadcast %broadcast_in_dim3A_683 : i32 to vector<16xi32>
      %broadcast_in_dim3A_685 = arith.constant 0 : i32
      %broadcast_in_dim3A_686 = vector.broadcast %broadcast_in_dim3A_685 : i32 to vector<16xi32>
      %broadcast_in_dim3A_687 = arith.constant 0 : i32
      %broadcast_in_dim3A_688 = vector.broadcast %broadcast_in_dim3A_687 : i32 to vector<16xi32>
      %broadcast_in_dim3A_689 = arith.constant 0 : i32
      %broadcast_in_dim3A_690 = vector.broadcast %broadcast_in_dim3A_689 : i32 to vector<16xi32>
      %broadcast_in_dim3A_691 = arith.constant 0 : i32
      %broadcast_in_dim3A_692 = vector.broadcast %broadcast_in_dim3A_691 : i32 to vector<16xi32>
      %broadcast_in_dim3A_693 = arith.constant 0 : i32
      %broadcast_in_dim3A_694 = vector.broadcast %broadcast_in_dim3A_693 : i32 to vector<16xi32>
      %while3A = arith.constant 0 : i32
      %while3A_695 = arith.subi %select_n3A_287, %while3A : i32
      %while3A_696 = arith.addi %while3A, %while3A_695 : i32
      %while3A_697 = arith.constant 1 : i32
      %while3A_698 = arith.divsi %while3A_695, %while3A_697 : i32
      %while3A_699 = arith.muli %while3A_698, %while3A_697 : i32
      %while3A_700 = arith.addi %while3A, %while3A_699 : i32
      %while3A_701 = arith.constant 1 : i32
      %while3A_702:16 = scf.for %while3A_1327 = %while3A to %while3A_700 step %while3A_701 iter_args(%while3A_1328 = %broadcast_in_dim3A_664, %while3A_1329 = %broadcast_in_dim3A_666, %while3A_1330 = %broadcast_in_dim3A_668, %while3A_1331 = %broadcast_in_dim3A_670, %while3A_1332 = %broadcast_in_dim3A_672, %while3A_1333 = %broadcast_in_dim3A_674, %while3A_1334 = %broadcast_in_dim3A_676, %while3A_1335 = %broadcast_in_dim3A_678, %while3A_1336 = %broadcast_in_dim3A_680, %while3A_1337 = %broadcast_in_dim3A_682, %while3A_1338 = %broadcast_in_dim3A_684, %while3A_1339 = %broadcast_in_dim3A_686, %while3A_1340 = %broadcast_in_dim3A_688, %while3A_1341 = %broadcast_in_dim3A_690, %while3A_1342 = %broadcast_in_dim3A_692, %while3A_1343 = %broadcast_in_dim3A_694) -> (vector<16xi32>, vector<16xi32>, vector<16xi32>, vector<16xi32>, vector<16xi32>, vector<16xi32>, vector<16xi32>, vector<16xi32>, vector<16xi32>, vector<16xi32>, vector<16xi32>, vector<16xi32>, vector<16xi32>, vector<16xi32>, vector<16xi32>, vector<16xi32>)  : i32 {
        %mul3A_1344 = arith.constant 16 : i32
        %mul3A_1345 = arith.muli %while3A_1327, %mul3A_1344 : i32
        %get3A_1346 = arith.index_cast %mul3A_1345 : i32 to index
        %get3A_1347 = tpu.vector_load %arg6[%get3A_1346] {strides = array<i32>} : memref<1280xi32, #tpu.memory_space<vmem>>, vector<16xi32>,
        %get3A_1348 = vector.shape_cast %get3A_1347 : vector<16xi32> to vector<16xi32>
        %ge3A_1349 = arith.cmpi sge, %get3A_1348, %sub3A_332 : vector<16xi32>
        %jit3A_1350 = arith.constant 1 : i32
        %jit3A_1351 = arith.constant 0 : i32
        %broadcast_in_dim3A_1352 = vector.broadcast %jit3A_1350 : i32 to vector<16xi32>
        %broadcast_in_dim3A_1353 = vector.broadcast %jit3A_1351 : i32 to vector<16xi32>
        %select_n3A_1354 = arith.select %ge3A_1349, %broadcast_in_dim3A_1352, %broadcast_in_dim3A_1353 : vector<16xi1>, vector<16xi32>
        %add3A_1355 = arith.addi %while3A_1328, %select_n3A_1354 : vector<16xi32>
        %ge3A_1356 = arith.cmpi sge, %get3A_1348, %sub3A_354 : vector<16xi32>
        %jit3A_1357 = arith.constant 1 : i32
        %jit3A_1358 = arith.constant 0 : i32
        %broadcast_in_dim3A_1359 = vector.broadcast %jit3A_1357 : i32 to vector<16xi32>
        %broadcast_in_dim3A_1360 = vector.broadcast %jit3A_1358 : i32 to vector<16xi32>
        %select_n3A_1361 = arith.select %ge3A_1356, %broadcast_in_dim3A_1359, %broadcast_in_dim3A_1360 : vector<16xi1>, vector<16xi32>
        %add3A_1362 = arith.addi %while3A_1329, %select_n3A_1361 : vector<16xi32>
        %ge3A_1363 = arith.cmpi sge, %get3A_1348, %sub3A_376 : vector<16xi32>
        %jit3A_1364 = arith.constant 1 : i32
        %jit3A_1365 = arith.constant 0 : i32
        %broadcast_in_dim3A_1366 = vector.broadcast %jit3A_1364 : i32 to vector<16xi32>
        %broadcast_in_dim3A_1367 = vector.broadcast %jit3A_1365 : i32 to vector<16xi32>
        %select_n3A_1368 = arith.select %ge3A_1363, %broadcast_in_dim3A_1366, %broadcast_in_dim3A_1367 : vector<16xi1>, vector<16xi32>
        %add3A_1369 = arith.addi %while3A_1330, %select_n3A_1368 : vector<16xi32>
        %ge3A_1370 = arith.cmpi sge, %get3A_1348, %sub3A_398 : vector<16xi32>
        %jit3A_1371 = arith.constant 1 : i32
        %jit3A_1372 = arith.constant 0 : i32
        %broadcast_in_dim3A_1373 = vector.broadcast %jit3A_1371 : i32 to vector<16xi32>
        %broadcast_in_dim3A_1374 = vector.broadcast %jit3A_1372 : i32 to vector<16xi32>
        %select_n3A_1375 = arith.select %ge3A_1370, %broadcast_in_dim3A_1373, %broadcast_in_dim3A_1374 : vector<16xi1>, vector<16xi32>
        %add3A_1376 = arith.addi %while3A_1331, %select_n3A_1375 : vector<16xi32>
        %ge3A_1377 = arith.cmpi sge, %get3A_1348, %sub3A_420 : vector<16xi32>
        %jit3A_1378 = arith.constant 1 : i32
        %jit3A_1379 = arith.constant 0 : i32
        %broadcast_in_dim3A_1380 = vector.broadcast %jit3A_1378 : i32 to vector<16xi32>
        %broadcast_in_dim3A_1381 = vector.broadcast %jit3A_1379 : i32 to vector<16xi32>
        %select_n3A_1382 = arith.select %ge3A_1377, %broadcast_in_dim3A_1380, %broadcast_in_dim3A_1381 : vector<16xi1>, vector<16xi32>
        %add3A_1383 = arith.addi %while3A_1332, %select_n3A_1382 : vector<16xi32>
        %ge3A_1384 = arith.cmpi sge, %get3A_1348, %sub3A_442 : vector<16xi32>
        %jit3A_1385 = arith.constant 1 : i32
        %jit3A_1386 = arith.constant 0 : i32
        %broadcast_in_dim3A_1387 = vector.broadcast %jit3A_1385 : i32 to vector<16xi32>
        %broadcast_in_dim3A_1388 = vector.broadcast %jit3A_1386 : i32 to vector<16xi32>
        %select_n3A_1389 = arith.select %ge3A_1384, %broadcast_in_dim3A_1387, %broadcast_in_dim3A_1388 : vector<16xi1>, vector<16xi32>
        %add3A_1390 = arith.addi %while3A_1333, %select_n3A_1389 : vector<16xi32>
        %ge3A_1391 = arith.cmpi sge, %get3A_1348, %sub3A_464 : vector<16xi32>
        %jit3A_1392 = arith.constant 1 : i32
        %jit3A_1393 = arith.constant 0 : i32
        %broadcast_in_dim3A_1394 = vector.broadcast %jit3A_1392 : i32 to vector<16xi32>
        %broadcast_in_dim3A_1395 = vector.broadcast %jit3A_1393 : i32 to vector<16xi32>
        %select_n3A_1396 = arith.select %ge3A_1391, %broadcast_in_dim3A_1394, %broadcast_in_dim3A_1395 : vector<16xi1>, vector<16xi32>
        %add3A_1397 = arith.addi %while3A_1334, %select_n3A_1396 : vector<16xi32>
        %ge3A_1398 = arith.cmpi sge, %get3A_1348, %sub3A_486 : vector<16xi32>
        %jit3A_1399 = arith.constant 1 : i32
        %jit3A_1400 = arith.constant 0 : i32
        %broadcast_in_dim3A_1401 = vector.broadcast %jit3A_1399 : i32 to vector<16xi32>
        %broadcast_in_dim3A_1402 = vector.broadcast %jit3A_1400 : i32 to vector<16xi32>
        %select_n3A_1403 = arith.select %ge3A_1398, %broadcast_in_dim3A_1401, %broadcast_in_dim3A_1402 : vector<16xi1>, vector<16xi32>
        %add3A_1404 = arith.addi %while3A_1335, %select_n3A_1403 : vector<16xi32>
        %ge3A_1405 = arith.cmpi sge, %get3A_1348, %sub3A_508 : vector<16xi32>
        %jit3A_1406 = arith.constant 1 : i32
        %jit3A_1407 = arith.constant 0 : i32
        %broadcast_in_dim3A_1408 = vector.broadcast %jit3A_1406 : i32 to vector<16xi32>
        %broadcast_in_dim3A_1409 = vector.broadcast %jit3A_1407 : i32 to vector<16xi32>
        %select_n3A_1410 = arith.select %ge3A_1405, %broadcast_in_dim3A_1408, %broadcast_in_dim3A_1409 : vector<16xi1>, vector<16xi32>
        %add3A_1411 = arith.addi %while3A_1336, %select_n3A_1410 : vector<16xi32>
        %ge3A_1412 = arith.cmpi sge, %get3A_1348, %sub3A_530 : vector<16xi32>
        %jit3A_1413 = arith.constant 1 : i32
        %jit3A_1414 = arith.constant 0 : i32
        %broadcast_in_dim3A_1415 = vector.broadcast %jit3A_1413 : i32 to vector<16xi32>
        %broadcast_in_dim3A_1416 = vector.broadcast %jit3A_1414 : i32 to vector<16xi32>
        %select_n3A_1417 = arith.select %ge3A_1412, %broadcast_in_dim3A_1415, %broadcast_in_dim3A_1416 : vector<16xi1>, vector<16xi32>
        %add3A_1418 = arith.addi %while3A_1337, %select_n3A_1417 : vector<16xi32>
        %ge3A_1419 = arith.cmpi sge, %get3A_1348, %sub3A_552 : vector<16xi32>
        %jit3A_1420 = arith.constant 1 : i32
        %jit3A_1421 = arith.constant 0 : i32
        %broadcast_in_dim3A_1422 = vector.broadcast %jit3A_1420 : i32 to vector<16xi32>
        %broadcast_in_dim3A_1423 = vector.broadcast %jit3A_1421 : i32 to vector<16xi32>
        %select_n3A_1424 = arith.select %ge3A_1419, %broadcast_in_dim3A_1422, %broadcast_in_dim3A_1423 : vector<16xi1>, vector<16xi32>
        %add3A_1425 = arith.addi %while3A_1338, %select_n3A_1424 : vector<16xi32>
        %ge3A_1426 = arith.cmpi sge, %get3A_1348, %sub3A_574 : vector<16xi32>
        %jit3A_1427 = arith.constant 1 : i32
        %jit3A_1428 = arith.constant 0 : i32
        %broadcast_in_dim3A_1429 = vector.broadcast %jit3A_1427 : i32 to vector<16xi32>
        %broadcast_in_dim3A_1430 = vector.broadcast %jit3A_1428 : i32 to vector<16xi32>
        %select_n3A_1431 = arith.select %ge3A_1426, %broadcast_in_dim3A_1429, %broadcast_in_dim3A_1430 : vector<16xi1>, vector<16xi32>
        %add3A_1432 = arith.addi %while3A_1339, %select_n3A_1431 : vector<16xi32>
        %ge3A_1433 = arith.cmpi sge, %get3A_1348, %sub3A_596 : vector<16xi32>
        %jit3A_1434 = arith.constant 1 : i32
        %jit3A_1435 = arith.constant 0 : i32
        %broadcast_in_dim3A_1436 = vector.broadcast %jit3A_1434 : i32 to vector<16xi32>
        %broadcast_in_dim3A_1437 = vector.broadcast %jit3A_1435 : i32 to vector<16xi32>
        %select_n3A_1438 = arith.select %ge3A_1433, %broadcast_in_dim3A_1436, %broadcast_in_dim3A_1437 : vector<16xi1>, vector<16xi32>
        %add3A_1439 = arith.addi %while3A_1340, %select_n3A_1438 : vector<16xi32>
        %ge3A_1440 = arith.cmpi sge, %get3A_1348, %sub3A_618 : vector<16xi32>
        %jit3A_1441 = arith.constant 1 : i32
        %jit3A_1442 = arith.constant 0 : i32
        %broadcast_in_dim3A_1443 = vector.broadcast %jit3A_1441 : i32 to vector<16xi32>
        %broadcast_in_dim3A_1444 = vector.broadcast %jit3A_1442 : i32 to vector<16xi32>
        %select_n3A_1445 = arith.select %ge3A_1440, %broadcast_in_dim3A_1443, %broadcast_in_dim3A_1444 : vector<16xi1>, vector<16xi32>
        %add3A_1446 = arith.addi %while3A_1341, %select_n3A_1445 : vector<16xi32>
        %ge3A_1447 = arith.cmpi sge, %get3A_1348, %sub3A_640 : vector<16xi32>
        %jit3A_1448 = arith.constant 1 : i32
        %jit3A_1449 = arith.constant 0 : i32
        %broadcast_in_dim3A_1450 = vector.broadcast %jit3A_1448 : i32 to vector<16xi32>
        %broadcast_in_dim3A_1451 = vector.broadcast %jit3A_1449 : i32 to vector<16xi32>
        %select_n3A_1452 = arith.select %ge3A_1447, %broadcast_in_dim3A_1450, %broadcast_in_dim3A_1451 : vector<16xi1>, vector<16xi32>
        %add3A_1453 = arith.addi %while3A_1342, %select_n3A_1452 : vector<16xi32>
        %ge3A_1454 = arith.cmpi sge, %get3A_1348, %sub3A_662 : vector<16xi32>
        %jit3A_1455 = arith.constant 1 : i32
        %jit3A_1456 = arith.constant 0 : i32
        %broadcast_in_dim3A_1457 = vector.broadcast %jit3A_1455 : i32 to vector<16xi32>
        %broadcast_in_dim3A_1458 = vector.broadcast %jit3A_1456 : i32 to vector<16xi32>
        %select_n3A_1459 = arith.select %ge3A_1454, %broadcast_in_dim3A_1457, %broadcast_in_dim3A_1458 : vector<16xi1>, vector<16xi32>
        %add3A_1460 = arith.addi %while3A_1343, %select_n3A_1459 : vector<16xi32>
        scf.yield %add3A_1355, %add3A_1362, %add3A_1369, %add3A_1376, %add3A_1383, %add3A_1390, %add3A_1397, %add3A_1404, %add3A_1411, %add3A_1418, %add3A_1425, %add3A_1432, %add3A_1439, %add3A_1446, %add3A_1453, %add3A_1460 : vector<16xi32>, vector<16xi32>, vector<16xi32>, vector<16xi32>, vector<16xi32>, vector<16xi32>, vector<16xi32>, vector<16xi32>, vector<16xi32>, vector<16xi32>, vector<16xi32>, vector<16xi32>, vector<16xi32>, vector<16xi32>, vector<16xi32>, vector<16xi32>
      }
      %while3A_703 = arith.constant 1 : i32
      %while3A_704:16 = scf.for %while3A_1327 = %while3A_700 to %while3A_696 step %while3A_703 iter_args(%while3A_1328 = %while3A_702#0, %while3A_1329 = %while3A_702#1, %while3A_1330 = %while3A_702#2, %while3A_1331 = %while3A_702#3, %while3A_1332 = %while3A_702#4, %while3A_1333 = %while3A_702#5, %while3A_1334 = %while3A_702#6, %while3A_1335 = %while3A_702#7, %while3A_1336 = %while3A_702#8, %while3A_1337 = %while3A_702#9, %while3A_1338 = %while3A_702#10, %while3A_1339 = %while3A_702#11, %while3A_1340 = %while3A_702#12, %while3A_1341 = %while3A_702#13, %while3A_1342 = %while3A_702#14, %while3A_1343 = %while3A_702#15) -> (vector<16xi32>, vector<16xi32>, vector<16xi32>, vector<16xi32>, vector<16xi32>, vector<16xi32>, vector<16xi32>, vector<16xi32>, vector<16xi32>, vector<16xi32>, vector<16xi32>, vector<16xi32>, vector<16xi32>, vector<16xi32>, vector<16xi32>, vector<16xi32>)  : i32 {
        %mul3A_1344 = arith.constant 16 : i32
        %mul3A_1345 = arith.muli %while3A_1327, %mul3A_1344 : i32
        %get3A_1346 = arith.index_cast %mul3A_1345 : i32 to index
        %get3A_1347 = tpu.vector_load %arg6[%get3A_1346] {strides = array<i32>} : memref<1280xi32, #tpu.memory_space<vmem>>, vector<16xi32>,
        %get3A_1348 = vector.shape_cast %get3A_1347 : vector<16xi32> to vector<16xi32>
        %ge3A_1349 = arith.cmpi sge, %get3A_1348, %sub3A_332 : vector<16xi32>
        %jit3A_1350 = arith.constant 1 : i32
        %jit3A_1351 = arith.constant 0 : i32
        %broadcast_in_dim3A_1352 = vector.broadcast %jit3A_1350 : i32 to vector<16xi32>
        %broadcast_in_dim3A_1353 = vector.broadcast %jit3A_1351 : i32 to vector<16xi32>
        %select_n3A_1354 = arith.select %ge3A_1349, %broadcast_in_dim3A_1352, %broadcast_in_dim3A_1353 : vector<16xi1>, vector<16xi32>
        %add3A_1355 = arith.addi %while3A_1328, %select_n3A_1354 : vector<16xi32>
        %ge3A_1356 = arith.cmpi sge, %get3A_1348, %sub3A_354 : vector<16xi32>
        %jit3A_1357 = arith.constant 1 : i32
        %jit3A_1358 = arith.constant 0 : i32
        %broadcast_in_dim3A_1359 = vector.broadcast %jit3A_1357 : i32 to vector<16xi32>
        %broadcast_in_dim3A_1360 = vector.broadcast %jit3A_1358 : i32 to vector<16xi32>
        %select_n3A_1361 = arith.select %ge3A_1356, %broadcast_in_dim3A_1359, %broadcast_in_dim3A_1360 : vector<16xi1>, vector<16xi32>
        %add3A_1362 = arith.addi %while3A_1329, %select_n3A_1361 : vector<16xi32>
        %ge3A_1363 = arith.cmpi sge, %get3A_1348, %sub3A_376 : vector<16xi32>
        %jit3A_1364 = arith.constant 1 : i32
        %jit3A_1365 = arith.constant 0 : i32
        %broadcast_in_dim3A_1366 = vector.broadcast %jit3A_1364 : i32 to vector<16xi32>
        %broadcast_in_dim3A_1367 = vector.broadcast %jit3A_1365 : i32 to vector<16xi32>
        %select_n3A_1368 = arith.select %ge3A_1363, %broadcast_in_dim3A_1366, %broadcast_in_dim3A_1367 : vector<16xi1>, vector<16xi32>
        %add3A_1369 = arith.addi %while3A_1330, %select_n3A_1368 : vector<16xi32>
        %ge3A_1370 = arith.cmpi sge, %get3A_1348, %sub3A_398 : vector<16xi32>
        %jit3A_1371 = arith.constant 1 : i32
        %jit3A_1372 = arith.constant 0 : i32
        %broadcast_in_dim3A_1373 = vector.broadcast %jit3A_1371 : i32 to vector<16xi32>
        %broadcast_in_dim3A_1374 = vector.broadcast %jit3A_1372 : i32 to vector<16xi32>
        %select_n3A_1375 = arith.select %ge3A_1370, %broadcast_in_dim3A_1373, %broadcast_in_dim3A_1374 : vector<16xi1>, vector<16xi32>
        %add3A_1376 = arith.addi %while3A_1331, %select_n3A_1375 : vector<16xi32>
        %ge3A_1377 = arith.cmpi sge, %get3A_1348, %sub3A_420 : vector<16xi32>
        %jit3A_1378 = arith.constant 1 : i32
        %jit3A_1379 = arith.constant 0 : i32
        %broadcast_in_dim3A_1380 = vector.broadcast %jit3A_1378 : i32 to vector<16xi32>
        %broadcast_in_dim3A_1381 = vector.broadcast %jit3A_1379 : i32 to vector<16xi32>
        %select_n3A_1382 = arith.select %ge3A_1377, %broadcast_in_dim3A_1380, %broadcast_in_dim3A_1381 : vector<16xi1>, vector<16xi32>
        %add3A_1383 = arith.addi %while3A_1332, %select_n3A_1382 : vector<16xi32>
        %ge3A_1384 = arith.cmpi sge, %get3A_1348, %sub3A_442 : vector<16xi32>
        %jit3A_1385 = arith.constant 1 : i32
        %jit3A_1386 = arith.constant 0 : i32
        %broadcast_in_dim3A_1387 = vector.broadcast %jit3A_1385 : i32 to vector<16xi32>
        %broadcast_in_dim3A_1388 = vector.broadcast %jit3A_1386 : i32 to vector<16xi32>
        %select_n3A_1389 = arith.select %ge3A_1384, %broadcast_in_dim3A_1387, %broadcast_in_dim3A_1388 : vector<16xi1>, vector<16xi32>
        %add3A_1390 = arith.addi %while3A_1333, %select_n3A_1389 : vector<16xi32>
        %ge3A_1391 = arith.cmpi sge, %get3A_1348, %sub3A_464 : vector<16xi32>
        %jit3A_1392 = arith.constant 1 : i32
        %jit3A_1393 = arith.constant 0 : i32
        %broadcast_in_dim3A_1394 = vector.broadcast %jit3A_1392 : i32 to vector<16xi32>
        %broadcast_in_dim3A_1395 = vector.broadcast %jit3A_1393 : i32 to vector<16xi32>
        %select_n3A_1396 = arith.select %ge3A_1391, %broadcast_in_dim3A_1394, %broadcast_in_dim3A_1395 : vector<16xi1>, vector<16xi32>
        %add3A_1397 = arith.addi %while3A_1334, %select_n3A_1396 : vector<16xi32>
        %ge3A_1398 = arith.cmpi sge, %get3A_1348, %sub3A_486 : vector<16xi32>
        %jit3A_1399 = arith.constant 1 : i32
        %jit3A_1400 = arith.constant 0 : i32
        %broadcast_in_dim3A_1401 = vector.broadcast %jit3A_1399 : i32 to vector<16xi32>
        %broadcast_in_dim3A_1402 = vector.broadcast %jit3A_1400 : i32 to vector<16xi32>
        %select_n3A_1403 = arith.select %ge3A_1398, %broadcast_in_dim3A_1401, %broadcast_in_dim3A_1402 : vector<16xi1>, vector<16xi32>
        %add3A_1404 = arith.addi %while3A_1335, %select_n3A_1403 : vector<16xi32>
        %ge3A_1405 = arith.cmpi sge, %get3A_1348, %sub3A_508 : vector<16xi32>
        %jit3A_1406 = arith.constant 1 : i32
        %jit3A_1407 = arith.constant 0 : i32
        %broadcast_in_dim3A_1408 = vector.broadcast %jit3A_1406 : i32 to vector<16xi32>
        %broadcast_in_dim3A_1409 = vector.broadcast %jit3A_1407 : i32 to vector<16xi32>
        %select_n3A_1410 = arith.select %ge3A_1405, %broadcast_in_dim3A_1408, %broadcast_in_dim3A_1409 : vector<16xi1>, vector<16xi32>
        %add3A_1411 = arith.addi %while3A_1336, %select_n3A_1410 : vector<16xi32>
        %ge3A_1412 = arith.cmpi sge, %get3A_1348, %sub3A_530 : vector<16xi32>
        %jit3A_1413 = arith.constant 1 : i32
        %jit3A_1414 = arith.constant 0 : i32
        %broadcast_in_dim3A_1415 = vector.broadcast %jit3A_1413 : i32 to vector<16xi32>
        %broadcast_in_dim3A_1416 = vector.broadcast %jit3A_1414 : i32 to vector<16xi32>
        %select_n3A_1417 = arith.select %ge3A_1412, %broadcast_in_dim3A_1415, %broadcast_in_dim3A_1416 : vector<16xi1>, vector<16xi32>
        %add3A_1418 = arith.addi %while3A_1337, %select_n3A_1417 : vector<16xi32>
        %ge3A_1419 = arith.cmpi sge, %get3A_1348, %sub3A_552 : vector<16xi32>
        %jit3A_1420 = arith.constant 1 : i32
        %jit3A_1421 = arith.constant 0 : i32
        %broadcast_in_dim3A_1422 = vector.broadcast %jit3A_1420 : i32 to vector<16xi32>
        %broadcast_in_dim3A_1423 = vector.broadcast %jit3A_1421 : i32 to vector<16xi32>
        %select_n3A_1424 = arith.select %ge3A_1419, %broadcast_in_dim3A_1422, %broadcast_in_dim3A_1423 : vector<16xi1>, vector<16xi32>
        %add3A_1425 = arith.addi %while3A_1338, %select_n3A_1424 : vector<16xi32>
        %ge3A_1426 = arith.cmpi sge, %get3A_1348, %sub3A_574 : vector<16xi32>
        %jit3A_1427 = arith.constant 1 : i32
        %jit3A_1428 = arith.constant 0 : i32
        %broadcast_in_dim3A_1429 = vector.broadcast %jit3A_1427 : i32 to vector<16xi32>
        %broadcast_in_dim3A_1430 = vector.broadcast %jit3A_1428 : i32 to vector<16xi32>
        %select_n3A_1431 = arith.select %ge3A_1426, %broadcast_in_dim3A_1429, %broadcast_in_dim3A_1430 : vector<16xi1>, vector<16xi32>
        %add3A_1432 = arith.addi %while3A_1339, %select_n3A_1431 : vector<16xi32>
        %ge3A_1433 = arith.cmpi sge, %get3A_1348, %sub3A_596 : vector<16xi32>
        %jit3A_1434 = arith.constant 1 : i32
        %jit3A_1435 = arith.constant 0 : i32
        %broadcast_in_dim3A_1436 = vector.broadcast %jit3A_1434 : i32 to vector<16xi32>
        %broadcast_in_dim3A_1437 = vector.broadcast %jit3A_1435 : i32 to vector<16xi32>
        %select_n3A_1438 = arith.select %ge3A_1433, %broadcast_in_dim3A_1436, %broadcast_in_dim3A_1437 : vector<16xi1>, vector<16xi32>
        %add3A_1439 = arith.addi %while3A_1340, %select_n3A_1438 : vector<16xi32>
        %ge3A_1440 = arith.cmpi sge, %get3A_1348, %sub3A_618 : vector<16xi32>
        %jit3A_1441 = arith.constant 1 : i32
        %jit3A_1442 = arith.constant 0 : i32
        %broadcast_in_dim3A_1443 = vector.broadcast %jit3A_1441 : i32 to vector<16xi32>
        %broadcast_in_dim3A_1444 = vector.broadcast %jit3A_1442 : i32 to vector<16xi32>
        %select_n3A_1445 = arith.select %ge3A_1440, %broadcast_in_dim3A_1443, %broadcast_in_dim3A_1444 : vector<16xi1>, vector<16xi32>
        %add3A_1446 = arith.addi %while3A_1341, %select_n3A_1445 : vector<16xi32>
        %ge3A_1447 = arith.cmpi sge, %get3A_1348, %sub3A_640 : vector<16xi32>
        %jit3A_1448 = arith.constant 1 : i32
        %jit3A_1449 = arith.constant 0 : i32
        %broadcast_in_dim3A_1450 = vector.broadcast %jit3A_1448 : i32 to vector<16xi32>
        %broadcast_in_dim3A_1451 = vector.broadcast %jit3A_1449 : i32 to vector<16xi32>
        %select_n3A_1452 = arith.select %ge3A_1447, %broadcast_in_dim3A_1450, %broadcast_in_dim3A_1451 : vector<16xi1>, vector<16xi32>
        %add3A_1453 = arith.addi %while3A_1342, %select_n3A_1452 : vector<16xi32>
        %ge3A_1454 = arith.cmpi sge, %get3A_1348, %sub3A_662 : vector<16xi32>
        %jit3A_1455 = arith.constant 1 : i32
        %jit3A_1456 = arith.constant 0 : i32
        %broadcast_in_dim3A_1457 = vector.broadcast %jit3A_1455 : i32 to vector<16xi32>
        %broadcast_in_dim3A_1458 = vector.broadcast %jit3A_1456 : i32 to vector<16xi32>
        %select_n3A_1459 = arith.select %ge3A_1454, %broadcast_in_dim3A_1457, %broadcast_in_dim3A_1458 : vector<16xi1>, vector<16xi32>
        %add3A_1460 = arith.addi %while3A_1343, %select_n3A_1459 : vector<16xi32>
        scf.yield %add3A_1355, %add3A_1362, %add3A_1369, %add3A_1376, %add3A_1383, %add3A_1390, %add3A_1397, %add3A_1404, %add3A_1411, %add3A_1418, %add3A_1425, %add3A_1432, %add3A_1439, %add3A_1446, %add3A_1453, %add3A_1460 : vector<16xi32>, vector<16xi32>, vector<16xi32>, vector<16xi32>, vector<16xi32>, vector<16xi32>, vector<16xi32>, vector<16xi32>, vector<16xi32>, vector<16xi32>, vector<16xi32>, vector<16xi32>, vector<16xi32>, vector<16xi32>, vector<16xi32>, vector<16xi32>
      }
      %broadcast_in_dim3A_705 = arith.constant 0 : i32
      %broadcast_in_dim3A_706 = vector.broadcast %broadcast_in_dim3A_705 : i32 to vector<16xi32>
      %sub3A_707 = arith.constant 0 : i32
      %sub3A_708 = vector.broadcast %sub3A_707 : i32 to vector<16xi32>
      %sub3A_709 = arith.subi %iota3A, %sub3A_708 : vector<16xi32>
      %and3A_710 = arith.constant 15 : i32
      %and3A_711 = vector.broadcast %and3A_710 : i32 to vector<16xi32>
      %and3A_712 = arith.andi %sub3A_709, %and3A_711 : vector<16xi32>
      %broadcast_in_dim3A_713 = vector.shape_cast %and3A_712 : vector<16xi32> to vector<16x1xi32>
      %gather3A_714 = vector.shape_cast %broadcast_in_dim3A_713 : vector<16x1xi32> to vector<16xi32>
      %gather3A_715 = tpu.dynamic_gather %while3A_704#0[%gather3A_714] in [0] : vector<16xi32>, vector<16xi32> -> vector<16xi32>
      %add3A_716 = arith.addi %broadcast_in_dim3A_706, %gather3A_715 : vector<16xi32>
      %sub3A_717 = arith.constant 1 : i32
      %sub3A_718 = vector.broadcast %sub3A_717 : i32 to vector<16xi32>
      %sub3A_719 = arith.subi %iota3A, %sub3A_718 : vector<16xi32>
      %and3A_720 = arith.constant 15 : i32
      %and3A_721 = vector.broadcast %and3A_720 : i32 to vector<16xi32>
      %and3A_722 = arith.andi %sub3A_719, %and3A_721 : vector<16xi32>
      %broadcast_in_dim3A_723 = vector.shape_cast %and3A_722 : vector<16xi32> to vector<16x1xi32>
      %gather3A_724 = vector.shape_cast %broadcast_in_dim3A_723 : vector<16x1xi32> to vector<16xi32>
      %gather3A_725 = tpu.dynamic_gather %while3A_704#1[%gather3A_724] in [0] : vector<16xi32>, vector<16xi32> -> vector<16xi32>
      %add3A_726 = arith.addi %add3A_716, %gather3A_725 : vector<16xi32>
      %sub3A_727 = arith.constant 2 : i32
      %sub3A_728 = vector.broadcast %sub3A_727 : i32 to vector<16xi32>
      %sub3A_729 = arith.subi %iota3A, %sub3A_728 : vector<16xi32>
      %and3A_730 = arith.constant 15 : i32
      %and3A_731 = vector.broadcast %and3A_730 : i32 to vector<16xi32>
      %and3A_732 = arith.andi %sub3A_729, %and3A_731 : vector<16xi32>
      %broadcast_in_dim3A_733 = vector.shape_cast %and3A_732 : vector<16xi32> to vector<16x1xi32>
      %gather3A_734 = vector.shape_cast %broadcast_in_dim3A_733 : vector<16x1xi32> to vector<16xi32>
      %gather3A_735 = tpu.dynamic_gather %while3A_704#2[%gather3A_734] in [0] : vector<16xi32>, vector<16xi32> -> vector<16xi32>
      %add3A_736 = arith.addi %add3A_726, %gather3A_735 : vector<16xi32>
      %sub3A_737 = arith.constant 3 : i32
      %sub3A_738 = vector.broadcast %sub3A_737 : i32 to vector<16xi32>
      %sub3A_739 = arith.subi %iota3A, %sub3A_738 : vector<16xi32>
      %and3A_740 = arith.constant 15 : i32
      %and3A_741 = vector.broadcast %and3A_740 : i32 to vector<16xi32>
      %and3A_742 = arith.andi %sub3A_739, %and3A_741 : vector<16xi32>
      %broadcast_in_dim3A_743 = vector.shape_cast %and3A_742 : vector<16xi32> to vector<16x1xi32>
      %gather3A_744 = vector.shape_cast %broadcast_in_dim3A_743 : vector<16x1xi32> to vector<16xi32>
      %gather3A_745 = tpu.dynamic_gather %while3A_704#3[%gather3A_744] in [0] : vector<16xi32>, vector<16xi32> -> vector<16xi32>
      %add3A_746 = arith.addi %add3A_736, %gather3A_745 : vector<16xi32>
      %sub3A_747 = arith.constant 4 : i32
      %sub3A_748 = vector.broadcast %sub3A_747 : i32 to vector<16xi32>
      %sub3A_749 = arith.subi %iota3A, %sub3A_748 : vector<16xi32>
      %and3A_750 = arith.constant 15 : i32
      %and3A_751 = vector.broadcast %and3A_750 : i32 to vector<16xi32>
      %and3A_752 = arith.andi %sub3A_749, %and3A_751 : vector<16xi32>
      %broadcast_in_dim3A_753 = vector.shape_cast %and3A_752 : vector<16xi32> to vector<16x1xi32>
      %gather3A_754 = vector.shape_cast %broadcast_in_dim3A_753 : vector<16x1xi32> to vector<16xi32>
      %gather3A_755 = tpu.dynamic_gather %while3A_704#4[%gather3A_754] in [0] : vector<16xi32>, vector<16xi32> -> vector<16xi32>
      %add3A_756 = arith.addi %add3A_746, %gather3A_755 : vector<16xi32>
      %sub3A_757 = arith.constant 5 : i32
      %sub3A_758 = vector.broadcast %sub3A_757 : i32 to vector<16xi32>
      %sub3A_759 = arith.subi %iota3A, %sub3A_758 : vector<16xi32>
      %and3A_760 = arith.constant 15 : i32
      %and3A_761 = vector.broadcast %and3A_760 : i32 to vector<16xi32>
      %and3A_762 = arith.andi %sub3A_759, %and3A_761 : vector<16xi32>
      %broadcast_in_dim3A_763 = vector.shape_cast %and3A_762 : vector<16xi32> to vector<16x1xi32>
      %gather3A_764 = vector.shape_cast %broadcast_in_dim3A_763 : vector<16x1xi32> to vector<16xi32>
      %gather3A_765 = tpu.dynamic_gather %while3A_704#5[%gather3A_764] in [0] : vector<16xi32>, vector<16xi32> -> vector<16xi32>
      %add3A_766 = arith.addi %add3A_756, %gather3A_765 : vector<16xi32>
      %sub3A_767 = arith.constant 6 : i32
      %sub3A_768 = vector.broadcast %sub3A_767 : i32 to vector<16xi32>
      %sub3A_769 = arith.subi %iota3A, %sub3A_768 : vector<16xi32>
      %and3A_770 = arith.constant 15 : i32
      %and3A_771 = vector.broadcast %and3A_770 : i32 to vector<16xi32>
      %and3A_772 = arith.andi %sub3A_769, %and3A_771 : vector<16xi32>
      %broadcast_in_dim3A_773 = vector.shape_cast %and3A_772 : vector<16xi32> to vector<16x1xi32>
      %gather3A_774 = vector.shape_cast %broadcast_in_dim3A_773 : vector<16x1xi32> to vector<16xi32>
      %gather3A_775 = tpu.dynamic_gather %while3A_704#6[%gather3A_774] in [0] : vector<16xi32>, vector<16xi32> -> vector<16xi32>
      %add3A_776 = arith.addi %add3A_766, %gather3A_775 : vector<16xi32>
      %sub3A_777 = arith.constant 7 : i32
      %sub3A_778 = vector.broadcast %sub3A_777 : i32 to vector<16xi32>
      %sub3A_779 = arith.subi %iota3A, %sub3A_778 : vector<16xi32>
      %and3A_780 = arith.constant 15 : i32
      %and3A_781 = vector.broadcast %and3A_780 : i32 to vector<16xi32>
      %and3A_782 = arith.andi %sub3A_779, %and3A_781 : vector<16xi32>
      %broadcast_in_dim3A_783 = vector.shape_cast %and3A_782 : vector<16xi32> to vector<16x1xi32>
      %gather3A_784 = vector.shape_cast %broadcast_in_dim3A_783 : vector<16x1xi32> to vector<16xi32>
      %gather3A_785 = tpu.dynamic_gather %while3A_704#7[%gather3A_784] in [0] : vector<16xi32>, vector<16xi32> -> vector<16xi32>
      %add3A_786 = arith.addi %add3A_776, %gather3A_785 : vector<16xi32>
      %sub3A_787 = arith.constant 8 : i32
      %sub3A_788 = vector.broadcast %sub3A_787 : i32 to vector<16xi32>
      %sub3A_789 = arith.subi %iota3A, %sub3A_788 : vector<16xi32>
      %and3A_790 = arith.constant 15 : i32
      %and3A_791 = vector.broadcast %and3A_790 : i32 to vector<16xi32>
      %and3A_792 = arith.andi %sub3A_789, %and3A_791 : vector<16xi32>
      %broadcast_in_dim3A_793 = vector.shape_cast %and3A_792 : vector<16xi32> to vector<16x1xi32>
      %gather3A_794 = vector.shape_cast %broadcast_in_dim3A_793 : vector<16x1xi32> to vector<16xi32>
      %gather3A_795 = tpu.dynamic_gather %while3A_704#8[%gather3A_794] in [0] : vector<16xi32>, vector<16xi32> -> vector<16xi32>
      %add3A_796 = arith.addi %add3A_786, %gather3A_795 : vector<16xi32>
      %sub3A_797 = arith.constant 9 : i32
      %sub3A_798 = vector.broadcast %sub3A_797 : i32 to vector<16xi32>
      %sub3A_799 = arith.subi %iota3A, %sub3A_798 : vector<16xi32>
      %and3A_800 = arith.constant 15 : i32
      %and3A_801 = vector.broadcast %and3A_800 : i32 to vector<16xi32>
      %and3A_802 = arith.andi %sub3A_799, %and3A_801 : vector<16xi32>
      %broadcast_in_dim3A_803 = vector.shape_cast %and3A_802 : vector<16xi32> to vector<16x1xi32>
      %gather3A_804 = vector.shape_cast %broadcast_in_dim3A_803 : vector<16x1xi32> to vector<16xi32>
      %gather3A_805 = tpu.dynamic_gather %while3A_704#9[%gather3A_804] in [0] : vector<16xi32>, vector<16xi32> -> vector<16xi32>
      %add3A_806 = arith.addi %add3A_796, %gather3A_805 : vector<16xi32>
      %sub3A_807 = arith.constant 10 : i32
      %sub3A_808 = vector.broadcast %sub3A_807 : i32 to vector<16xi32>
      %sub3A_809 = arith.subi %iota3A, %sub3A_808 : vector<16xi32>
      %and3A_810 = arith.constant 15 : i32
      %and3A_811 = vector.broadcast %and3A_810 : i32 to vector<16xi32>
      %and3A_812 = arith.andi %sub3A_809, %and3A_811 : vector<16xi32>
      %broadcast_in_dim3A_813 = vector.shape_cast %and3A_812 : vector<16xi32> to vector<16x1xi32>
      %gather3A_814 = vector.shape_cast %broadcast_in_dim3A_813 : vector<16x1xi32> to vector<16xi32>
      %gather3A_815 = tpu.dynamic_gather %while3A_704#10[%gather3A_814] in [0] : vector<16xi32>, vector<16xi32> -> vector<16xi32>
      %add3A_816 = arith.addi %add3A_806, %gather3A_815 : vector<16xi32>
      %sub3A_817 = arith.constant 11 : i32
      %sub3A_818 = vector.broadcast %sub3A_817 : i32 to vector<16xi32>
      %sub3A_819 = arith.subi %iota3A, %sub3A_818 : vector<16xi32>
      %and3A_820 = arith.constant 15 : i32
      %and3A_821 = vector.broadcast %and3A_820 : i32 to vector<16xi32>
      %and3A_822 = arith.andi %sub3A_819, %and3A_821 : vector<16xi32>
      %broadcast_in_dim3A_823 = vector.shape_cast %and3A_822 : vector<16xi32> to vector<16x1xi32>
      %gather3A_824 = vector.shape_cast %broadcast_in_dim3A_823 : vector<16x1xi32> to vector<16xi32>
      %gather3A_825 = tpu.dynamic_gather %while3A_704#11[%gather3A_824] in [0] : vector<16xi32>, vector<16xi32> -> vector<16xi32>
      %add3A_826 = arith.addi %add3A_816, %gather3A_825 : vector<16xi32>
      %sub3A_827 = arith.constant 12 : i32
      %sub3A_828 = vector.broadcast %sub3A_827 : i32 to vector<16xi32>
      %sub3A_829 = arith.subi %iota3A, %sub3A_828 : vector<16xi32>
      %and3A_830 = arith.constant 15 : i32
      %and3A_831 = vector.broadcast %and3A_830 : i32 to vector<16xi32>
      %and3A_832 = arith.andi %sub3A_829, %and3A_831 : vector<16xi32>
      %broadcast_in_dim3A_833 = vector.shape_cast %and3A_832 : vector<16xi32> to vector<16x1xi32>
      %gather3A_834 = vector.shape_cast %broadcast_in_dim3A_833 : vector<16x1xi32> to vector<16xi32>
      %gather3A_835 = tpu.dynamic_gather %while3A_704#12[%gather3A_834] in [0] : vector<16xi32>, vector<16xi32> -> vector<16xi32>
      %add3A_836 = arith.addi %add3A_826, %gather3A_835 : vector<16xi32>
      %sub3A_837 = arith.constant 13 : i32
      %sub3A_838 = vector.broadcast %sub3A_837 : i32 to vector<16xi32>
      %sub3A_839 = arith.subi %iota3A, %sub3A_838 : vector<16xi32>
      %and3A_840 = arith.constant 15 : i32
      %and3A_841 = vector.broadcast %and3A_840 : i32 to vector<16xi32>
      %and3A_842 = arith.andi %sub3A_839, %and3A_841 : vector<16xi32>
      %broadcast_in_dim3A_843 = vector.shape_cast %and3A_842 : vector<16xi32> to vector<16x1xi32>
      %gather3A_844 = vector.shape_cast %broadcast_in_dim3A_843 : vector<16x1xi32> to vector<16xi32>
      %gather3A_845 = tpu.dynamic_gather %while3A_704#13[%gather3A_844] in [0] : vector<16xi32>, vector<16xi32> -> vector<16xi32>
      %add3A_846 = arith.addi %add3A_836, %gather3A_845 : vector<16xi32>
      %sub3A_847 = arith.constant 14 : i32
      %sub3A_848 = vector.broadcast %sub3A_847 : i32 to vector<16xi32>
      %sub3A_849 = arith.subi %iota3A, %sub3A_848 : vector<16xi32>
      %and3A_850 = arith.constant 15 : i32
      %and3A_851 = vector.broadcast %and3A_850 : i32 to vector<16xi32>
      %and3A_852 = arith.andi %sub3A_849, %and3A_851 : vector<16xi32>
      %broadcast_in_dim3A_853 = vector.shape_cast %and3A_852 : vector<16xi32> to vector<16x1xi32>
      %gather3A_854 = vector.shape_cast %broadcast_in_dim3A_853 : vector<16x1xi32> to vector<16xi32>
      %gather3A_855 = tpu.dynamic_gather %while3A_704#14[%gather3A_854] in [0] : vector<16xi32>, vector<16xi32> -> vector<16xi32>
      %add3A_856 = arith.addi %add3A_846, %gather3A_855 : vector<16xi32>
      %sub3A_857 = arith.constant 15 : i32
      %sub3A_858 = vector.broadcast %sub3A_857 : i32 to vector<16xi32>
      %sub3A_859 = arith.subi %iota3A, %sub3A_858 : vector<16xi32>
      %and3A_860 = arith.constant 15 : i32
      %and3A_861 = vector.broadcast %and3A_860 : i32 to vector<16xi32>
      %and3A_862 = arith.andi %sub3A_859, %and3A_861 : vector<16xi32>
      %broadcast_in_dim3A_863 = vector.shape_cast %and3A_862 : vector<16xi32> to vector<16x1xi32>
      %gather3A_864 = vector.shape_cast %broadcast_in_dim3A_863 : vector<16x1xi32> to vector<16xi32>
      %gather3A_865 = tpu.dynamic_gather %while3A_704#15[%gather3A_864] in [0] : vector<16xi32>, vector<16xi32> -> vector<16xi32>
      %add3A_866 = arith.addi %add3A_856, %gather3A_865 : vector<16xi32>
      %swap3A_867 = arith.constant 0 : index
      %swap3A_868 = tpu.vector_load %arg8[%swap3A_867] {strides = array<i32>} : memref<16xi32, #tpu.memory_space<vmem>>, vector<16xi32>,
      %swap3A_869 = vector.shape_cast %swap3A_868 : vector<16xi32> to vector<16xi32>
      %swap3A_870 = vector.shape_cast %add3A_866 : vector<16xi32> to vector<16xi32>
      tpu.vector_store %arg8[%swap3A_867], %swap3A_870 {strides = array<i32>} : memref<16xi32, #tpu.memory_space<vmem>>, vector<16xi32>,
      %mul3A_871 = arith.constant 16 : i32
      %mul3A_872 = arith.muli %arg1, %mul3A_871 : i32
      %add3A_873 = arith.addi %mul3A_284, %mul3A_872 : i32
      "tpu.region"() ({
        %run_scoped3A = tpu.sem_alloc : memref<!tpu.dma_semaphore, #tpu.memory_space<semaphore_mem>>
        %dma_start3A = tpu.memref_slice %arg12[%add3A_873] : memref<512xi32, #tpu.memory_space<vmem_shared>> -> memref<16xi32, #tpu.memory_space<vmem_shared>>
        %dma_start3A_1327 = tpu.memref_slice %arg12[%add3A_873] : memref<512xi32, #tpu.memory_space<vmem_shared>> -> memref<16xi32, #tpu.memory_space<vmem_shared>>
        tpu.enqueue_dma source(%arg8 : memref<16xi32, #tpu.memory_space<vmem>>) target(%dma_start3A_1327 : memref<16xi32, #tpu.memory_space<vmem_shared>>) target_semaphore(%run_scoped3A : memref<!tpu.dma_semaphore, #tpu.memory_space<semaphore_mem>>)
        %dma_wait3A = tpu.memref_slice %arg12[%add3A_873] : memref<512xi32, #tpu.memory_space<vmem_shared>> -> memref<16xi32, #tpu.memory_space<vmem_shared>>
        %dma_wait3A_1328 = tpu.memref_slice %arg12[%add3A_873] : memref<512xi32, #tpu.memory_space<vmem_shared>> -> memref<16xi32, #tpu.memory_space<vmem_shared>>
        tpu.wait_dma2 semaphore(%run_scoped3A : memref<!tpu.dma_semaphore, #tpu.memory_space<semaphore_mem>>) src(%arg8 : memref<16xi32, #tpu.memory_space<vmem>>) dst(%dma_wait3A_1328 : memref<16xi32, #tpu.memory_space<vmem_shared>>)
        tpu.yield
      }) : () -> ()
      %barrier3A_874 = arith.constant 0 : index
      tpu.barrier barrier_id(%barrier3A_874)
      "tpu.region"() ({
        %run_scoped3A = tpu.sem_alloc : memref<!tpu.dma_semaphore, #tpu.memory_space<semaphore_mem>>
        %dma_start3A = tpu.memref_slice %arg12[%mul3A_284] : memref<512xi32, #tpu.memory_space<vmem_shared>> -> memref<256xi32, #tpu.memory_space<vmem_shared>>
        %dma_start3A_1327 = tpu.memref_slice %arg12[%mul3A_284] : memref<512xi32, #tpu.memory_space<vmem_shared>> -> memref<256xi32, #tpu.memory_space<vmem_shared>>
        tpu.enqueue_dma source(%dma_start3A_1327 : memref<256xi32, #tpu.memory_space<vmem_shared>>) target(%arg9 : memref<256xi32, #tpu.memory_space<vmem>>) target_semaphore(%run_scoped3A : memref<!tpu.dma_semaphore, #tpu.memory_space<semaphore_mem>>)
        %dma_wait3A = tpu.memref_slice %arg12[%mul3A_284] : memref<512xi32, #tpu.memory_space<vmem_shared>> -> memref<256xi32, #tpu.memory_space<vmem_shared>>
        %dma_wait3A_1328 = tpu.memref_slice %arg12[%mul3A_284] : memref<512xi32, #tpu.memory_space<vmem_shared>> -> memref<256xi32, #tpu.memory_space<vmem_shared>>
        tpu.wait_dma2 semaphore(%run_scoped3A : memref<!tpu.dma_semaphore, #tpu.memory_space<semaphore_mem>>) src(%dma_wait3A_1328 : memref<256xi32, #tpu.memory_space<vmem_shared>>) dst(%arg9 : memref<256xi32, #tpu.memory_space<vmem>>)
        tpu.yield
      }) : () -> ()
      %broadcast_in_dim3A_875 = arith.constant 0 : i32
      %broadcast_in_dim3A_876 = vector.broadcast %broadcast_in_dim3A_875 : i32 to vector<16xi32>
      %scan3A_877 = arith.constant 0 : i32
      %mul3A_878 = arith.constant 16 : i32
      %mul3A_879 = arith.muli %scan3A_877, %mul3A_878 : i32
      %get3A_880 = arith.index_cast %mul3A_879 : i32 to index
      %get3A_881 = tpu.vector_load %arg9[%get3A_880] {strides = array<i32>} : memref<256xi32, #tpu.memory_space<vmem>>, vector<16xi32>,
      %get3A_882 = vector.shape_cast %get3A_881 : vector<16xi32> to vector<16xi32>
      %add3A_883 = arith.addi %broadcast_in_dim3A_876, %get3A_882 : vector<16xi32>
      %scan3A_884 = arith.constant 1 : i32
      %mul3A_885 = arith.constant 16 : i32
      %mul3A_886 = arith.muli %scan3A_884, %mul3A_885 : i32
      %get3A_887 = arith.index_cast %mul3A_886 : i32 to index
      %get3A_888 = tpu.vector_load %arg9[%get3A_887] {strides = array<i32>} : memref<256xi32, #tpu.memory_space<vmem>>, vector<16xi32>,
      %get3A_889 = vector.shape_cast %get3A_888 : vector<16xi32> to vector<16xi32>
      %add3A_890 = arith.addi %add3A_883, %get3A_889 : vector<16xi32>
      %scan3A_891 = arith.constant 2 : i32
      %mul3A_892 = arith.constant 16 : i32
      %mul3A_893 = arith.muli %scan3A_891, %mul3A_892 : i32
      %get3A_894 = arith.index_cast %mul3A_893 : i32 to index
      %get3A_895 = tpu.vector_load %arg9[%get3A_894] {strides = array<i32>} : memref<256xi32, #tpu.memory_space<vmem>>, vector<16xi32>,
      %get3A_896 = vector.shape_cast %get3A_895 : vector<16xi32> to vector<16xi32>
      %add3A_897 = arith.addi %add3A_890, %get3A_896 : vector<16xi32>
      %scan3A_898 = arith.constant 3 : i32
      %mul3A_899 = arith.constant 16 : i32
      %mul3A_900 = arith.muli %scan3A_898, %mul3A_899 : i32
      %get3A_901 = arith.index_cast %mul3A_900 : i32 to index
      %get3A_902 = tpu.vector_load %arg9[%get3A_901] {strides = array<i32>} : memref<256xi32, #tpu.memory_space<vmem>>, vector<16xi32>,
      %get3A_903 = vector.shape_cast %get3A_902 : vector<16xi32> to vector<16xi32>
      %add3A_904 = arith.addi %add3A_897, %get3A_903 : vector<16xi32>
      %scan3A_905 = arith.constant 4 : i32
      %mul3A_906 = arith.constant 16 : i32
      %mul3A_907 = arith.muli %scan3A_905, %mul3A_906 : i32
      %get3A_908 = arith.index_cast %mul3A_907 : i32 to index
      %get3A_909 = tpu.vector_load %arg9[%get3A_908] {strides = array<i32>} : memref<256xi32, #tpu.memory_space<vmem>>, vector<16xi32>,
      %get3A_910 = vector.shape_cast %get3A_909 : vector<16xi32> to vector<16xi32>
      %add3A_911 = arith.addi %add3A_904, %get3A_910 : vector<16xi32>
      %scan3A_912 = arith.constant 5 : i32
      %mul3A_913 = arith.constant 16 : i32
      %mul3A_914 = arith.muli %scan3A_912, %mul3A_913 : i32
      %get3A_915 = arith.index_cast %mul3A_914 : i32 to index
      %get3A_916 = tpu.vector_load %arg9[%get3A_915] {strides = array<i32>} : memref<256xi32, #tpu.memory_space<vmem>>, vector<16xi32>,
      %get3A_917 = vector.shape_cast %get3A_916 : vector<16xi32> to vector<16xi32>
      %add3A_918 = arith.addi %add3A_911, %get3A_917 : vector<16xi32>
      %scan3A_919 = arith.constant 6 : i32
      %mul3A_920 = arith.constant 16 : i32
      %mul3A_921 = arith.muli %scan3A_919, %mul3A_920 : i32
      %get3A_922 = arith.index_cast %mul3A_921 : i32 to index
      %get3A_923 = tpu.vector_load %arg9[%get3A_922] {strides = array<i32>} : memref<256xi32, #tpu.memory_space<vmem>>, vector<16xi32>,
      %get3A_924 = vector.shape_cast %get3A_923 : vector<16xi32> to vector<16xi32>
      %add3A_925 = arith.addi %add3A_918, %get3A_924 : vector<16xi32>
      %scan3A_926 = arith.constant 7 : i32
      %mul3A_927 = arith.constant 16 : i32
      %mul3A_928 = arith.muli %scan3A_926, %mul3A_927 : i32
      %get3A_929 = arith.index_cast %mul3A_928 : i32 to index
      %get3A_930 = tpu.vector_load %arg9[%get3A_929] {strides = array<i32>} : memref<256xi32, #tpu.memory_space<vmem>>, vector<16xi32>,
      %get3A_931 = vector.shape_cast %get3A_930 : vector<16xi32> to vector<16xi32>
      %add3A_932 = arith.addi %add3A_925, %get3A_931 : vector<16xi32>
      %scan3A_933 = arith.constant 8 : i32
      %mul3A_934 = arith.constant 16 : i32
      %mul3A_935 = arith.muli %scan3A_933, %mul3A_934 : i32
      %get3A_936 = arith.index_cast %mul3A_935 : i32 to index
      %get3A_937 = tpu.vector_load %arg9[%get3A_936] {strides = array<i32>} : memref<256xi32, #tpu.memory_space<vmem>>, vector<16xi32>,
      %get3A_938 = vector.shape_cast %get3A_937 : vector<16xi32> to vector<16xi32>
      %add3A_939 = arith.addi %add3A_932, %get3A_938 : vector<16xi32>
      %scan3A_940 = arith.constant 9 : i32
      %mul3A_941 = arith.constant 16 : i32
      %mul3A_942 = arith.muli %scan3A_940, %mul3A_941 : i32
      %get3A_943 = arith.index_cast %mul3A_942 : i32 to index
      %get3A_944 = tpu.vector_load %arg9[%get3A_943] {strides = array<i32>} : memref<256xi32, #tpu.memory_space<vmem>>, vector<16xi32>,
      %get3A_945 = vector.shape_cast %get3A_944 : vector<16xi32> to vector<16xi32>
      %add3A_946 = arith.addi %add3A_939, %get3A_945 : vector<16xi32>
      %scan3A_947 = arith.constant 10 : i32
      %mul3A_948 = arith.constant 16 : i32
      %mul3A_949 = arith.muli %scan3A_947, %mul3A_948 : i32
      %get3A_950 = arith.index_cast %mul3A_949 : i32 to index
      %get3A_951 = tpu.vector_load %arg9[%get3A_950] {strides = array<i32>} : memref<256xi32, #tpu.memory_space<vmem>>, vector<16xi32>,
      %get3A_952 = vector.shape_cast %get3A_951 : vector<16xi32> to vector<16xi32>
      %add3A_953 = arith.addi %add3A_946, %get3A_952 : vector<16xi32>
      %scan3A_954 = arith.constant 11 : i32
      %mul3A_955 = arith.constant 16 : i32
      %mul3A_956 = arith.muli %scan3A_954, %mul3A_955 : i32
      %get3A_957 = arith.index_cast %mul3A_956 : i32 to index
      %get3A_958 = tpu.vector_load %arg9[%get3A_957] {strides = array<i32>} : memref<256xi32, #tpu.memory_space<vmem>>, vector<16xi32>,
      %get3A_959 = vector.shape_cast %get3A_958 : vector<16xi32> to vector<16xi32>
      %add3A_960 = arith.addi %add3A_953, %get3A_959 : vector<16xi32>
      %scan3A_961 = arith.constant 12 : i32
      %mul3A_962 = arith.constant 16 : i32
      %mul3A_963 = arith.muli %scan3A_961, %mul3A_962 : i32
      %get3A_964 = arith.index_cast %mul3A_963 : i32 to index
      %get3A_965 = tpu.vector_load %arg9[%get3A_964] {strides = array<i32>} : memref<256xi32, #tpu.memory_space<vmem>>, vector<16xi32>,
      %get3A_966 = vector.shape_cast %get3A_965 : vector<16xi32> to vector<16xi32>
      %add3A_967 = arith.addi %add3A_960, %get3A_966 : vector<16xi32>
      %scan3A_968 = arith.constant 13 : i32
      %mul3A_969 = arith.constant 16 : i32
      %mul3A_970 = arith.muli %scan3A_968, %mul3A_969 : i32
      %get3A_971 = arith.index_cast %mul3A_970 : i32 to index
      %get3A_972 = tpu.vector_load %arg9[%get3A_971] {strides = array<i32>} : memref<256xi32, #tpu.memory_space<vmem>>, vector<16xi32>,
      %get3A_973 = vector.shape_cast %get3A_972 : vector<16xi32> to vector<16xi32>
      %add3A_974 = arith.addi %add3A_967, %get3A_973 : vector<16xi32>
      %scan3A_975 = arith.constant 14 : i32
      %mul3A_976 = arith.constant 16 : i32
      %mul3A_977 = arith.muli %scan3A_975, %mul3A_976 : i32
      %get3A_978 = arith.index_cast %mul3A_977 : i32 to index
      %get3A_979 = tpu.vector_load %arg9[%get3A_978] {strides = array<i32>} : memref<256xi32, #tpu.memory_space<vmem>>, vector<16xi32>,
      %get3A_980 = vector.shape_cast %get3A_979 : vector<16xi32> to vector<16xi32>
      %add3A_981 = arith.addi %add3A_974, %get3A_980 : vector<16xi32>
      %scan3A_982 = arith.constant 15 : i32
      %mul3A_983 = arith.constant 16 : i32
      %mul3A_984 = arith.muli %scan3A_982, %mul3A_983 : i32
      %get3A_985 = arith.index_cast %mul3A_984 : i32 to index
      %get3A_986 = tpu.vector_load %arg9[%get3A_985] {strides = array<i32>} : memref<256xi32, #tpu.memory_space<vmem>>, vector<16xi32>,
      %get3A_987 = vector.shape_cast %get3A_986 : vector<16xi32> to vector<16xi32>
      %add3A_988 = arith.addi %add3A_981, %get3A_987 : vector<16xi32>
      %scan3A_989 = arith.constant 16 : i32
      %ge3A_990 = arith.constant 2000 : i32
      %ge3A_991 = vector.broadcast %ge3A_990 : i32 to vector<16xi32>
      %ge3A_992 = arith.cmpi sge, %add3A_988, %ge3A_991 : vector<16xi32>
      %jit3A_993 = arith.constant 1 : i32
      %jit3A_994 = arith.constant 0 : i32
      %broadcast_in_dim3A_995 = vector.broadcast %jit3A_993 : i32 to vector<16xi32>
      %broadcast_in_dim3A_996 = vector.broadcast %jit3A_994 : i32 to vector<16xi32>
      %select_n3A_997 = arith.select %ge3A_992, %broadcast_in_dim3A_995, %broadcast_in_dim3A_996 : vector<16xi1>, vector<16xi32>
      %iota3A_998 = tpu.iota {dimensions = array<i32: 0>} : vector<16xi32>
      %add3A_999 = arith.constant 8 : i32
      %add3A_1000 = vector.broadcast %add3A_999 : i32 to vector<16xi32>
      %add3A_1001 = arith.addi %iota3A_998, %add3A_1000 : vector<16xi32>
      %and3A_1002 = arith.constant 15 : i32
      %and3A_1003 = vector.broadcast %and3A_1002 : i32 to vector<16xi32>
      %and3A_1004 = arith.andi %add3A_1001, %and3A_1003 : vector<16xi32>
      %broadcast_in_dim3A_1005 = vector.shape_cast %and3A_1004 : vector<16xi32> to vector<16x1xi32>
      %gather3A_1006 = vector.shape_cast %broadcast_in_dim3A_1005 : vector<16x1xi32> to vector<16xi32>
      %gather3A_1007 = tpu.dynamic_gather %select_n3A_997[%gather3A_1006] in [0] : vector<16xi32>, vector<16xi32> -> vector<16xi32>
      %add3A_1008 = arith.addi %select_n3A_997, %gather3A_1007 : vector<16xi32>
      %add3A_1009 = arith.constant 4 : i32
      %add3A_1010 = vector.broadcast %add3A_1009 : i32 to vector<16xi32>
      %add3A_1011 = arith.addi %iota3A_998, %add3A_1010 : vector<16xi32>
      %and3A_1012 = arith.constant 15 : i32
      %and3A_1013 = vector.broadcast %and3A_1012 : i32 to vector<16xi32>
      %and3A_1014 = arith.andi %add3A_1011, %and3A_1013 : vector<16xi32>
      %broadcast_in_dim3A_1015 = vector.shape_cast %and3A_1014 : vector<16xi32> to vector<16x1xi32>
      %gather3A_1016 = vector.shape_cast %broadcast_in_dim3A_1015 : vector<16x1xi32> to vector<16xi32>
      %gather3A_1017 = tpu.dynamic_gather %add3A_1008[%gather3A_1016] in [0] : vector<16xi32>, vector<16xi32> -> vector<16xi32>
      %add3A_1018 = arith.addi %add3A_1008, %gather3A_1017 : vector<16xi32>
      %add3A_1019 = arith.constant 2 : i32
      %add3A_1020 = vector.broadcast %add3A_1019 : i32 to vector<16xi32>
      %add3A_1021 = arith.addi %iota3A_998, %add3A_1020 : vector<16xi32>
      %and3A_1022 = arith.constant 15 : i32
      %and3A_1023 = vector.broadcast %and3A_1022 : i32 to vector<16xi32>
      %and3A_1024 = arith.andi %add3A_1021, %and3A_1023 : vector<16xi32>
      %broadcast_in_dim3A_1025 = vector.shape_cast %and3A_1024 : vector<16xi32> to vector<16x1xi32>
      %gather3A_1026 = vector.shape_cast %broadcast_in_dim3A_1025 : vector<16x1xi32> to vector<16xi32>
      %gather3A_1027 = tpu.dynamic_gather %add3A_1018[%gather3A_1026] in [0] : vector<16xi32>, vector<16xi32> -> vector<16xi32>
      %add3A_1028 = arith.addi %add3A_1018, %gather3A_1027 : vector<16xi32>
      %add3A_1029 = arith.constant 1 : i32
      %add3A_1030 = vector.broadcast %add3A_1029 : i32 to vector<16xi32>
      %add3A_1031 = arith.addi %iota3A_998, %add3A_1030 : vector<16xi32>
      %and3A_1032 = arith.constant 15 : i32
      %and3A_1033 = vector.broadcast %and3A_1032 : i32 to vector<16xi32>
      %and3A_1034 = arith.andi %add3A_1031, %and3A_1033 : vector<16xi32>
      %broadcast_in_dim3A_1035 = vector.shape_cast %and3A_1034 : vector<16xi32> to vector<16x1xi32>
      %gather3A_1036 = vector.shape_cast %broadcast_in_dim3A_1035 : vector<16x1xi32> to vector<16xi32>
      %gather3A_1037 = tpu.dynamic_gather %add3A_1028[%gather3A_1036] in [0] : vector<16xi32>, vector<16xi32> -> vector<16xi32>
      %add3A_1038 = arith.addi %add3A_1028, %gather3A_1037 : vector<16xi32>
      %slice3A_1039 = vector.extract_strided_slice %add3A_1038 {offsets = [0], sizes = [1], strides = [1]} : vector<16xi32> to vector<1xi32>
      %squeeze3A_1040 = vector.extract %slice3A_1039[0] : i32 from vector<1xi32>
      %gt3A_1041 = arith.constant 0 : i32
      %gt3A_1042 = arith.cmpi sgt, %squeeze3A_1040, %gt3A_1041 : i32
      %sub3A_1043 = arith.constant 16 : i32
      %sub3A_1044 = arith.subi %sub3A_1043, %squeeze3A_1040 : i32
      %add3A_1045 = arith.constant 1 : i32
      %add3A_1046 = arith.addi %sub3A_1044, %add3A_1045 : i32
      %sub3A_1047 = arith.subi %scan3A_279, %scan3A_278 : i32
      %jit3A_1048 = arith.constant 17 : i32
      %div3A_1049 = arith.divsi %sub3A_1047, %jit3A_1048 : i32
      %sign3A_1050 = arith.constant 0 : i32
      %sign3A_1051 = arith.cmpi sgt, %sub3A_1047, %sign3A_1050 : i32
      %sign3A_1052 = arith.extui %sign3A_1051 : i1 to i32
      %sign3A_1053 = arith.constant 0 : i32
      %sign3A_1054 = arith.cmpi slt, %sub3A_1047, %sign3A_1053 : i32
      %sign3A_1055 = arith.extui %sign3A_1054 : i1 to i32
      %sign3A_1056 = arith.subi %sign3A_1052, %sign3A_1055 : i32
      %sign3A_1057 = arith.constant 0 : i32
      %sign3A_1058 = arith.cmpi sgt, %jit3A_1048, %sign3A_1057 : i32
      %sign3A_1059 = arith.extui %sign3A_1058 : i1 to i32
      %sign3A_1060 = arith.constant 0 : i32
      %sign3A_1061 = arith.cmpi slt, %jit3A_1048, %sign3A_1060 : i32
      %sign3A_1062 = arith.extui %sign3A_1061 : i1 to i32
      %sign3A_1063 = arith.subi %sign3A_1059, %sign3A_1062 : i32
      %ne3A_1064 = arith.cmpi ne, %sign3A_1056, %sign3A_1063 : i32
      %rem3A_1065 = arith.remsi %sub3A_1047, %jit3A_1048 : i32
      %ne3A_1066 = arith.constant 0 : i32
      %ne3A_1067 = arith.cmpi ne, %rem3A_1065, %ne3A_1066 : i32
      %and3A_1068 = arith.andi %ne3A_1064, %ne3A_1067 : i1
      %sub3A_1069 = arith.constant 1 : i32
      %sub3A_1070 = arith.subi %div3A_1049, %sub3A_1069 : i32
      %select_n3A_1071 = arith.select %and3A_1068, %sub3A_1070, %div3A_1049 : i32
      %jit3A_1072 = arith.constant 17 : i32
      %eq3A_1073 = arith.constant 0 : i32
      %eq3A_1074 = arith.cmpi eq, %jit3A_1072, %eq3A_1073 : i32
      %jit3A_1075 = arith.constant 1 : i32
      %select_n3A_1076 = arith.select %eq3A_1074, %jit3A_1075, %jit3A_1072 : i32
      %rem3A_1077 = arith.remsi %sub3A_1047, %select_n3A_1076 : i32
      %ne3A_1078 = arith.constant 0 : i32
      %ne3A_1079 = arith.cmpi ne, %rem3A_1077, %ne3A_1078 : i32
      %lt3A_1080 = arith.constant 0 : i32
      %lt3A_1081 = arith.cmpi slt, %rem3A_1077, %lt3A_1080 : i32
      %lt3A_1082 = arith.constant 0 : i32
      %lt3A_1083 = arith.cmpi slt, %select_n3A_1076, %lt3A_1082 : i32
      %ne3A_1084 = arith.xori %lt3A_1081, %lt3A_1083 : i1
      %and3A_1085 = arith.andi %ne3A_1084, %ne3A_1079 : i1
      %add3A_1086 = arith.addi %rem3A_1077, %select_n3A_1076 : i32
      %select_n3A_1087 = arith.select %and3A_1085, %add3A_1086, %rem3A_1077 : i32
      %mul3A_1088 = arith.muli %add3A_1046, %select_n3A_1071 : i32
      %mul3A_1089 = arith.muli %add3A_1046, %select_n3A_1087 : i32
      %jit3A_1090 = arith.constant 17 : i32
      %div3A_1091 = arith.divsi %mul3A_1089, %jit3A_1090 : i32
      %sign3A_1092 = arith.constant 0 : i32
      %sign3A_1093 = arith.cmpi sgt, %mul3A_1089, %sign3A_1092 : i32
      %sign3A_1094 = arith.extui %sign3A_1093 : i1 to i32
      %sign3A_1095 = arith.constant 0 : i32
      %sign3A_1096 = arith.cmpi slt, %mul3A_1089, %sign3A_1095 : i32
      %sign3A_1097 = arith.extui %sign3A_1096 : i1 to i32
      %sign3A_1098 = arith.subi %sign3A_1094, %sign3A_1097 : i32
      %sign3A_1099 = arith.constant 0 : i32
      %sign3A_1100 = arith.cmpi sgt, %jit3A_1090, %sign3A_1099 : i32
      %sign3A_1101 = arith.extui %sign3A_1100 : i1 to i32
      %sign3A_1102 = arith.constant 0 : i32
      %sign3A_1103 = arith.cmpi slt, %jit3A_1090, %sign3A_1102 : i32
      %sign3A_1104 = arith.extui %sign3A_1103 : i1 to i32
      %sign3A_1105 = arith.subi %sign3A_1101, %sign3A_1104 : i32
      %ne3A_1106 = arith.cmpi ne, %sign3A_1098, %sign3A_1105 : i32
      %rem3A_1107 = arith.remsi %mul3A_1089, %jit3A_1090 : i32
      %ne3A_1108 = arith.constant 0 : i32
      %ne3A_1109 = arith.cmpi ne, %rem3A_1107, %ne3A_1108 : i32
      %and3A_1110 = arith.andi %ne3A_1106, %ne3A_1109 : i1
      %sub3A_1111 = arith.constant 1 : i32
      %sub3A_1112 = arith.subi %div3A_1091, %sub3A_1111 : i32
      %select_n3A_1113 = arith.select %and3A_1110, %sub3A_1112, %div3A_1091 : i32
      %add3A_1114 = arith.addi %mul3A_1088, %select_n3A_1113 : i32
      %sub3A_1115 = arith.subi %scan3A_279, %add3A_1114 : i32
      %sub3A_1116 = arith.subi %scan3A_279, %scan3A_278 : i32
      %jit3A_1117 = arith.constant 17 : i32
      %div3A_1118 = arith.divsi %sub3A_1116, %jit3A_1117 : i32
      %sign3A_1119 = arith.constant 0 : i32
      %sign3A_1120 = arith.cmpi sgt, %sub3A_1116, %sign3A_1119 : i32
      %sign3A_1121 = arith.extui %sign3A_1120 : i1 to i32
      %sign3A_1122 = arith.constant 0 : i32
      %sign3A_1123 = arith.cmpi slt, %sub3A_1116, %sign3A_1122 : i32
      %sign3A_1124 = arith.extui %sign3A_1123 : i1 to i32
      %sign3A_1125 = arith.subi %sign3A_1121, %sign3A_1124 : i32
      %sign3A_1126 = arith.constant 0 : i32
      %sign3A_1127 = arith.cmpi sgt, %jit3A_1117, %sign3A_1126 : i32
      %sign3A_1128 = arith.extui %sign3A_1127 : i1 to i32
      %sign3A_1129 = arith.constant 0 : i32
      %sign3A_1130 = arith.cmpi slt, %jit3A_1117, %sign3A_1129 : i32
      %sign3A_1131 = arith.extui %sign3A_1130 : i1 to i32
      %sign3A_1132 = arith.subi %sign3A_1128, %sign3A_1131 : i32
      %ne3A_1133 = arith.cmpi ne, %sign3A_1125, %sign3A_1132 : i32
      %rem3A_1134 = arith.remsi %sub3A_1116, %jit3A_1117 : i32
      %ne3A_1135 = arith.constant 0 : i32
      %ne3A_1136 = arith.cmpi ne, %rem3A_1134, %ne3A_1135 : i32
      %and3A_1137 = arith.andi %ne3A_1133, %ne3A_1136 : i1
      %sub3A_1138 = arith.constant 1 : i32
      %sub3A_1139 = arith.subi %div3A_1118, %sub3A_1138 : i32
      %select_n3A_1140 = arith.select %and3A_1137, %sub3A_1139, %div3A_1118 : i32
      %jit3A_1141 = arith.constant 17 : i32
      %eq3A_1142 = arith.constant 0 : i32
      %eq3A_1143 = arith.cmpi eq, %jit3A_1141, %eq3A_1142 : i32
      %jit3A_1144 = arith.constant 1 : i32
      %select_n3A_1145 = arith.select %eq3A_1143, %jit3A_1144, %jit3A_1141 : i32
      %rem3A_1146 = arith.remsi %sub3A_1116, %select_n3A_1145 : i32
      %ne3A_1147 = arith.constant 0 : i32
      %ne3A_1148 = arith.cmpi ne, %rem3A_1146, %ne3A_1147 : i32
      %lt3A_1149 = arith.constant 0 : i32
      %lt3A_1150 = arith.cmpi slt, %rem3A_1146, %lt3A_1149 : i32
      %lt3A_1151 = arith.constant 0 : i32
      %lt3A_1152 = arith.cmpi slt, %select_n3A_1145, %lt3A_1151 : i32
      %ne3A_1153 = arith.xori %lt3A_1150, %lt3A_1152 : i1
      %and3A_1154 = arith.andi %ne3A_1153, %ne3A_1148 : i1
      %add3A_1155 = arith.addi %rem3A_1146, %select_n3A_1145 : i32
      %select_n3A_1156 = arith.select %and3A_1154, %add3A_1155, %rem3A_1146 : i32
      %mul3A_1157 = arith.muli %sub3A_1044, %select_n3A_1140 : i32
      %mul3A_1158 = arith.muli %sub3A_1044, %select_n3A_1156 : i32
      %jit3A_1159 = arith.constant 17 : i32
      %div3A_1160 = arith.divsi %mul3A_1158, %jit3A_1159 : i32
      %sign3A_1161 = arith.constant 0 : i32
      %sign3A_1162 = arith.cmpi sgt, %mul3A_1158, %sign3A_1161 : i32
      %sign3A_1163 = arith.extui %sign3A_1162 : i1 to i32
      %sign3A_1164 = arith.constant 0 : i32
      %sign3A_1165 = arith.cmpi slt, %mul3A_1158, %sign3A_1164 : i32
      %sign3A_1166 = arith.extui %sign3A_1165 : i1 to i32
      %sign3A_1167 = arith.subi %sign3A_1163, %sign3A_1166 : i32
      %sign3A_1168 = arith.constant 0 : i32
      %sign3A_1169 = arith.cmpi sgt, %jit3A_1159, %sign3A_1168 : i32
      %sign3A_1170 = arith.extui %sign3A_1169 : i1 to i32
      %sign3A_1171 = arith.constant 0 : i32
      %sign3A_1172 = arith.cmpi slt, %jit3A_1159, %sign3A_1171 : i32
      %sign3A_1173 = arith.extui %sign3A_1172 : i1 to i32
      %sign3A_1174 = arith.subi %sign3A_1170, %sign3A_1173 : i32
      %ne3A_1175 = arith.cmpi ne, %sign3A_1167, %sign3A_1174 : i32
      %rem3A_1176 = arith.remsi %mul3A_1158, %jit3A_1159 : i32
      %ne3A_1177 = arith.constant 0 : i32
      %ne3A_1178 = arith.cmpi ne, %rem3A_1176, %ne3A_1177 : i32
      %and3A_1179 = arith.andi %ne3A_1175, %ne3A_1178 : i1
      %sub3A_1180 = arith.constant 1 : i32
      %sub3A_1181 = arith.subi %div3A_1160, %sub3A_1180 : i32
      %select_n3A_1182 = arith.select %and3A_1179, %sub3A_1181, %div3A_1160 : i32
      %add3A_1183 = arith.addi %mul3A_1157, %select_n3A_1182 : i32
      %sub3A_1184 = arith.subi %scan3A_279, %add3A_1183 : i32
      %sub3A_1185 = arith.subi %scan3A_279, %scan3A_278 : i32
      %jit3A_1186 = arith.constant 17 : i32
      %div3A_1187 = arith.divsi %sub3A_1185, %jit3A_1186 : i32
      %sign3A_1188 = arith.constant 0 : i32
      %sign3A_1189 = arith.cmpi sgt, %sub3A_1185, %sign3A_1188 : i32
      %sign3A_1190 = arith.extui %sign3A_1189 : i1 to i32
      %sign3A_1191 = arith.constant 0 : i32
      %sign3A_1192 = arith.cmpi slt, %sub3A_1185, %sign3A_1191 : i32
      %sign3A_1193 = arith.extui %sign3A_1192 : i1 to i32
      %sign3A_1194 = arith.subi %sign3A_1190, %sign3A_1193 : i32
      %sign3A_1195 = arith.constant 0 : i32
      %sign3A_1196 = arith.cmpi sgt, %jit3A_1186, %sign3A_1195 : i32
      %sign3A_1197 = arith.extui %sign3A_1196 : i1 to i32
      %sign3A_1198 = arith.constant 0 : i32
      %sign3A_1199 = arith.cmpi slt, %jit3A_1186, %sign3A_1198 : i32
      %sign3A_1200 = arith.extui %sign3A_1199 : i1 to i32
      %sign3A_1201 = arith.subi %sign3A_1197, %sign3A_1200 : i32
      %ne3A_1202 = arith.cmpi ne, %sign3A_1194, %sign3A_1201 : i32
      %rem3A_1203 = arith.remsi %sub3A_1185, %jit3A_1186 : i32
      %ne3A_1204 = arith.constant 0 : i32
      %ne3A_1205 = arith.cmpi ne, %rem3A_1203, %ne3A_1204 : i32
      %and3A_1206 = arith.andi %ne3A_1202, %ne3A_1205 : i1
      %sub3A_1207 = arith.constant 1 : i32
      %sub3A_1208 = arith.subi %div3A_1187, %sub3A_1207 : i32
      %select_n3A_1209 = arith.select %and3A_1206, %sub3A_1208, %div3A_1187 : i32
      %jit3A_1210 = arith.constant 17 : i32
      %eq3A_1211 = arith.constant 0 : i32
      %eq3A_1212 = arith.cmpi eq, %jit3A_1210, %eq3A_1211 : i32
      %jit3A_1213 = arith.constant 1 : i32
      %select_n3A_1214 = arith.select %eq3A_1212, %jit3A_1213, %jit3A_1210 : i32
      %rem3A_1215 = arith.remsi %sub3A_1185, %select_n3A_1214 : i32
      %ne3A_1216 = arith.constant 0 : i32
      %ne3A_1217 = arith.cmpi ne, %rem3A_1215, %ne3A_1216 : i32
      %lt3A_1218 = arith.constant 0 : i32
      %lt3A_1219 = arith.cmpi slt, %rem3A_1215, %lt3A_1218 : i32
      %lt3A_1220 = arith.constant 0 : i32
      %lt3A_1221 = arith.cmpi slt, %select_n3A_1214, %lt3A_1220 : i32
      %ne3A_1222 = arith.xori %lt3A_1219, %lt3A_1221 : i1
      %and3A_1223 = arith.andi %ne3A_1222, %ne3A_1217 : i1
      %add3A_1224 = arith.addi %rem3A_1215, %select_n3A_1214 : i32
      %select_n3A_1225 = arith.select %and3A_1223, %add3A_1224, %rem3A_1215 : i32
      %mul3A_1226 = arith.constant 16 : i32
      %mul3A_1227 = arith.muli %mul3A_1226, %select_n3A_1209 : i32
      %mul3A_1228 = arith.constant 16 : i32
      %mul3A_1229 = arith.muli %mul3A_1228, %select_n3A_1225 : i32
      %jit3A_1230 = arith.constant 17 : i32
      %div3A_1231 = arith.divsi %mul3A_1229, %jit3A_1230 : i32
      %sign3A_1232 = arith.constant 0 : i32
      %sign3A_1233 = arith.cmpi sgt, %mul3A_1229, %sign3A_1232 : i32
      %sign3A_1234 = arith.extui %sign3A_1233 : i1 to i32
      %sign3A_1235 = arith.constant 0 : i32
      %sign3A_1236 = arith.cmpi slt, %mul3A_1229, %sign3A_1235 : i32
      %sign3A_1237 = arith.extui %sign3A_1236 : i1 to i32
      %sign3A_1238 = arith.subi %sign3A_1234, %sign3A_1237 : i32
      %sign3A_1239 = arith.constant 0 : i32
      %sign3A_1240 = arith.cmpi sgt, %jit3A_1230, %sign3A_1239 : i32
      %sign3A_1241 = arith.extui %sign3A_1240 : i1 to i32
      %sign3A_1242 = arith.constant 0 : i32
      %sign3A_1243 = arith.cmpi slt, %jit3A_1230, %sign3A_1242 : i32
      %sign3A_1244 = arith.extui %sign3A_1243 : i1 to i32
      %sign3A_1245 = arith.subi %sign3A_1241, %sign3A_1244 : i32
      %ne3A_1246 = arith.cmpi ne, %sign3A_1238, %sign3A_1245 : i32
      %rem3A_1247 = arith.remsi %mul3A_1229, %jit3A_1230 : i32
      %ne3A_1248 = arith.constant 0 : i32
      %ne3A_1249 = arith.cmpi ne, %rem3A_1247, %ne3A_1248 : i32
      %and3A_1250 = arith.andi %ne3A_1246, %ne3A_1249 : i1
      %sub3A_1251 = arith.constant 1 : i32
      %sub3A_1252 = arith.subi %div3A_1231, %sub3A_1251 : i32
      %select_n3A_1253 = arith.select %and3A_1250, %sub3A_1252, %div3A_1231 : i32
      %add3A_1254 = arith.addi %mul3A_1227, %select_n3A_1253 : i32
      %sub3A_1255 = arith.subi %scan3A_279, %add3A_1254 : i32
      %sub3A_1256 = arith.constant 1 : i32
      %sub3A_1257 = arith.subi %sub3A_1044, %sub3A_1256 : i32
      %eq3A_1258 = vector.broadcast %sub3A_1257 : i32 to vector<16xi32>
      %eq3A_1259 = arith.cmpi eq, %iota3A, %eq3A_1258 : vector<16xi32>
      %jit3A_1260 = arith.constant 0 : i32
      %broadcast_in_dim3A_1261 = vector.broadcast %jit3A_1260 : i32 to vector<16xi32>
      %select_n3A_1262 = arith.select %eq3A_1259, %add3A_988, %broadcast_in_dim3A_1261 : vector<16xi1>, vector<16xi32>
      %iota3A_1263 = tpu.iota {dimensions = array<i32: 0>} : vector<16xi32>
      %add3A_1264 = arith.constant 8 : i32
      %add3A_1265 = vector.broadcast %add3A_1264 : i32 to vector<16xi32>
      %add3A_1266 = arith.addi %iota3A_1263, %add3A_1265 : vector<16xi32>
      %and3A_1267 = arith.constant 15 : i32
      %and3A_1268 = vector.broadcast %and3A_1267 : i32 to vector<16xi32>
      %and3A_1269 = arith.andi %add3A_1266, %and3A_1268 : vector<16xi32>
      %broadcast_in_dim3A_1270 = vector.shape_cast %and3A_1269 : vector<16xi32> to vector<16x1xi32>
      %gather3A_1271 = vector.shape_cast %broadcast_in_dim3A_1270 : vector<16x1xi32> to vector<16xi32>
      %gather3A_1272 = tpu.dynamic_gather %select_n3A_1262[%gather3A_1271] in [0] : vector<16xi32>, vector<16xi32> -> vector<16xi32>
      %add3A_1273 = arith.addi %select_n3A_1262, %gather3A_1272 : vector<16xi32>
      %add3A_1274 = arith.constant 4 : i32
      %add3A_1275 = vector.broadcast %add3A_1274 : i32 to vector<16xi32>
      %add3A_1276 = arith.addi %iota3A_1263, %add3A_1275 : vector<16xi32>
      %and3A_1277 = arith.constant 15 : i32
      %and3A_1278 = vector.broadcast %and3A_1277 : i32 to vector<16xi32>
      %and3A_1279 = arith.andi %add3A_1276, %and3A_1278 : vector<16xi32>
      %broadcast_in_dim3A_1280 = vector.shape_cast %and3A_1279 : vector<16xi32> to vector<16x1xi32>
      %gather3A_1281 = vector.shape_cast %broadcast_in_dim3A_1280 : vector<16x1xi32> to vector<16xi32>
      %gather3A_1282 = tpu.dynamic_gather %add3A_1273[%gather3A_1281] in [0] : vector<16xi32>, vector<16xi32> -> vector<16xi32>
      %add3A_1283 = arith.addi %add3A_1273, %gather3A_1282 : vector<16xi32>
      %add3A_1284 = arith.constant 2 : i32
      %add3A_1285 = vector.broadcast %add3A_1284 : i32 to vector<16xi32>
      %add3A_1286 = arith.addi %iota3A_1263, %add3A_1285 : vector<16xi32>
      %and3A_1287 = arith.constant 15 : i32
      %and3A_1288 = vector.broadcast %and3A_1287 : i32 to vector<16xi32>
      %and3A_1289 = arith.andi %add3A_1286, %and3A_1288 : vector<16xi32>
      %broadcast_in_dim3A_1290 = vector.shape_cast %and3A_1289 : vector<16xi32> to vector<16x1xi32>
      %gather3A_1291 = vector.shape_cast %broadcast_in_dim3A_1290 : vector<16x1xi32> to vector<16xi32>
      %gather3A_1292 = tpu.dynamic_gather %add3A_1283[%gather3A_1291] in [0] : vector<16xi32>, vector<16xi32> -> vector<16xi32>
      %add3A_1293 = arith.addi %add3A_1283, %gather3A_1292 : vector<16xi32>
      %add3A_1294 = arith.constant 1 : i32
      %add3A_1295 = vector.broadcast %add3A_1294 : i32 to vector<16xi32>
      %add3A_1296 = arith.addi %iota3A_1263, %add3A_1295 : vector<16xi32>
      %and3A_1297 = arith.constant 15 : i32
      %and3A_1298 = vector.broadcast %and3A_1297 : i32 to vector<16xi32>
      %and3A_1299 = arith.andi %add3A_1296, %and3A_1298 : vector<16xi32>
      %broadcast_in_dim3A_1300 = vector.shape_cast %and3A_1299 : vector<16xi32> to vector<16x1xi32>
      %gather3A_1301 = vector.shape_cast %broadcast_in_dim3A_1300 : vector<16x1xi32> to vector<16xi32>
      %gather3A_1302 = tpu.dynamic_gather %add3A_1293[%gather3A_1301] in [0] : vector<16xi32>, vector<16xi32> -> vector<16xi32>
      %add3A_1303 = arith.addi %add3A_1293, %gather3A_1302 : vector<16xi32>
      %slice3A_1304 = vector.extract_strided_slice %add3A_1303 {offsets = [0], sizes = [1], strides = [1]} : vector<16xi32> to vector<1xi32>
      %squeeze3A_1305 = vector.extract %slice3A_1304[0] : i32 from vector<1xi32>
      %slice3A_1306 = vector.extract_strided_slice %add3A_988 {offsets = [15], sizes = [1], strides = [1]} : vector<16xi32> to vector<1xi32>
      %squeeze3A_1307 = vector.extract %slice3A_1306[0] : i32 from vector<1xi32>
      %max3A_1308 = arith.maxsi %scan3A_278, %sub3A_1115 : i32
      %select_n3A_1309 = arith.select %gt3A_1042, %max3A_1308, %scan3A_278 : i32
      %ge3A_1310 = arith.constant 1 : i32
      %ge3A_1311 = arith.cmpi sge, %sub3A_1044, %ge3A_1310 : i32
      %sub3A_1312 = arith.constant 1 : i32
      %sub3A_1313 = arith.subi %sub3A_1184, %sub3A_1312 : i32
      %min3A_1314 = arith.minsi %scan3A_279, %sub3A_1313 : i32
      %select_n3A_1315 = arith.select %ge3A_1311, %min3A_1314, %scan3A_279 : i32
      %sub3A_1316 = arith.constant 1 : i32
      %sub3A_1317 = arith.subi %sub3A_1255, %sub3A_1316 : i32
      %min3A_1318 = arith.minsi %scan3A_279, %sub3A_1317 : i32
      %select_n3A_1319 = arith.select %gt3A_1042, %select_n3A_1315, %min3A_1318 : i32
      %ge3A_1320 = arith.constant 1 : i32
      %ge3A_1321 = arith.cmpi sge, %sub3A_1044, %ge3A_1320 : i32
      %select_n3A_1322 = arith.select %ge3A_1321, %squeeze3A_1305, %scan3A_280 : i32
      %select_n3A_1323 = arith.select %gt3A_1042, %select_n3A_1322, %squeeze3A_1307 : i32
      %select_n3A_1324 = arith.select %ge3A, %scan3A_278, %select_n3A_1309 : i32
      %select_n3A_1325 = arith.select %ge3A, %scan3A_279, %select_n3A_1319 : i32
      %select_n3A_1326 = arith.select %ge3A, %scan3A_280, %select_n3A_1323 : i32
      scf.yield %select_n3A_1324, %select_n3A_1325, %select_n3A_1326 : i32, i32, i32
    }
    %scan3A_14 = arith.constant 8 : i32
    %jit3A = arith.constant 1048575999 : i32
    %select_n3A = arith.select %gt3A_9, %scan3A_13#0, %jit3A : i32
    %sub3A = arith.constant 2000 : i32
    %sub3A_15 = arith.subi %sub3A, %scan3A_13#2 : i32
    %jit3A_16 = arith.constant 0 : i32
    %select_n3A_17 = arith.select %gt3A_9, %sub3A_15, %jit3A_16 : i32
    %broadcast_in_dim3A = arith.constant 0 : i32
    %broadcast_in_dim3A_18 = vector.broadcast %broadcast_in_dim3A : i32 to vector<16xi32>
    %scan3A_19 = arith.constant 0 : i32
    %scan3A_20 = arith.constant 80 : i32
    %scan3A_21 = arith.addi %scan3A_19, %scan3A_20 : i32
    %scan3A_22 = arith.constant 1 : i32
    %scan3A_23 = scf.for %scan3A_277 = %scan3A_19 to %scan3A_21 step %scan3A_22 iter_args(%scan3A_278 = %broadcast_in_dim3A_18) -> (vector<16xi32>)  : i32 {
      %mul3A_279 = arith.constant 16 : i32
      %mul3A_280 = arith.muli %scan3A_277, %mul3A_279 : i32
      %get3A_281 = arith.index_cast %mul3A_280 : i32 to index
      %get3A_282 = tpu.vector_load %arg6[%get3A_281] {strides = array<i32>} : memref<1280xi32, #tpu.memory_space<vmem>>, vector<16xi32>,
      %get3A_283 = vector.shape_cast %get3A_282 : vector<16xi32> to vector<16xi32>
      %eq3A_284 = vector.broadcast %select_n3A : i32 to vector<16xi32>
      %eq3A_285 = arith.cmpi eq, %get3A_283, %eq3A_284 : vector<16xi32>
      %jit3A_286 = arith.constant 1 : i32
      %jit3A_287 = arith.constant 0 : i32
      %broadcast_in_dim3A_288 = vector.broadcast %jit3A_286 : i32 to vector<16xi32>
      %broadcast_in_dim3A_289 = vector.broadcast %jit3A_287 : i32 to vector<16xi32>
      %select_n3A_290 = arith.select %eq3A_285, %broadcast_in_dim3A_288, %broadcast_in_dim3A_289 : vector<16xi1>, vector<16xi32>
      %add3A_291 = arith.addi %scan3A_278, %select_n3A_290 : vector<16xi32>
      scf.yield %add3A_291 : vector<16xi32>
    }
    %scan3A_24 = arith.constant 80 : i32
    %iota3A_25 = tpu.iota {dimensions = array<i32: 0>} : vector<16xi32>
    %add3A = arith.constant 8 : i32
    %add3A_26 = vector.broadcast %add3A : i32 to vector<16xi32>
    %add3A_27 = arith.addi %iota3A_25, %add3A_26 : vector<16xi32>
    %and3A = arith.constant 15 : i32
    %and3A_28 = vector.broadcast %and3A : i32 to vector<16xi32>
    %and3A_29 = arith.andi %add3A_27, %and3A_28 : vector<16xi32>
    %broadcast_in_dim3A_30 = vector.shape_cast %and3A_29 : vector<16xi32> to vector<16x1xi32>
    %gather3A = vector.shape_cast %broadcast_in_dim3A_30 : vector<16x1xi32> to vector<16xi32>
    %gather3A_31 = tpu.dynamic_gather %scan3A_23[%gather3A] in [0] : vector<16xi32>, vector<16xi32> -> vector<16xi32>
    %add3A_32 = arith.addi %scan3A_23, %gather3A_31 : vector<16xi32>
    %add3A_33 = arith.constant 4 : i32
    %add3A_34 = vector.broadcast %add3A_33 : i32 to vector<16xi32>
    %add3A_35 = arith.addi %iota3A_25, %add3A_34 : vector<16xi32>
    %and3A_36 = arith.constant 15 : i32
    %and3A_37 = vector.broadcast %and3A_36 : i32 to vector<16xi32>
    %and3A_38 = arith.andi %add3A_35, %and3A_37 : vector<16xi32>
    %broadcast_in_dim3A_39 = vector.shape_cast %and3A_38 : vector<16xi32> to vector<16x1xi32>
    %gather3A_40 = vector.shape_cast %broadcast_in_dim3A_39 : vector<16x1xi32> to vector<16xi32>
    %gather3A_41 = tpu.dynamic_gather %add3A_32[%gather3A_40] in [0] : vector<16xi32>, vector<16xi32> -> vector<16xi32>
    %add3A_42 = arith.addi %add3A_32, %gather3A_41 : vector<16xi32>
    %add3A_43 = arith.constant 2 : i32
    %add3A_44 = vector.broadcast %add3A_43 : i32 to vector<16xi32>
    %add3A_45 = arith.addi %iota3A_25, %add3A_44 : vector<16xi32>
    %and3A_46 = arith.constant 15 : i32
    %and3A_47 = vector.broadcast %and3A_46 : i32 to vector<16xi32>
    %and3A_48 = arith.andi %add3A_45, %and3A_47 : vector<16xi32>
    %broadcast_in_dim3A_49 = vector.shape_cast %and3A_48 : vector<16xi32> to vector<16x1xi32>
    %gather3A_50 = vector.shape_cast %broadcast_in_dim3A_49 : vector<16x1xi32> to vector<16xi32>
    %gather3A_51 = tpu.dynamic_gather %add3A_42[%gather3A_50] in [0] : vector<16xi32>, vector<16xi32> -> vector<16xi32>
    %add3A_52 = arith.addi %add3A_42, %gather3A_51 : vector<16xi32>
    %add3A_53 = arith.constant 1 : i32
    %add3A_54 = vector.broadcast %add3A_53 : i32 to vector<16xi32>
    %add3A_55 = arith.addi %iota3A_25, %add3A_54 : vector<16xi32>
    %and3A_56 = arith.constant 15 : i32
    %and3A_57 = vector.broadcast %and3A_56 : i32 to vector<16xi32>
    %and3A_58 = arith.andi %add3A_55, %and3A_57 : vector<16xi32>
    %broadcast_in_dim3A_59 = vector.shape_cast %and3A_58 : vector<16xi32> to vector<16x1xi32>
    %gather3A_60 = vector.shape_cast %broadcast_in_dim3A_59 : vector<16x1xi32> to vector<16xi32>
    %gather3A_61 = tpu.dynamic_gather %add3A_52[%gather3A_60] in [0] : vector<16xi32>, vector<16xi32> -> vector<16xi32>
    %add3A_62 = arith.addi %add3A_52, %gather3A_61 : vector<16xi32>
    %slice3A_63 = vector.extract_strided_slice %add3A_62 {offsets = [0], sizes = [1], strides = [1]} : vector<16xi32> to vector<1xi32>
    %squeeze3A_64 = vector.extract %slice3A_63[0] : i32 from vector<1xi32>
    %eq3A = arith.constant 0 : i32
    %eq3A_65 = vector.broadcast %eq3A : i32 to vector<16xi32>
    %eq3A_66 = arith.cmpi eq, %iota3A, %eq3A_65 : vector<16xi32>
    %jit3A_67 = arith.constant 0 : i32
    %broadcast_in_dim3A_68 = vector.broadcast %squeeze3A_64 : i32 to vector<16xi32>
    %broadcast_in_dim3A_69 = vector.broadcast %jit3A_67 : i32 to vector<16xi32>
    %select_n3A_70 = arith.select %eq3A_66, %broadcast_in_dim3A_68, %broadcast_in_dim3A_69 : vector<16xi1>, vector<16xi32>
    %swap3A = arith.constant 0 : index
    %swap3A_71 = tpu.vector_load %arg8[%swap3A] {strides = array<i32>} : memref<16xi32, #tpu.memory_space<vmem>>, vector<16xi32>,
    %swap3A_72 = vector.shape_cast %swap3A_71 : vector<16xi32> to vector<16xi32>
    %swap3A_73 = vector.shape_cast %select_n3A_70 : vector<16xi32> to vector<16xi32>
    tpu.vector_store %arg8[%swap3A], %swap3A_73 {strides = array<i32>} : memref<16xi32, #tpu.memory_space<vmem>>, vector<16xi32>,
    %mul3A_74 = arith.constant 16 : i32
    %mul3A_75 = arith.muli %arg1, %mul3A_74 : i32
    "tpu.region"() ({
      %run_scoped3A = tpu.sem_alloc : memref<!tpu.dma_semaphore, #tpu.memory_space<semaphore_mem>>
      %dma_start3A = tpu.memref_slice %arg12[%mul3A_75] : memref<512xi32, #tpu.memory_space<vmem_shared>> -> memref<16xi32, #tpu.memory_space<vmem_shared>>
      %dma_start3A_277 = tpu.memref_slice %arg12[%mul3A_75] : memref<512xi32, #tpu.memory_space<vmem_shared>> -> memref<16xi32, #tpu.memory_space<vmem_shared>>
      tpu.enqueue_dma source(%arg8 : memref<16xi32, #tpu.memory_space<vmem>>) target(%dma_start3A_277 : memref<16xi32, #tpu.memory_space<vmem_shared>>) target_semaphore(%run_scoped3A : memref<!tpu.dma_semaphore, #tpu.memory_space<semaphore_mem>>)
      %dma_wait3A = tpu.memref_slice %arg12[%mul3A_75] : memref<512xi32, #tpu.memory_space<vmem_shared>> -> memref<16xi32, #tpu.memory_space<vmem_shared>>
      %dma_wait3A_278 = tpu.memref_slice %arg12[%mul3A_75] : memref<512xi32, #tpu.memory_space<vmem_shared>> -> memref<16xi32, #tpu.memory_space<vmem_shared>>
      tpu.wait_dma2 semaphore(%run_scoped3A : memref<!tpu.dma_semaphore, #tpu.memory_space<semaphore_mem>>) src(%arg8 : memref<16xi32, #tpu.memory_space<vmem>>) dst(%dma_wait3A_278 : memref<16xi32, #tpu.memory_space<vmem_shared>>)
      tpu.yield
    }) : () -> ()
    %barrier3A = arith.constant 0 : index
    tpu.barrier barrier_id(%barrier3A)
    "tpu.region"() ({
      %run_scoped3A = tpu.sem_alloc : memref<!tpu.dma_semaphore, #tpu.memory_space<semaphore_mem>>
      %dma_start3A = arith.constant 0 : i32
      %dma_start3A_277 = tpu.memref_slice %arg12[%dma_start3A] : memref<512xi32, #tpu.memory_space<vmem_shared>> -> memref<256xi32, #tpu.memory_space<vmem_shared>>
      %dma_start3A_278 = arith.constant 0 : i32
      %dma_start3A_279 = tpu.memref_slice %arg12[%dma_start3A_278] : memref<512xi32, #tpu.memory_space<vmem_shared>> -> memref<256xi32, #tpu.memory_space<vmem_shared>>
      tpu.enqueue_dma source(%dma_start3A_279 : memref<256xi32, #tpu.memory_space<vmem_shared>>) target(%arg9 : memref<256xi32, #tpu.memory_space<vmem>>) target_semaphore(%run_scoped3A : memref<!tpu.dma_semaphore, #tpu.memory_space<semaphore_mem>>)
      %dma_wait3A = arith.constant 0 : i32
      %dma_wait3A_280 = tpu.memref_slice %arg12[%dma_wait3A] : memref<512xi32, #tpu.memory_space<vmem_shared>> -> memref<256xi32, #tpu.memory_space<vmem_shared>>
      %dma_wait3A_281 = arith.constant 0 : i32
      %dma_wait3A_282 = tpu.memref_slice %arg12[%dma_wait3A_281] : memref<512xi32, #tpu.memory_space<vmem_shared>> -> memref<256xi32, #tpu.memory_space<vmem_shared>>
      tpu.wait_dma2 semaphore(%run_scoped3A : memref<!tpu.dma_semaphore, #tpu.memory_space<semaphore_mem>>) src(%dma_wait3A_282 : memref<256xi32, #tpu.memory_space<vmem_shared>>) dst(%arg9 : memref<256xi32, #tpu.memory_space<vmem>>)
      tpu.yield
    }) : () -> ()
    %broadcast_in_dim3A_76 = arith.constant 0 : i32
    %broadcast_in_dim3A_77 = vector.broadcast %broadcast_in_dim3A_76 : i32 to vector<16xi32>
    %scan3A_78 = arith.constant 0 : i32
    %lt3A = arith.cmpi slt, %scan3A_78, %arg1 : i32
    %mul3A_79 = arith.constant 16 : i32
    %mul3A_80 = arith.muli %scan3A_78, %mul3A_79 : i32
    %get3A_81 = arith.index_cast %mul3A_80 : i32 to index
    %get3A_82 = tpu.vector_load %arg9[%get3A_81] {strides = array<i32>} : memref<256xi32, #tpu.memory_space<vmem>>, vector<16xi32>,
    %get3A_83 = vector.shape_cast %get3A_82 : vector<16xi32> to vector<16xi32>
    %jit3A_84 = arith.constant 0 : i32
    %broadcast_in_dim3A_85 = vector.broadcast %jit3A_84 : i32 to vector<16xi32>
    %select_n3A_86 = arith.select %lt3A, %get3A_83, %broadcast_in_dim3A_85 : vector<16xi32>
    %add3A_87 = arith.addi %broadcast_in_dim3A_77, %select_n3A_86 : vector<16xi32>
    %scan3A_88 = arith.constant 1 : i32
    %lt3A_89 = arith.cmpi slt, %scan3A_88, %arg1 : i32
    %mul3A_90 = arith.constant 16 : i32
    %mul3A_91 = arith.muli %scan3A_88, %mul3A_90 : i32
    %get3A_92 = arith.index_cast %mul3A_91 : i32 to index
    %get3A_93 = tpu.vector_load %arg9[%get3A_92] {strides = array<i32>} : memref<256xi32, #tpu.memory_space<vmem>>, vector<16xi32>,
    %get3A_94 = vector.shape_cast %get3A_93 : vector<16xi32> to vector<16xi32>
    %jit3A_95 = arith.constant 0 : i32
    %broadcast_in_dim3A_96 = vector.broadcast %jit3A_95 : i32 to vector<16xi32>
    %select_n3A_97 = arith.select %lt3A_89, %get3A_94, %broadcast_in_dim3A_96 : vector<16xi32>
    %add3A_98 = arith.addi %add3A_87, %select_n3A_97 : vector<16xi32>
    %scan3A_99 = arith.constant 2 : i32
    %lt3A_100 = arith.cmpi slt, %scan3A_99, %arg1 : i32
    %mul3A_101 = arith.constant 16 : i32
    %mul3A_102 = arith.muli %scan3A_99, %mul3A_101 : i32
    %get3A_103 = arith.index_cast %mul3A_102 : i32 to index
    %get3A_104 = tpu.vector_load %arg9[%get3A_103] {strides = array<i32>} : memref<256xi32, #tpu.memory_space<vmem>>, vector<16xi32>,
    %get3A_105 = vector.shape_cast %get3A_104 : vector<16xi32> to vector<16xi32>
    %jit3A_106 = arith.constant 0 : i32
    %broadcast_in_dim3A_107 = vector.broadcast %jit3A_106 : i32 to vector<16xi32>
    %select_n3A_108 = arith.select %lt3A_100, %get3A_105, %broadcast_in_dim3A_107 : vector<16xi32>
    %add3A_109 = arith.addi %add3A_98, %select_n3A_108 : vector<16xi32>
    %scan3A_110 = arith.constant 3 : i32
    %lt3A_111 = arith.cmpi slt, %scan3A_110, %arg1 : i32
    %mul3A_112 = arith.constant 16 : i32
    %mul3A_113 = arith.muli %scan3A_110, %mul3A_112 : i32
    %get3A_114 = arith.index_cast %mul3A_113 : i32 to index
    %get3A_115 = tpu.vector_load %arg9[%get3A_114] {strides = array<i32>} : memref<256xi32, #tpu.memory_space<vmem>>, vector<16xi32>,
    %get3A_116 = vector.shape_cast %get3A_115 : vector<16xi32> to vector<16xi32>
    %jit3A_117 = arith.constant 0 : i32
    %broadcast_in_dim3A_118 = vector.broadcast %jit3A_117 : i32 to vector<16xi32>
    %select_n3A_119 = arith.select %lt3A_111, %get3A_116, %broadcast_in_dim3A_118 : vector<16xi32>
    %add3A_120 = arith.addi %add3A_109, %select_n3A_119 : vector<16xi32>
    %scan3A_121 = arith.constant 4 : i32
    %lt3A_122 = arith.cmpi slt, %scan3A_121, %arg1 : i32
    %mul3A_123 = arith.constant 16 : i32
    %mul3A_124 = arith.muli %scan3A_121, %mul3A_123 : i32
    %get3A_125 = arith.index_cast %mul3A_124 : i32 to index
    %get3A_126 = tpu.vector_load %arg9[%get3A_125] {strides = array<i32>} : memref<256xi32, #tpu.memory_space<vmem>>, vector<16xi32>,
    %get3A_127 = vector.shape_cast %get3A_126 : vector<16xi32> to vector<16xi32>
    %jit3A_128 = arith.constant 0 : i32
    %broadcast_in_dim3A_129 = vector.broadcast %jit3A_128 : i32 to vector<16xi32>
    %select_n3A_130 = arith.select %lt3A_122, %get3A_127, %broadcast_in_dim3A_129 : vector<16xi32>
    %add3A_131 = arith.addi %add3A_120, %select_n3A_130 : vector<16xi32>
    %scan3A_132 = arith.constant 5 : i32
    %lt3A_133 = arith.cmpi slt, %scan3A_132, %arg1 : i32
    %mul3A_134 = arith.constant 16 : i32
    %mul3A_135 = arith.muli %scan3A_132, %mul3A_134 : i32
    %get3A_136 = arith.index_cast %mul3A_135 : i32 to index
    %get3A_137 = tpu.vector_load %arg9[%get3A_136] {strides = array<i32>} : memref<256xi32, #tpu.memory_space<vmem>>, vector<16xi32>,
    %get3A_138 = vector.shape_cast %get3A_137 : vector<16xi32> to vector<16xi32>
    %jit3A_139 = arith.constant 0 : i32
    %broadcast_in_dim3A_140 = vector.broadcast %jit3A_139 : i32 to vector<16xi32>
    %select_n3A_141 = arith.select %lt3A_133, %get3A_138, %broadcast_in_dim3A_140 : vector<16xi32>
    %add3A_142 = arith.addi %add3A_131, %select_n3A_141 : vector<16xi32>
    %scan3A_143 = arith.constant 6 : i32
    %lt3A_144 = arith.cmpi slt, %scan3A_143, %arg1 : i32
    %mul3A_145 = arith.constant 16 : i32
    %mul3A_146 = arith.muli %scan3A_143, %mul3A_145 : i32
    %get3A_147 = arith.index_cast %mul3A_146 : i32 to index
    %get3A_148 = tpu.vector_load %arg9[%get3A_147] {strides = array<i32>} : memref<256xi32, #tpu.memory_space<vmem>>, vector<16xi32>,
    %get3A_149 = vector.shape_cast %get3A_148 : vector<16xi32> to vector<16xi32>
    %jit3A_150 = arith.constant 0 : i32
    %broadcast_in_dim3A_151 = vector.broadcast %jit3A_150 : i32 to vector<16xi32>
    %select_n3A_152 = arith.select %lt3A_144, %get3A_149, %broadcast_in_dim3A_151 : vector<16xi32>
    %add3A_153 = arith.addi %add3A_142, %select_n3A_152 : vector<16xi32>
    %scan3A_154 = arith.constant 7 : i32
    %lt3A_155 = arith.cmpi slt, %scan3A_154, %arg1 : i32
    %mul3A_156 = arith.constant 16 : i32
    %mul3A_157 = arith.muli %scan3A_154, %mul3A_156 : i32
    %get3A_158 = arith.index_cast %mul3A_157 : i32 to index
    %get3A_159 = tpu.vector_load %arg9[%get3A_158] {strides = array<i32>} : memref<256xi32, #tpu.memory_space<vmem>>, vector<16xi32>,
    %get3A_160 = vector.shape_cast %get3A_159 : vector<16xi32> to vector<16xi32>
    %jit3A_161 = arith.constant 0 : i32
    %broadcast_in_dim3A_162 = vector.broadcast %jit3A_161 : i32 to vector<16xi32>
    %select_n3A_163 = arith.select %lt3A_155, %get3A_160, %broadcast_in_dim3A_162 : vector<16xi32>
    %add3A_164 = arith.addi %add3A_153, %select_n3A_163 : vector<16xi32>
    %scan3A_165 = arith.constant 8 : i32
    %lt3A_166 = arith.cmpi slt, %scan3A_165, %arg1 : i32
    %mul3A_167 = arith.constant 16 : i32
    %mul3A_168 = arith.muli %scan3A_165, %mul3A_167 : i32
    %get3A_169 = arith.index_cast %mul3A_168 : i32 to index
    %get3A_170 = tpu.vector_load %arg9[%get3A_169] {strides = array<i32>} : memref<256xi32, #tpu.memory_space<vmem>>, vector<16xi32>,
    %get3A_171 = vector.shape_cast %get3A_170 : vector<16xi32> to vector<16xi32>
    %jit3A_172 = arith.constant 0 : i32
    %broadcast_in_dim3A_173 = vector.broadcast %jit3A_172 : i32 to vector<16xi32>
    %select_n3A_174 = arith.select %lt3A_166, %get3A_171, %broadcast_in_dim3A_173 : vector<16xi32>
    %add3A_175 = arith.addi %add3A_164, %select_n3A_174 : vector<16xi32>
    %scan3A_176 = arith.constant 9 : i32
    %lt3A_177 = arith.cmpi slt, %scan3A_176, %arg1 : i32
    %mul3A_178 = arith.constant 16 : i32
    %mul3A_179 = arith.muli %scan3A_176, %mul3A_178 : i32
    %get3A_180 = arith.index_cast %mul3A_179 : i32 to index
    %get3A_181 = tpu.vector_load %arg9[%get3A_180] {strides = array<i32>} : memref<256xi32, #tpu.memory_space<vmem>>, vector<16xi32>,
    %get3A_182 = vector.shape_cast %get3A_181 : vector<16xi32> to vector<16xi32>
    %jit3A_183 = arith.constant 0 : i32
    %broadcast_in_dim3A_184 = vector.broadcast %jit3A_183 : i32 to vector<16xi32>
    %select_n3A_185 = arith.select %lt3A_177, %get3A_182, %broadcast_in_dim3A_184 : vector<16xi32>
    %add3A_186 = arith.addi %add3A_175, %select_n3A_185 : vector<16xi32>
    %scan3A_187 = arith.constant 10 : i32
    %lt3A_188 = arith.cmpi slt, %scan3A_187, %arg1 : i32
    %mul3A_189 = arith.constant 16 : i32
    %mul3A_190 = arith.muli %scan3A_187, %mul3A_189 : i32
    %get3A_191 = arith.index_cast %mul3A_190 : i32 to index
    %get3A_192 = tpu.vector_load %arg9[%get3A_191] {strides = array<i32>} : memref<256xi32, #tpu.memory_space<vmem>>, vector<16xi32>,
    %get3A_193 = vector.shape_cast %get3A_192 : vector<16xi32> to vector<16xi32>
    %jit3A_194 = arith.constant 0 : i32
    %broadcast_in_dim3A_195 = vector.broadcast %jit3A_194 : i32 to vector<16xi32>
    %select_n3A_196 = arith.select %lt3A_188, %get3A_193, %broadcast_in_dim3A_195 : vector<16xi32>
    %add3A_197 = arith.addi %add3A_186, %select_n3A_196 : vector<16xi32>
    %scan3A_198 = arith.constant 11 : i32
    %lt3A_199 = arith.cmpi slt, %scan3A_198, %arg1 : i32
    %mul3A_200 = arith.constant 16 : i32
    %mul3A_201 = arith.muli %scan3A_198, %mul3A_200 : i32
    %get3A_202 = arith.index_cast %mul3A_201 : i32 to index
    %get3A_203 = tpu.vector_load %arg9[%get3A_202] {strides = array<i32>} : memref<256xi32, #tpu.memory_space<vmem>>, vector<16xi32>,
    %get3A_204 = vector.shape_cast %get3A_203 : vector<16xi32> to vector<16xi32>
    %jit3A_205 = arith.constant 0 : i32
    %broadcast_in_dim3A_206 = vector.broadcast %jit3A_205 : i32 to vector<16xi32>
    %select_n3A_207 = arith.select %lt3A_199, %get3A_204, %broadcast_in_dim3A_206 : vector<16xi32>
    %add3A_208 = arith.addi %add3A_197, %select_n3A_207 : vector<16xi32>
    %scan3A_209 = arith.constant 12 : i32
    %lt3A_210 = arith.cmpi slt, %scan3A_209, %arg1 : i32
    %mul3A_211 = arith.constant 16 : i32
    %mul3A_212 = arith.muli %scan3A_209, %mul3A_211 : i32
    %get3A_213 = arith.index_cast %mul3A_212 : i32 to index
    %get3A_214 = tpu.vector_load %arg9[%get3A_213] {strides = array<i32>} : memref<256xi32, #tpu.memory_space<vmem>>, vector<16xi32>,
    %get3A_215 = vector.shape_cast %get3A_214 : vector<16xi32> to vector<16xi32>
    %jit3A_216 = arith.constant 0 : i32
    %broadcast_in_dim3A_217 = vector.broadcast %jit3A_216 : i32 to vector<16xi32>
    %select_n3A_218 = arith.select %lt3A_210, %get3A_215, %broadcast_in_dim3A_217 : vector<16xi32>
    %add3A_219 = arith.addi %add3A_208, %select_n3A_218 : vector<16xi32>
    %scan3A_220 = arith.constant 13 : i32
    %lt3A_221 = arith.cmpi slt, %scan3A_220, %arg1 : i32
    %mul3A_222 = arith.constant 16 : i32
    %mul3A_223 = arith.muli %scan3A_220, %mul3A_222 : i32
    %get3A_224 = arith.index_cast %mul3A_223 : i32 to index
    %get3A_225 = tpu.vector_load %arg9[%get3A_224] {strides = array<i32>} : memref<256xi32, #tpu.memory_space<vmem>>, vector<16xi32>,
    %get3A_226 = vector.shape_cast %get3A_225 : vector<16xi32> to vector<16xi32>
    %jit3A_227 = arith.constant 0 : i32
    %broadcast_in_dim3A_228 = vector.broadcast %jit3A_227 : i32 to vector<16xi32>
    %select_n3A_229 = arith.select %lt3A_221, %get3A_226, %broadcast_in_dim3A_228 : vector<16xi32>
    %add3A_230 = arith.addi %add3A_219, %select_n3A_229 : vector<16xi32>
    %scan3A_231 = arith.constant 14 : i32
    %lt3A_232 = arith.cmpi slt, %scan3A_231, %arg1 : i32
    %mul3A_233 = arith.constant 16 : i32
    %mul3A_234 = arith.muli %scan3A_231, %mul3A_233 : i32
    %get3A_235 = arith.index_cast %mul3A_234 : i32 to index
    %get3A_236 = tpu.vector_load %arg9[%get3A_235] {strides = array<i32>} : memref<256xi32, #tpu.memory_space<vmem>>, vector<16xi32>,
    %get3A_237 = vector.shape_cast %get3A_236 : vector<16xi32> to vector<16xi32>
    %jit3A_238 = arith.constant 0 : i32
    %broadcast_in_dim3A_239 = vector.broadcast %jit3A_238 : i32 to vector<16xi32>
    %select_n3A_240 = arith.select %lt3A_232, %get3A_237, %broadcast_in_dim3A_239 : vector<16xi32>
    %add3A_241 = arith.addi %add3A_230, %select_n3A_240 : vector<16xi32>
    %scan3A_242 = arith.constant 15 : i32
    %lt3A_243 = arith.cmpi slt, %scan3A_242, %arg1 : i32
    %mul3A_244 = arith.constant 16 : i32
    %mul3A_245 = arith.muli %scan3A_242, %mul3A_244 : i32
    %get3A_246 = arith.index_cast %mul3A_245 : i32 to index
    %get3A_247 = tpu.vector_load %arg9[%get3A_246] {strides = array<i32>} : memref<256xi32, #tpu.memory_space<vmem>>, vector<16xi32>,
    %get3A_248 = vector.shape_cast %get3A_247 : vector<16xi32> to vector<16xi32>
    %jit3A_249 = arith.constant 0 : i32
    %broadcast_in_dim3A_250 = vector.broadcast %jit3A_249 : i32 to vector<16xi32>
    %select_n3A_251 = arith.select %lt3A_243, %get3A_248, %broadcast_in_dim3A_250 : vector<16xi32>
    %add3A_252 = arith.addi %add3A_241, %select_n3A_251 : vector<16xi32>
    %scan3A_253 = arith.constant 16 : i32
    %slice3A_254 = vector.extract_strided_slice %add3A_252 {offsets = [0], sizes = [1], strides = [1]} : vector<16xi32> to vector<1xi32>
    %squeeze3A_255 = vector.extract %slice3A_254[0] : i32 from vector<1xi32>
    %sub3A_256 = arith.subi %select_n3A_17, %squeeze3A_255 : i32
    %jit3A_257 = arith.constant 0 : i32
    %max3A = arith.maxsi %jit3A_257, %sub3A_256 : i32
    %min3A = arith.minsi %squeeze3A_64, %max3A : i32
    %broadcast_in_dim3A_258 = arith.constant 0.000000e+00 : f32
    %broadcast_in_dim3A_259 = vector.broadcast %broadcast_in_dim3A_258 : f32 to vector<16xf32>
    %scan3A_260 = arith.constant 0 : i32
    %scan3A_261 = arith.constant 0 : i32
    %scan3A_262 = arith.constant 80 : i32
    %scan3A_263 = arith.addi %scan3A_261, %scan3A_262 : i32
    %scan3A_264 = arith.constant 1 : i32
    %scan3A_265:2 = scf.for %scan3A_277 = %scan3A_261 to %scan3A_263 step %scan3A_264 iter_args(%scan3A_278 = %broadcast_in_dim3A_259, %scan3A_279 = %scan3A_260) -> (vector<16xf32>, i32)  : i32 {
      %mul3A_280 = arith.constant 16 : i32
      %mul3A_281 = arith.muli %scan3A_277, %mul3A_280 : i32
      %get3A_282 = arith.index_cast %mul3A_281 : i32 to index
      %get3A_283 = tpu.vector_load %arg6[%get3A_282] {strides = array<i32>} : memref<1280xi32, #tpu.memory_space<vmem>>, vector<16xi32>,
      %get3A_284 = vector.shape_cast %get3A_283 : vector<16xi32> to vector<16xi32>
      %mul3A_285 = arith.constant 16 : i32
      %mul3A_286 = arith.muli %scan3A_277, %mul3A_285 : i32
      %get3A_287 = arith.index_cast %mul3A_286 : i32 to index
      %get3A_288 = tpu.vector_load %arg7[%get3A_287] {strides = array<i32>} : memref<1280xf32, #tpu.memory_space<vmem>>, vector<16xf32>,
      %get3A_289 = vector.shape_cast %get3A_288 : vector<16xf32> to vector<16xf32>
      %eq3A_290 = vector.broadcast %select_n3A : i32 to vector<16xi32>
      %eq3A_291 = arith.cmpi eq, %get3A_284, %eq3A_290 : vector<16xi32>
      %jit3A_292 = arith.constant 1 : i32
      %jit3A_293 = arith.constant 0 : i32
      %broadcast_in_dim3A_294 = vector.broadcast %jit3A_292 : i32 to vector<16xi32>
      %broadcast_in_dim3A_295 = vector.broadcast %jit3A_293 : i32 to vector<16xi32>
      %select_n3A_296 = arith.select %eq3A_291, %broadcast_in_dim3A_294, %broadcast_in_dim3A_295 : vector<16xi1>, vector<16xi32>
      %iota3A_297 = tpu.iota {dimensions = array<i32: 0>} : vector<16xi32>
      %sub3A_298 = arith.constant 1 : i32
      %sub3A_299 = vector.broadcast %sub3A_298 : i32 to vector<16xi32>
      %sub3A_300 = arith.subi %iota3A_297, %sub3A_299 : vector<16xi32>
      %and3A_301 = arith.constant 15 : i32
      %and3A_302 = vector.broadcast %and3A_301 : i32 to vector<16xi32>
      %and3A_303 = arith.andi %sub3A_300, %and3A_302 : vector<16xi32>
      %broadcast_in_dim3A_304 = vector.shape_cast %and3A_303 : vector<16xi32> to vector<16x1xi32>
      %gather3A_305 = vector.shape_cast %broadcast_in_dim3A_304 : vector<16x1xi32> to vector<16xi32>
      %gather3A_306 = tpu.dynamic_gather %select_n3A_296[%gather3A_305] in [0] : vector<16xi32>, vector<16xi32> -> vector<16xi32>
      %ge3A = arith.constant 1 : i32
      %ge3A_307 = vector.broadcast %ge3A : i32 to vector<16xi32>
      %ge3A_308 = arith.cmpi sge, %iota3A_297, %ge3A_307 : vector<16xi32>
      %jit3A_309 = arith.constant 0 : i32
      %broadcast_in_dim3A_310 = vector.broadcast %jit3A_309 : i32 to vector<16xi32>
      %select_n3A_311 = arith.select %ge3A_308, %gather3A_306, %broadcast_in_dim3A_310 : vector<16xi1>, vector<16xi32>
      %add3A_312 = arith.addi %select_n3A_296, %select_n3A_311 : vector<16xi32>
      %sub3A_313 = arith.constant 2 : i32
      %sub3A_314 = vector.broadcast %sub3A_313 : i32 to vector<16xi32>
      %sub3A_315 = arith.subi %iota3A_297, %sub3A_314 : vector<16xi32>
      %and3A_316 = arith.constant 15 : i32
      %and3A_317 = vector.broadcast %and3A_316 : i32 to vector<16xi32>
      %and3A_318 = arith.andi %sub3A_315, %and3A_317 : vector<16xi32>
      %broadcast_in_dim3A_319 = vector.shape_cast %and3A_318 : vector<16xi32> to vector<16x1xi32>
      %gather3A_320 = vector.shape_cast %broadcast_in_dim3A_319 : vector<16x1xi32> to vector<16xi32>
      %gather3A_321 = tpu.dynamic_gather %add3A_312[%gather3A_320] in [0] : vector<16xi32>, vector<16xi32> -> vector<16xi32>
      %ge3A_322 = arith.constant 2 : i32
      %ge3A_323 = vector.broadcast %ge3A_322 : i32 to vector<16xi32>
      %ge3A_324 = arith.cmpi sge, %iota3A_297, %ge3A_323 : vector<16xi32>
      %jit3A_325 = arith.constant 0 : i32
      %broadcast_in_dim3A_326 = vector.broadcast %jit3A_325 : i32 to vector<16xi32>
      %select_n3A_327 = arith.select %ge3A_324, %gather3A_321, %broadcast_in_dim3A_326 : vector<16xi1>, vector<16xi32>
      %add3A_328 = arith.addi %add3A_312, %select_n3A_327 : vector<16xi32>
      %sub3A_329 = arith.constant 4 : i32
      %sub3A_330 = vector.broadcast %sub3A_329 : i32 to vector<16xi32>
      %sub3A_331 = arith.subi %iota3A_297, %sub3A_330 : vector<16xi32>
      %and3A_332 = arith.constant 15 : i32
      %and3A_333 = vector.broadcast %and3A_332 : i32 to vector<16xi32>
      %and3A_334 = arith.andi %sub3A_331, %and3A_333 : vector<16xi32>
      %broadcast_in_dim3A_335 = vector.shape_cast %and3A_334 : vector<16xi32> to vector<16x1xi32>
      %gather3A_336 = vector.shape_cast %broadcast_in_dim3A_335 : vector<16x1xi32> to vector<16xi32>
      %gather3A_337 = tpu.dynamic_gather %add3A_328[%gather3A_336] in [0] : vector<16xi32>, vector<16xi32> -> vector<16xi32>
      %ge3A_338 = arith.constant 4 : i32
      %ge3A_339 = vector.broadcast %ge3A_338 : i32 to vector<16xi32>
      %ge3A_340 = arith.cmpi sge, %iota3A_297, %ge3A_339 : vector<16xi32>
      %jit3A_341 = arith.constant 0 : i32
      %broadcast_in_dim3A_342 = vector.broadcast %jit3A_341 : i32 to vector<16xi32>
      %select_n3A_343 = arith.select %ge3A_340, %gather3A_337, %broadcast_in_dim3A_342 : vector<16xi1>, vector<16xi32>
      %add3A_344 = arith.addi %add3A_328, %select_n3A_343 : vector<16xi32>
      %sub3A_345 = arith.constant 8 : i32
      %sub3A_346 = vector.broadcast %sub3A_345 : i32 to vector<16xi32>
      %sub3A_347 = arith.subi %iota3A_297, %sub3A_346 : vector<16xi32>
      %and3A_348 = arith.constant 15 : i32
      %and3A_349 = vector.broadcast %and3A_348 : i32 to vector<16xi32>
      %and3A_350 = arith.andi %sub3A_347, %and3A_349 : vector<16xi32>
      %broadcast_in_dim3A_351 = vector.shape_cast %and3A_350 : vector<16xi32> to vector<16x1xi32>
      %gather3A_352 = vector.shape_cast %broadcast_in_dim3A_351 : vector<16x1xi32> to vector<16xi32>
      %gather3A_353 = tpu.dynamic_gather %add3A_344[%gather3A_352] in [0] : vector<16xi32>, vector<16xi32> -> vector<16xi32>
      %ge3A_354 = arith.constant 8 : i32
      %ge3A_355 = vector.broadcast %ge3A_354 : i32 to vector<16xi32>
      %ge3A_356 = arith.cmpi sge, %iota3A_297, %ge3A_355 : vector<16xi32>
      %jit3A_357 = arith.constant 0 : i32
      %broadcast_in_dim3A_358 = vector.broadcast %jit3A_357 : i32 to vector<16xi32>
      %select_n3A_359 = arith.select %ge3A_356, %gather3A_353, %broadcast_in_dim3A_358 : vector<16xi1>, vector<16xi32>
      %add3A_360 = arith.addi %add3A_344, %select_n3A_359 : vector<16xi32>
      %add3A_361 = vector.broadcast %scan3A_279 : i32 to vector<16xi32>
      %add3A_362 = arith.addi %add3A_360, %add3A_361 : vector<16xi32>
      %gt3A_363 = vector.broadcast %select_n3A : i32 to vector<16xi32>
      %gt3A_364 = arith.cmpi sgt, %get3A_284, %gt3A_363 : vector<16xi32>
      %le3A = vector.broadcast %min3A : i32 to vector<16xi32>
      %le3A_365 = arith.cmpi sle, %add3A_362, %le3A : vector<16xi32>
      %and3A_366 = arith.andi %eq3A_291, %le3A_365 : vector<16xi1>
      %or3A = arith.ori %gt3A_364, %and3A_366 : vector<16xi1>
      %jit3A_367 = arith.constant 0.000000e+00 : f32
      %broadcast_in_dim3A_368 = vector.broadcast %jit3A_367 : f32 to vector<16xf32>
      %select_n3A_369 = arith.select %or3A, %get3A_289, %broadcast_in_dim3A_368 : vector<16xi1>, vector<16xf32>
      %add3A_370 = arith.addf %scan3A_278, %select_n3A_369 : vector<16xf32>
      %iota3A_371 = tpu.iota {dimensions = array<i32: 0>} : vector<16xi32>
      %add3A_372 = arith.constant 8 : i32
      %add3A_373 = vector.broadcast %add3A_372 : i32 to vector<16xi32>
      %add3A_374 = arith.addi %iota3A_371, %add3A_373 : vector<16xi32>
      %and3A_375 = arith.constant 15 : i32
      %and3A_376 = vector.broadcast %and3A_375 : i32 to vector<16xi32>
      %and3A_377 = arith.andi %add3A_374, %and3A_376 : vector<16xi32>
      %broadcast_in_dim3A_378 = vector.shape_cast %and3A_377 : vector<16xi32> to vector<16x1xi32>
      %gather3A_379 = vector.shape_cast %broadcast_in_dim3A_378 : vector<16x1xi32> to vector<16xi32>
      %gather3A_380 = tpu.dynamic_gather %select_n3A_296[%gather3A_379] in [0] : vector<16xi32>, vector<16xi32> -> vector<16xi32>
      %add3A_381 = arith.addi %select_n3A_296, %gather3A_380 : vector<16xi32>
      %add3A_382 = arith.constant 4 : i32
      %add3A_383 = vector.broadcast %add3A_382 : i32 to vector<16xi32>
      %add3A_384 = arith.addi %iota3A_371, %add3A_383 : vector<16xi32>
      %and3A_385 = arith.constant 15 : i32
      %and3A_386 = vector.broadcast %and3A_385 : i32 to vector<16xi32>
      %and3A_387 = arith.andi %add3A_384, %and3A_386 : vector<16xi32>
      %broadcast_in_dim3A_388 = vector.shape_cast %and3A_387 : vector<16xi32> to vector<16x1xi32>
      %gather3A_389 = vector.shape_cast %broadcast_in_dim3A_388 : vector<16x1xi32> to vector<16xi32>
      %gather3A_390 = tpu.dynamic_gather %add3A_381[%gather3A_389] in [0] : vector<16xi32>, vector<16xi32> -> vector<16xi32>
      %add3A_391 = arith.addi %add3A_381, %gather3A_390 : vector<16xi32>
      %add3A_392 = arith.constant 2 : i32
      %add3A_393 = vector.broadcast %add3A_392 : i32 to vector<16xi32>
      %add3A_394 = arith.addi %iota3A_371, %add3A_393 : vector<16xi32>
      %and3A_395 = arith.constant 15 : i32
      %and3A_396 = vector.broadcast %and3A_395 : i32 to vector<16xi32>
      %and3A_397 = arith.andi %add3A_394, %and3A_396 : vector<16xi32>
      %broadcast_in_dim3A_398 = vector.shape_cast %and3A_397 : vector<16xi32> to vector<16x1xi32>
      %gather3A_399 = vector.shape_cast %broadcast_in_dim3A_398 : vector<16x1xi32> to vector<16xi32>
      %gather3A_400 = tpu.dynamic_gather %add3A_391[%gather3A_399] in [0] : vector<16xi32>, vector<16xi32> -> vector<16xi32>
      %add3A_401 = arith.addi %add3A_391, %gather3A_400 : vector<16xi32>
      %add3A_402 = arith.constant 1 : i32
      %add3A_403 = vector.broadcast %add3A_402 : i32 to vector<16xi32>
      %add3A_404 = arith.addi %iota3A_371, %add3A_403 : vector<16xi32>
      %and3A_405 = arith.constant 15 : i32
      %and3A_406 = vector.broadcast %and3A_405 : i32 to vector<16xi32>
      %and3A_407 = arith.andi %add3A_404, %and3A_406 : vector<16xi32>
      %broadcast_in_dim3A_408 = vector.shape_cast %and3A_407 : vector<16xi32> to vector<16x1xi32>
      %gather3A_409 = vector.shape_cast %broadcast_in_dim3A_408 : vector<16x1xi32> to vector<16xi32>
      %gather3A_410 = tpu.dynamic_gather %add3A_401[%gather3A_409] in [0] : vector<16xi32>, vector<16xi32> -> vector<16xi32>
      %add3A_411 = arith.addi %add3A_401, %gather3A_410 : vector<16xi32>
      %slice3A_412 = vector.extract_strided_slice %add3A_411 {offsets = [0], sizes = [1], strides = [1]} : vector<16xi32> to vector<1xi32>
      %squeeze3A_413 = vector.extract %slice3A_412[0] : i32 from vector<1xi32>
      %add3A_414 = arith.addi %scan3A_279, %squeeze3A_413 : i32
      scf.yield %add3A_370, %add3A_414 : vector<16xf32>, i32
    }
    %scan3A_266 = arith.constant 80 : i32
    %swap3A_267 = arith.constant 0 : index
    %swap3A_268 = tpu.vector_load %arg10[%swap3A_267] {strides = array<i32>} : memref<16xf32, #tpu.memory_space<vmem>>, vector<16xf32>,
    %swap3A_269 = vector.shape_cast %swap3A_268 : vector<16xf32> to vector<16xf32>
    %swap3A_270 = vector.shape_cast %scan3A_265#0 : vector<16xf32> to vector<16xf32>
    tpu.vector_store %arg10[%swap3A_267], %swap3A_270 {strides = array<i32>} : memref<16xf32, #tpu.memory_space<vmem>>, vector<16xf32>,
    %mul3A_271 = arith.constant 16 : i32
    %mul3A_272 = arith.muli %arg1, %mul3A_271 : i32
    "tpu.region"() ({
      %run_scoped3A = tpu.sem_alloc : memref<!tpu.dma_semaphore, #tpu.memory_space<semaphore_mem>>
      %dma_start3A = tpu.memref_slice %arg13[%mul3A_272] : memref<256xf32, #tpu.memory_space<vmem_shared>> -> memref<16xf32, #tpu.memory_space<vmem_shared>>
      %dma_start3A_277 = tpu.memref_slice %arg13[%mul3A_272] : memref<256xf32, #tpu.memory_space<vmem_shared>> -> memref<16xf32, #tpu.memory_space<vmem_shared>>
      tpu.enqueue_dma source(%arg10 : memref<16xf32, #tpu.memory_space<vmem>>) target(%dma_start3A_277 : memref<16xf32, #tpu.memory_space<vmem_shared>>) target_semaphore(%run_scoped3A : memref<!tpu.dma_semaphore, #tpu.memory_space<semaphore_mem>>)
      %dma_wait3A = tpu.memref_slice %arg13[%mul3A_272] : memref<256xf32, #tpu.memory_space<vmem_shared>> -> memref<16xf32, #tpu.memory_space<vmem_shared>>
      %dma_wait3A_278 = tpu.memref_slice %arg13[%mul3A_272] : memref<256xf32, #tpu.memory_space<vmem_shared>> -> memref<16xf32, #tpu.memory_space<vmem_shared>>
      tpu.wait_dma2 semaphore(%run_scoped3A : memref<!tpu.dma_semaphore, #tpu.memory_space<semaphore_mem>>) src(%arg10 : memref<16xf32, #tpu.memory_space<vmem>>) dst(%dma_wait3A_278 : memref<16xf32, #tpu.memory_space<vmem_shared>>)
      tpu.yield
    }) : () -> ()
    %barrier3A_273 = arith.constant 0 : index
    tpu.barrier barrier_id(%barrier3A_273)
    %eq3A_274 = arith.constant 0 : i32
    %eq3A_275 = arith.cmpi eq, %arg1, %eq3A_274 : i32
    %convert_element_type3A = arith.extui %eq3A_275 : i1 to i32
    %cond3A = arith.constant 0 : i32
    %cond3A_276 = arith.cmpi ne, %convert_element_type3A, %cond3A : i32
    scf.if %cond3A_276 {
      "tpu.region"() ({
        %run_scoped3A = tpu.sem_alloc : memref<!tpu.dma_semaphore, #tpu.memory_space<semaphore_mem>>
        tpu.enqueue_dma source(%arg13 : memref<256xf32, #tpu.memory_space<vmem_shared>>) target(%arg11 : memref<256xf32, #tpu.memory_space<vmem>>) target_semaphore(%run_scoped3A : memref<!tpu.dma_semaphore, #tpu.memory_space<semaphore_mem>>)
        tpu.wait_dma2 semaphore(%run_scoped3A : memref<!tpu.dma_semaphore, #tpu.memory_space<semaphore_mem>>) src(%arg13 : memref<256xf32, #tpu.memory_space<vmem_shared>>) dst(%arg11 : memref<256xf32, #tpu.memory_space<vmem>>)
        tpu.yield
      }) : () -> ()
      %broadcast_in_dim3A_277 = arith.constant 0.000000e+00 : f32
      %broadcast_in_dim3A_278 = vector.broadcast %broadcast_in_dim3A_277 : f32 to vector<16xf32>
      %scan3A_279 = arith.constant 0 : i32
      %mul3A_280 = arith.constant 16 : i32
      %mul3A_281 = arith.muli %scan3A_279, %mul3A_280 : i32
      %get3A_282 = arith.index_cast %mul3A_281 : i32 to index
      %get3A_283 = tpu.vector_load %arg11[%get3A_282] {strides = array<i32>} : memref<256xf32, #tpu.memory_space<vmem>>, vector<16xf32>,
      %get3A_284 = vector.shape_cast %get3A_283 : vector<16xf32> to vector<16xf32>
      %add3A_285 = arith.addf %broadcast_in_dim3A_278, %get3A_284 : vector<16xf32>
      %scan3A_286 = arith.constant 1 : i32
      %mul3A_287 = arith.constant 16 : i32
      %mul3A_288 = arith.muli %scan3A_286, %mul3A_287 : i32
      %get3A_289 = arith.index_cast %mul3A_288 : i32 to index
      %get3A_290 = tpu.vector_load %arg11[%get3A_289] {strides = array<i32>} : memref<256xf32, #tpu.memory_space<vmem>>, vector<16xf32>,
      %get3A_291 = vector.shape_cast %get3A_290 : vector<16xf32> to vector<16xf32>
      %add3A_292 = arith.addf %add3A_285, %get3A_291 : vector<16xf32>
      %scan3A_293 = arith.constant 2 : i32
      %mul3A_294 = arith.constant 16 : i32
      %mul3A_295 = arith.muli %scan3A_293, %mul3A_294 : i32
      %get3A_296 = arith.index_cast %mul3A_295 : i32 to index
      %get3A_297 = tpu.vector_load %arg11[%get3A_296] {strides = array<i32>} : memref<256xf32, #tpu.memory_space<vmem>>, vector<16xf32>,
      %get3A_298 = vector.shape_cast %get3A_297 : vector<16xf32> to vector<16xf32>
      %add3A_299 = arith.addf %add3A_292, %get3A_298 : vector<16xf32>
      %scan3A_300 = arith.constant 3 : i32
      %mul3A_301 = arith.constant 16 : i32
      %mul3A_302 = arith.muli %scan3A_300, %mul3A_301 : i32
      %get3A_303 = arith.index_cast %mul3A_302 : i32 to index
      %get3A_304 = tpu.vector_load %arg11[%get3A_303] {strides = array<i32>} : memref<256xf32, #tpu.memory_space<vmem>>, vector<16xf32>,
      %get3A_305 = vector.shape_cast %get3A_304 : vector<16xf32> to vector<16xf32>
      %add3A_306 = arith.addf %add3A_299, %get3A_305 : vector<16xf32>
      %scan3A_307 = arith.constant 4 : i32
      %mul3A_308 = arith.constant 16 : i32
      %mul3A_309 = arith.muli %scan3A_307, %mul3A_308 : i32
      %get3A_310 = arith.index_cast %mul3A_309 : i32 to index
      %get3A_311 = tpu.vector_load %arg11[%get3A_310] {strides = array<i32>} : memref<256xf32, #tpu.memory_space<vmem>>, vector<16xf32>,
      %get3A_312 = vector.shape_cast %get3A_311 : vector<16xf32> to vector<16xf32>
      %add3A_313 = arith.addf %add3A_306, %get3A_312 : vector<16xf32>
      %scan3A_314 = arith.constant 5 : i32
      %mul3A_315 = arith.constant 16 : i32
      %mul3A_316 = arith.muli %scan3A_314, %mul3A_315 : i32
      %get3A_317 = arith.index_cast %mul3A_316 : i32 to index
      %get3A_318 = tpu.vector_load %arg11[%get3A_317] {strides = array<i32>} : memref<256xf32, #tpu.memory_space<vmem>>, vector<16xf32>,
      %get3A_319 = vector.shape_cast %get3A_318 : vector<16xf32> to vector<16xf32>
      %add3A_320 = arith.addf %add3A_313, %get3A_319 : vector<16xf32>
      %scan3A_321 = arith.constant 6 : i32
      %mul3A_322 = arith.constant 16 : i32
      %mul3A_323 = arith.muli %scan3A_321, %mul3A_322 : i32
      %get3A_324 = arith.index_cast %mul3A_323 : i32 to index
      %get3A_325 = tpu.vector_load %arg11[%get3A_324] {strides = array<i32>} : memref<256xf32, #tpu.memory_space<vmem>>, vector<16xf32>,
      %get3A_326 = vector.shape_cast %get3A_325 : vector<16xf32> to vector<16xf32>
      %add3A_327 = arith.addf %add3A_320, %get3A_326 : vector<16xf32>
      %scan3A_328 = arith.constant 7 : i32
      %mul3A_329 = arith.constant 16 : i32
      %mul3A_330 = arith.muli %scan3A_328, %mul3A_329 : i32
      %get3A_331 = arith.index_cast %mul3A_330 : i32 to index
      %get3A_332 = tpu.vector_load %arg11[%get3A_331] {strides = array<i32>} : memref<256xf32, #tpu.memory_space<vmem>>, vector<16xf32>,
      %get3A_333 = vector.shape_cast %get3A_332 : vector<16xf32> to vector<16xf32>
      %add3A_334 = arith.addf %add3A_327, %get3A_333 : vector<16xf32>
      %scan3A_335 = arith.constant 8 : i32
      %mul3A_336 = arith.constant 16 : i32
      %mul3A_337 = arith.muli %scan3A_335, %mul3A_336 : i32
      %get3A_338 = arith.index_cast %mul3A_337 : i32 to index
      %get3A_339 = tpu.vector_load %arg11[%get3A_338] {strides = array<i32>} : memref<256xf32, #tpu.memory_space<vmem>>, vector<16xf32>,
      %get3A_340 = vector.shape_cast %get3A_339 : vector<16xf32> to vector<16xf32>
      %add3A_341 = arith.addf %add3A_334, %get3A_340 : vector<16xf32>
      %scan3A_342 = arith.constant 9 : i32
      %mul3A_343 = arith.constant 16 : i32
      %mul3A_344 = arith.muli %scan3A_342, %mul3A_343 : i32
      %get3A_345 = arith.index_cast %mul3A_344 : i32 to index
      %get3A_346 = tpu.vector_load %arg11[%get3A_345] {strides = array<i32>} : memref<256xf32, #tpu.memory_space<vmem>>, vector<16xf32>,
      %get3A_347 = vector.shape_cast %get3A_346 : vector<16xf32> to vector<16xf32>
      %add3A_348 = arith.addf %add3A_341, %get3A_347 : vector<16xf32>
      %scan3A_349 = arith.constant 10 : i32
      %mul3A_350 = arith.constant 16 : i32
      %mul3A_351 = arith.muli %scan3A_349, %mul3A_350 : i32
      %get3A_352 = arith.index_cast %mul3A_351 : i32 to index
      %get3A_353 = tpu.vector_load %arg11[%get3A_352] {strides = array<i32>} : memref<256xf32, #tpu.memory_space<vmem>>, vector<16xf32>,
      %get3A_354 = vector.shape_cast %get3A_353 : vector<16xf32> to vector<16xf32>
      %add3A_355 = arith.addf %add3A_348, %get3A_354 : vector<16xf32>
      %scan3A_356 = arith.constant 11 : i32
      %mul3A_357 = arith.constant 16 : i32
      %mul3A_358 = arith.muli %scan3A_356, %mul3A_357 : i32
      %get3A_359 = arith.index_cast %mul3A_358 : i32 to index
      %get3A_360 = tpu.vector_load %arg11[%get3A_359] {strides = array<i32>} : memref<256xf32, #tpu.memory_space<vmem>>, vector<16xf32>,
      %get3A_361 = vector.shape_cast %get3A_360 : vector<16xf32> to vector<16xf32>
      %add3A_362 = arith.addf %add3A_355, %get3A_361 : vector<16xf32>
      %scan3A_363 = arith.constant 12 : i32
      %mul3A_364 = arith.constant 16 : i32
      %mul3A_365 = arith.muli %scan3A_363, %mul3A_364 : i32
      %get3A_366 = arith.index_cast %mul3A_365 : i32 to index
      %get3A_367 = tpu.vector_load %arg11[%get3A_366] {strides = array<i32>} : memref<256xf32, #tpu.memory_space<vmem>>, vector<16xf32>,
      %get3A_368 = vector.shape_cast %get3A_367 : vector<16xf32> to vector<16xf32>
      %add3A_369 = arith.addf %add3A_362, %get3A_368 : vector<16xf32>
      %scan3A_370 = arith.constant 13 : i32
      %mul3A_371 = arith.constant 16 : i32
      %mul3A_372 = arith.muli %scan3A_370, %mul3A_371 : i32
      %get3A_373 = arith.index_cast %mul3A_372 : i32 to index
      %get3A_374 = tpu.vector_load %arg11[%get3A_373] {strides = array<i32>} : memref<256xf32, #tpu.memory_space<vmem>>, vector<16xf32>,
      %get3A_375 = vector.shape_cast %get3A_374 : vector<16xf32> to vector<16xf32>
      %add3A_376 = arith.addf %add3A_369, %get3A_375 : vector<16xf32>
      %scan3A_377 = arith.constant 14 : i32
      %mul3A_378 = arith.constant 16 : i32
      %mul3A_379 = arith.muli %scan3A_377, %mul3A_378 : i32
      %get3A_380 = arith.index_cast %mul3A_379 : i32 to index
      %get3A_381 = tpu.vector_load %arg11[%get3A_380] {strides = array<i32>} : memref<256xf32, #tpu.memory_space<vmem>>, vector<16xf32>,
      %get3A_382 = vector.shape_cast %get3A_381 : vector<16xf32> to vector<16xf32>
      %add3A_383 = arith.addf %add3A_376, %get3A_382 : vector<16xf32>
      %scan3A_384 = arith.constant 15 : i32
      %mul3A_385 = arith.constant 16 : i32
      %mul3A_386 = arith.muli %scan3A_384, %mul3A_385 : i32
      %get3A_387 = arith.index_cast %mul3A_386 : i32 to index
      %get3A_388 = tpu.vector_load %arg11[%get3A_387] {strides = array<i32>} : memref<256xf32, #tpu.memory_space<vmem>>, vector<16xf32>,
      %get3A_389 = vector.shape_cast %get3A_388 : vector<16xf32> to vector<16xf32>
      %add3A_390 = arith.addf %add3A_383, %get3A_389 : vector<16xf32>
      %scan3A_391 = arith.constant 16 : i32
      %iota3A_392 = tpu.iota {dimensions = array<i32: 0>} : vector<16xi32>
      %add3A_393 = arith.constant 8 : i32
      %add3A_394 = vector.broadcast %add3A_393 : i32 to vector<16xi32>
      %add3A_395 = arith.addi %iota3A_392, %add3A_394 : vector<16xi32>
      %and3A_396 = arith.constant 15 : i32
      %and3A_397 = vector.broadcast %and3A_396 : i32 to vector<16xi32>
      %and3A_398 = arith.andi %add3A_395, %and3A_397 : vector<16xi32>
      %broadcast_in_dim3A_399 = vector.shape_cast %and3A_398 : vector<16xi32> to vector<16x1xi32>
      %gather3A_400 = vector.shape_cast %broadcast_in_dim3A_399 : vector<16x1xi32> to vector<16xi32>
      %gather3A_401 = tpu.dynamic_gather %add3A_390[%gather3A_400] in [0] : vector<16xf32>, vector<16xi32> -> vector<16xf32>
      %add3A_402 = arith.addf %add3A_390, %gather3A_401 : vector<16xf32>
      %add3A_403 = arith.constant 4 : i32
      %add3A_404 = vector.broadcast %add3A_403 : i32 to vector<16xi32>
      %add3A_405 = arith.addi %iota3A_392, %add3A_404 : vector<16xi32>
      %and3A_406 = arith.constant 15 : i32
      %and3A_407 = vector.broadcast %and3A_406 : i32 to vector<16xi32>
      %and3A_408 = arith.andi %add3A_405, %and3A_407 : vector<16xi32>
      %broadcast_in_dim3A_409 = vector.shape_cast %and3A_408 : vector<16xi32> to vector<16x1xi32>
      %gather3A_410 = vector.shape_cast %broadcast_in_dim3A_409 : vector<16x1xi32> to vector<16xi32>
      %gather3A_411 = tpu.dynamic_gather %add3A_402[%gather3A_410] in [0] : vector<16xf32>, vector<16xi32> -> vector<16xf32>
      %add3A_412 = arith.addf %add3A_402, %gather3A_411 : vector<16xf32>
      %add3A_413 = arith.constant 2 : i32
      %add3A_414 = vector.broadcast %add3A_413 : i32 to vector<16xi32>
      %add3A_415 = arith.addi %iota3A_392, %add3A_414 : vector<16xi32>
      %and3A_416 = arith.constant 15 : i32
      %and3A_417 = vector.broadcast %and3A_416 : i32 to vector<16xi32>
      %and3A_418 = arith.andi %add3A_415, %and3A_417 : vector<16xi32>
      %broadcast_in_dim3A_419 = vector.shape_cast %and3A_418 : vector<16xi32> to vector<16x1xi32>
      %gather3A_420 = vector.shape_cast %broadcast_in_dim3A_419 : vector<16x1xi32> to vector<16xi32>
      %gather3A_421 = tpu.dynamic_gather %add3A_412[%gather3A_420] in [0] : vector<16xf32>, vector<16xi32> -> vector<16xf32>
      %add3A_422 = arith.addf %add3A_412, %gather3A_421 : vector<16xf32>
      %add3A_423 = arith.constant 1 : i32
      %add3A_424 = vector.broadcast %add3A_423 : i32 to vector<16xi32>
      %add3A_425 = arith.addi %iota3A_392, %add3A_424 : vector<16xi32>
      %and3A_426 = arith.constant 15 : i32
      %and3A_427 = vector.broadcast %and3A_426 : i32 to vector<16xi32>
      %and3A_428 = arith.andi %add3A_425, %and3A_427 : vector<16xi32>
      %broadcast_in_dim3A_429 = vector.shape_cast %and3A_428 : vector<16xi32> to vector<16x1xi32>
      %gather3A_430 = vector.shape_cast %broadcast_in_dim3A_429 : vector<16x1xi32> to vector<16xi32>
      %gather3A_431 = tpu.dynamic_gather %add3A_422[%gather3A_430] in [0] : vector<16xf32>, vector<16xi32> -> vector<16xf32>
      %add3A_432 = arith.addf %add3A_422, %gather3A_431 : vector<16xf32>
      %swap3A_433 = arith.constant 0 : index
      %swap3A_434 = tpu.vector_load %arg10[%swap3A_433] {strides = array<i32>} : memref<16xf32, #tpu.memory_space<vmem>>, vector<16xf32>,
      %swap3A_435 = vector.shape_cast %swap3A_434 : vector<16xf32> to vector<16xf32>
      %swap3A_436 = vector.shape_cast %add3A_432 : vector<16xf32> to vector<16xf32>
      tpu.vector_store %arg10[%swap3A_433], %swap3A_436 {strides = array<i32>} : memref<16xf32, #tpu.memory_space<vmem>>, vector<16xf32>,
      "tpu.region"() ({
        %run_scoped3A = tpu.sem_alloc : memref<!tpu.dma_semaphore, #tpu.memory_space<semaphore_mem>>
        tpu.enqueue_dma source(%arg10 : memref<16xf32, #tpu.memory_space<vmem>>) target(%arg5 : memref<16xf32, #tpu.memory_space<hbm>>) target_semaphore(%run_scoped3A : memref<!tpu.dma_semaphore, #tpu.memory_space<semaphore_mem>>)
        tpu.wait_dma2 semaphore(%run_scoped3A : memref<!tpu.dma_semaphore, #tpu.memory_space<semaphore_mem>>) src(%arg10 : memref<16xf32, #tpu.memory_space<vmem>>) dst(%arg5 : memref<16xf32, #tpu.memory_space<hbm>>)
        tpu.yield
      }) : () -> ()
    } else {
    }
    return
  }
}

module attributes {stable_mosaic.version = 14 : i64} {
  func.func @_tc_dense(%arg0: memref<84x160x125xf32, #tpu.memory_space<vmem>>, %arg1: memref<160x128xi32, #tpu.memory_space<vmem>>, %arg2: memref<160x128xf32, #tpu.memory_space<vmem>>, %arg3: memref<1x16xi32, #tpu.memory_space<vmem>>) attributes {dimension_semantics = [], scalar_prefetch = 0 : i64, scratch_operands = 0 : i64, tpu.core_type = #tpu.core_type<tc>} {
    %get3A = arith.constant 0 : index
    %get3A_0 = arith.constant 0 : index
    %get3A_1 = arith.constant 0 : index
    %get3A_2 = vector.load %arg0[%get3A, %get3A_0, %get3A_1] : memref<84x160x125xf32, #tpu.memory_space<vmem>>, vector<84x160x125xf32>
    %slice3A = vector.extract_strided_slice %get3A_2 {offsets = [4, 0, 0], sizes = [80, 160, 125], strides = [1, 1, 1]} : vector<84x160x125xf32> to vector<80x160x125xf32>
    %reduce_max3A = arith.constant dense<0xFF800000> : vector<160x125xf32>
    %reduce_max3A_3 = vector.multi_reduction <maximumf>, %slice3A, %reduce_max3A [0] : vector<80x160x125xf32> to vector<160x125xf32>
    %slice3A_4 = vector.extract_strided_slice %get3A_2 {offsets = [0, 0, 0], sizes = [4, 160, 125], strides = [1, 1, 1]} : vector<84x160x125xf32> to vector<4x160x125xf32>
    %reduce_sum3A = arith.constant dense<0.000000e+00> : vector<160x125xf32>
    %reduce_sum3A_5 = vector.multi_reduction <add>, %slice3A_4, %reduce_sum3A [0] : vector<4x160x125xf32> to vector<160x125xf32>
    %add3A = arith.addf %reduce_max3A_3, %reduce_sum3A_5 : vector<160x125xf32>
    %bitcast_convert_type3A = tpu.bitcast %reduce_max3A_3 : vector<160x125xf32> -> vector<160x125xi32>
    %ge3A = arith.constant 0 : i32
    %ge3A_6 = vector.broadcast %ge3A : i32 to vector<160x125xi32>
    %ge3A_7 = arith.cmpi sge, %bitcast_convert_type3A, %ge3A_6 : vector<160x125xi32>
    %xor3A = arith.constant 2147483647 : i32
    %xor3A_8 = vector.broadcast %xor3A : i32 to vector<160x125xi32>
    %xor3A_9 = arith.xori %bitcast_convert_type3A, %xor3A_8 : vector<160x125xi32>
    %select_n3A = arith.select %ge3A_7, %bitcast_convert_type3A, %xor3A_9 : vector<160x125xi1>, vector<160x125xi32>
    %broadcast_in_dim3A = arith.constant -2147483648 : i32
    %broadcast_in_dim3A_10 = vector.broadcast %broadcast_in_dim3A : i32 to vector<160x3xi32>
    %concatenate3A = tpu.concatenate %select_n3A, %broadcast_in_dim3A_10 in 1 : vector<160x125xi32>, vector<160x3xi32> -> vector<160x128xi32>
    %swap3A = arith.constant 0 : index
    %swap3A_11 = arith.constant 0 : index
    %swap3A_12 = vector.load %arg1[%swap3A, %swap3A_11] : memref<160x128xi32, #tpu.memory_space<vmem>>, vector<160x128xi32>
    tpu.vector_store %arg1[%swap3A, %swap3A_11], %concatenate3A {strides = array<i32>} : memref<160x128xi32, #tpu.memory_space<vmem>>, vector<160x128xi32>,
    %broadcast_in_dim3A_13 = arith.constant 0.000000e+00 : f32
    %broadcast_in_dim3A_14 = vector.broadcast %broadcast_in_dim3A_13 : f32 to vector<160x3xf32>
    %concatenate3A_15 = tpu.concatenate %add3A, %broadcast_in_dim3A_14 in 1 : vector<160x125xf32>, vector<160x3xf32> -> vector<160x128xf32>
    %swap3A_16 = arith.constant 0 : index
    %swap3A_17 = arith.constant 0 : index
    %swap3A_18 = vector.load %arg2[%swap3A_16, %swap3A_17] : memref<160x128xf32, #tpu.memory_space<vmem>>, vector<160x128xf32>
    tpu.vector_store %arg2[%swap3A_16, %swap3A_17], %concatenate3A_15 {strides = array<i32>} : memref<160x128xf32, #tpu.memory_space<vmem>>, vector<160x128xf32>,
    %ge3A_19 = arith.constant 1048576000 : i32
    %ge3A_20 = vector.broadcast %ge3A_19 : i32 to vector<160x125xi32>
    %ge3A_21 = arith.cmpi sge, %select_n3A, %ge3A_20 : vector<160x125xi32>
    %convert_element_type3A = arith.extui %ge3A_21 : vector<160x125xi1> to vector<160x125xi32>
    %reduce_sum3A_22 = vector.shape_cast %convert_element_type3A : vector<160x125xi32> to vector<1x160x125xi32>
    %reduce_sum3A_23 = arith.constant dense<0> : vector<1xi32>
    %reduce_sum3A_24 = vector.multi_reduction <add>, %reduce_sum3A_22, %reduce_sum3A_23 [1, 2] : vector<1x160x125xi32> to vector<1xi32>
    %reduce_sum3A_25 = vector.shape_cast %reduce_sum3A_24 : vector<1xi32> to vector<1x1x1xi32>
    %reduce_sum3A_26 = vector.extract %reduce_sum3A_25[0, 0, 0] : i32 from vector<1x1x1xi32>
    %gt3A = arith.constant 2000 : i32
    %gt3A_27 = arith.cmpi sgt, %reduce_sum3A_26, %gt3A : i32
    %reduce_max3A_28 = vector.shape_cast %select_n3A : vector<160x125xi32> to vector<1x160x125xi32>
    %reduce_max3A_29 = arith.constant dense<-2147483648> : vector<1xi32>
    %reduce_max3A_30 = vector.multi_reduction <maxsi>, %reduce_max3A_28, %reduce_max3A_29 [1, 2] : vector<1x160x125xi32> to vector<1xi32>
    %reduce_max3A_31 = vector.shape_cast %reduce_max3A_30 : vector<1xi32> to vector<1x1x1xi32>
    %reduce_max3A_32 = vector.extract %reduce_max3A_31[0, 0, 0] : i32 from vector<1x1x1xi32>
    %jit3A = arith.constant 1048576000 : i32
    %jit3A_33 = arith.constant 1048575999 : i32
    %select_n3A_34 = arith.select %gt3A_27, %jit3A, %jit3A_33 : i32
    %max3A = arith.constant 1048576000 : i32
    %max3A_35 = arith.maxsi %reduce_max3A_32, %max3A : i32
    %jit3A_36 = arith.constant 1048575999 : i32
    %select_n3A_37 = arith.select %gt3A_27, %max3A_35, %jit3A_36 : i32
    %gt3A_38 = vector.broadcast %select_n3A_37 : i32 to vector<160x125xi32>
    %gt3A_39 = arith.cmpi sgt, %select_n3A, %gt3A_38 : vector<160x125xi32>
    %convert_element_type3A_40 = arith.extui %gt3A_39 : vector<160x125xi1> to vector<160x125xi32>
    %reduce_sum3A_41 = vector.shape_cast %convert_element_type3A_40 : vector<160x125xi32> to vector<1x160x125xi32>
    %reduce_sum3A_42 = arith.constant dense<0> : vector<1xi32>
    %reduce_sum3A_43 = vector.multi_reduction <add>, %reduce_sum3A_41, %reduce_sum3A_42 [1, 2] : vector<1x160x125xi32> to vector<1xi32>
    %reduce_sum3A_44 = vector.shape_cast %reduce_sum3A_43 : vector<1xi32> to vector<1x1x1xi32>
    %reduce_sum3A_45 = vector.extract %reduce_sum3A_44[0, 0, 0] : i32 from vector<1x1x1xi32>
    %iota3A = tpu.iota {dimensions = array<i32: 1>} : vector<1x16xi32>
    %eq3A = arith.constant 0 : i32
    %eq3A_46 = vector.broadcast %eq3A : i32 to vector<1x16xi32>
    %eq3A_47 = arith.cmpi eq, %iota3A, %eq3A_46 : vector<1x16xi32>
    %eq3A_48 = arith.constant 1 : i32
    %eq3A_49 = vector.broadcast %eq3A_48 : i32 to vector<1x16xi32>
    %eq3A_50 = arith.cmpi eq, %iota3A, %eq3A_49 : vector<1x16xi32>
    %eq3A_51 = arith.constant 2 : i32
    %eq3A_52 = vector.broadcast %eq3A_51 : i32 to vector<1x16xi32>
    %eq3A_53 = arith.cmpi eq, %iota3A, %eq3A_52 : vector<1x16xi32>
    %eq3A_54 = arith.constant 3 : i32
    %eq3A_55 = vector.broadcast %eq3A_54 : i32 to vector<1x16xi32>
    %eq3A_56 = arith.cmpi eq, %iota3A, %eq3A_55 : vector<1x16xi32>
    %jit3A_57 = arith.constant 0 : i32
    %broadcast_in_dim3A_58 = vector.broadcast %reduce_sum3A_26 : i32 to vector<1x16xi32>
    %broadcast_in_dim3A_59 = vector.broadcast %jit3A_57 : i32 to vector<1x16xi32>
    %select_n3A_60 = arith.select %eq3A_56, %broadcast_in_dim3A_58, %broadcast_in_dim3A_59 : vector<1x16xi1>, vector<1x16xi32>
    %broadcast_in_dim3A_61 = vector.broadcast %reduce_sum3A_45 : i32 to vector<1x16xi32>
    %select_n3A_62 = arith.select %eq3A_53, %broadcast_in_dim3A_61, %select_n3A_60 : vector<1x16xi1>, vector<1x16xi32>
    %broadcast_in_dim3A_63 = vector.broadcast %select_n3A_37 : i32 to vector<1x16xi32>
    %select_n3A_64 = arith.select %eq3A_50, %broadcast_in_dim3A_63, %select_n3A_62 : vector<1x16xi1>, vector<1x16xi32>
    %broadcast_in_dim3A_65 = vector.broadcast %select_n3A_34 : i32 to vector<1x16xi32>
    %select_n3A_66 = arith.select %eq3A_47, %broadcast_in_dim3A_65, %select_n3A_64 : vector<1x16xi1>, vector<1x16xi32>
    %swap3A_67 = arith.constant 0 : index
    %swap3A_68 = arith.constant 0 : index
    %swap3A_69 = vector.load %arg3[%swap3A_67, %swap3A_68] : memref<1x16xi32, #tpu.memory_space<vmem>>, vector<1x16xi32>
    tpu.vector_store %arg3[%swap3A_67, %swap3A_68], %select_n3A_66 {strides = array<i32>} : memref<1x16xi32, #tpu.memory_space<vmem>>, vector<1x16xi32>,
    return
  }
}

</mosaic_0001>

<sc_bundles>
// kernel: kernel.4.cloned.1.call-start
scs
__scs_entry_jumppad:
0x0: {  	(pc) =	sbr.rel $0x88, $3  }
0x1: {  	(tag) =	ssettag $0x0;
	lr =	simm.s32 $0x1  }
0x2: {  	[smem:$0x3FA0] =	sst lr;
	_ =	strace $0xD0000000  }
0x3: {  	_ = 	snop  }
0x4: {  	_ = 	snop  }
0x5: {  	_ = 	snop  }
0x6: {  	_ = 	snop  }
0x7: {  	_ = 	snop  }
__scs_overlays_trampoline_lowered:
0x8: {  	[smem:$0x3FAF] =	sst s0  }
0x9: {  	[smem:$0x3FB0] =	sst s1  }
0xa: {  	[smem:$0x3FB1] =	sst s2  }
0xb: {  	[smem:$0x3FB2] =	sst s3  }
0xc: {  	[smem:$0x3FB3] =	sst s4  }
0xd: {  	[smem:$0x3FB4] =	sst s5  }
0xe: {  	[smem:$0x3FB5] =	sst s6  }
0xf: {  	[smem:$0x3FB6] =	sst s7  }
0x10: {  	[smem:$0x3FB7] =	sst s8  }
0x11: {  	[smem:$0x3FB8] =	sst s9;
	s0 =	simm.s32 @!p0 $0x0  }
0x12: {  	s1 =	sld [smem:$0x3F9E];
	s0 =	simm.s32 @p0 $0x1  }
0x13: {  	[smem:$0x3FB9] =	sst s0;
	s0 =	simm.s32 @!p1 $0x0  }
0x14: {  	s2 =	sld [smem:$0x3F9D];
	s0 =	simm.s32 @p1 $0x1  }
0x15: {  	[smem:$0x3FBA] =	sst s0;
	s0 =	simm.s32 @!p2 $0x0  }
0x16: {  	s3 =	sld [smem:$0x3FDB];
	s0 =	simm.s32 @p2 $0x1  }
0x17: {  	s4 =	simm.s32 $0x1BF5;
	[smem:$0x3FBC] =	sst s0  }
0x18: {  	s0 =	sld [smem:$0x3F9F];
	_ =	swait.ge [sflag:s4], $0x0  }
0x19: {  	s7 =	sld [smem:$0x3FA0]  }
0x1a: {  	s8 =	sadd.s32 $0xFFFFE003, lr  }
0x1b: {  	s9 =	sadd.s32 $0xFFFFFEF7, lr;
	s5 =	simm.s32 $0xFFFFFFFF;
	p2 =	slt.u32 s8, $0xFFFFF086  }
0x1c: {  	p1 =	slt.u32 s9, $0xF7A;
	s5 =	simm.s32 @!p2 $0x0  }
0x1d: {  	s5 =	simm.s32 @p1 $0x1;
	p0 =	seq.s32 s7, s2  }
0x1e: {  	s7 =	smul.u32 @!p0 $0xF7A, s2;
	p2 =	seq.s32 @!p0 s5, $0x0  }
0x1f: {  	s9 =	smul.u32 $0xF7A, s1;
	s8 =	simm.s32 @!p0 $0x1BF5;
	p2 =	por !p2, p0  }
0x20: {  	[sflag:s8] =	ssyncset.s32 @!p0 $0xFFFFF086;
	s6 =	sadd.s32 @!p0 s3, s7;
	s7 =	simm.s32 @!p0 $0x108  }
0x21: {  	s3 =	sadd.s32 s3, s9;
	s6 =	sadd.s32 @!p0 $0x88, s6;
	s7 =	simm.s32 @p2 $0x1082  }
0x22: {  	[simem:s7], [sflag:s8] =	dma.local @!p0 [hbm:s6], $0xF7A  }
0x23: {  	s9 =	sor.u32 $0xD0000000, s2;
	s6 =	simm.s32 $0x108;
	_ =	swait.ge @!p0 [sflag:s8], $0x0  }
0x24: {  	s3 =	sadd.s32 $0x88, s3;
	s6 =	simm.s32 @!p1 $0x1082;
	[sflag:s4] =	ssyncset.s32 $0xFFFFF086  }
0x25: {  	[simem:s6], [sflag:s4] =	dma.local [hbm:s3], $0xF7A  }
0x26: {  	[smem:$0x3FA0] =	sst s1;
	(tag) =	ssettag s2;
	_ =	strace s9  }
0x27: {  	s1 =	sld [smem:$0x3FB0]  }
0x28: {  	s2 =	sld [smem:$0x3FB1]  }
0x29: {  	s4 =	sld [smem:$0x3FB3]  }
0x2a: {  	p0 =	seq.s32 s5, $0x0;
	s5 =	sld [smem:$0x3FB4]  }
0x2b: {  	s6 =	sld [smem:$0x3FB5]  }
0x2c: {  	s7 =	sld [smem:$0x3FB6]  }
0x2d: {  	s3 =	simm.s32 $0x108;
	s8 =	sld [smem:$0x3FB7]  }
0x2e: {  	s3 =	simm.s32 @!p0 $0x1082;
	s9 =	sld [smem:$0x3FB8]  }
0x2f: {  	lr =	sadd.s32 s0, s3;
	s0 =	sld [smem:$0x3FAF]  }
0x30: {  	s3 =	sld [smem:$0x3FB2]  }
0x31: {  	[smem:$0x3FBB] =	sst s10  }
0x32: {  	s10 =	sld [smem:$0x3FB9];
	_ =	sdelay $0x3  }
0x33: {  	p0 =	seq.s32 s10, $0x1;
	s10 =	sld [smem:$0x3FBB];
	_ =	sdelay $0x3  }
0x34: {  	[smem:$0x3FBB] =	sst s10  }
0x35: {  	s10 =	sld [smem:$0x3FBA];
	_ =	sdelay $0x3  }
0x36: {  	p1 =	seq.s32 s10, $0x1;
	s10 =	sld [smem:$0x3FBB];
	_ =	sdelay $0x3  }
0x37: {  	[smem:$0x3FBB] =	sst s10  }
0x38: {  	s10 =	sld [smem:$0x3FBC]  }
0x39: {  	_ = 	snop;
	(pc) =	sbr.ind lr, $3  }
0x3a: {  	_ = 	snop  }
0x3b: {  	_ = 	snop  }
0x3c: {  	p2 =	seq.s32 s10, $0x1;
	s10 =	sld [smem:$0x3FBB]  }
0x3d: {  	_ =	shalt  }
0x3e: {  	_ =	shalt  }
0x3f: {  	_ =	shalt  }
0x40: {  	_ =	shalt  }
0x41: {  	_ =	shalt  }
0x42: {  	_ =	shalt  }
0x43: {  	_ =	shalt  }
0x44: {  	_ =	shalt  }
0x45: {  	_ =	shalt  }
0x46: {  	_ =	shalt  }
0x47: {  	_ =	shalt  }
0x48: {  	_ =	shalt  }
0x49: {  	_ =	shalt  }
0x4a: {  	_ =	shalt  }
0x4b: {  	_ =	shalt  }
0x4c: {  	_ =	shalt  }
0x4d: {  	_ =	shalt  }
0x4e: {  	_ =	shalt  }
0x4f: {  	_ =	shalt  }
0x50: {  	_ =	shalt  }
0x51: {  	_ =	shalt  }
0x52: {  	_ =	shalt  }
0x53: {  	_ =	shalt  }
0x54: {  	_ =	shalt  }
0x55: {  	_ =	shalt  }
0x56: {  	_ =	shalt  }
0x57: {  	_ =	shalt  }
0x58: {  	_ =	shalt  }
0x59: {  	_ =	shalt  }
0x5a: {  	_ =	shalt  }
0x5b: {  	_ =	shalt  }
0x5c: {  	_ =	shalt  }
0x5d: {  	_ =	shalt  }
0x5e: {  	_ =	shalt  }
0x5f: {  	_ =	shalt  }
0x60: {  	_ =	shalt  }
0x61: {  	_ =	shalt  }
0x62: {  	_ =	shalt  }
0x63: {  	_ =	shalt  }
0x64: {  	_ =	shalt  }
0x65: {  	_ =	shalt  }
0x66: {  	_ =	shalt  }
0x67: {  	_ =	shalt  }
0x68: {  	_ =	shalt  }
0x69: {  	_ =	shalt  }
0x6a: {  	_ =	shalt  }
0x6b: {  	_ =	shalt  }
0x6c: {  	_ =	shalt  }
0x6d: {  	_ =	shalt  }
0x6e: {  	_ =	shalt  }
0x6f: {  	_ =	shalt  }
0x70: {  	_ =	shalt  }
0x71: {  	_ =	shalt  }
0x72: {  	_ =	shalt  }
0x73: {  	_ =	shalt  }
0x74: {  	_ =	shalt  }
0x75: {  	_ =	shalt  }
0x76: {  	_ =	shalt  }
0x77: {  	_ =	shalt  }
0x78: {  	_ =	shalt  }
0x79: {  	_ =	shalt  }
0x7a: {  	_ =	shalt  }
0x7b: {  	_ =	shalt  }
0x7c: {  	_ =	shalt  }
0x7d: {  	_ =	shalt  }
0x7e: {  	_ =	shalt  }
0x7f: {  	_ =	shalt  }
0x80: {  	_ =	shalt  }
0x81: {  	_ =	shalt  }
0x82: {  	_ =	shalt  }
0x83: {  	_ =	shalt  }
0x84: {  	_ =	shalt  }
0x85: {  	_ =	shalt  }
0x86: {  	_ =	shalt  }
0x87: {  	_ =	shalt  }
.Lfunc_end0:
.L_simem_size_0:
called_computation_lowered:
.L_overlay_start_0:
0x88: {  	s0 =	sld [smem:$0x3FD9]  }
0x89: {  	s1 =	sld [smem:$0x3FFE];
	_ =	sdelay $0x3  }
0x8a: {  	s0 =	sadd.s32 s1, s0  }
0x8b: {  	[smem:$0x3FC7] =	sst s0  }
0x8c: {  	_ = 	snop  }
0x8d: {  	s0 =	sld [smem:$0x3FD0];
	(tm) =	ssettm $0x1  }
0x8e: {  	s16 =	sld [smem:$0x3FFB];
	_ =	sdelay $0x3  }
0x8f: {  	_ =	strace s16  }
0x90: {  	s1 =	sld [smem:$0x3FFC];
	_ =	sdelay $0x3  }
0x91: {  	_ =	strace s1  }
0x92: {  	s1 =	sld [smem:$0x3FFD];
	_ =	sdelay $0x3  }
0x93: {  	_ =	strace s1  }
0x94: {  	_ =	strace $0x8FFFFFFF  }
0x95: {  	s17 =	sld [smem:$0x3FDB];
	_ =	sdelay $0x1  }
0x96: {  	s2 =	simm.s32 $_scs_section_size  }
0x97: {  	s3 =	simm.s32 $_size__tile_overlayer_lowered;
	s4 =	simm.s32 $_tile_overlayer_lowered  }
0x98: {  	s20 =	simm.s32 $0x1BFF;
	s19 =	sshll.u32 s4, $0x1;
	s1 =	sadd.s32 s2, s17  }
0x99: {  	s5 =	simm.s32 $0x0;
	s18 =	sshll.u32 s3, $0x1;
	s3 =	sadd.s32 s19, s1  }
0x9a: {  	[timem:s5], [sflag:s20] =	dma.local [hbm:s3], s18  }
0x9b: {  	_ =	swait.ge [sflag:s20], s18  }
0x9c: {  	s2 =	ssub.s32 $0x0, s18;
	[sflag:s20] =	ssyncset.done $0x0  }
0x9d: {  	[sflag:s20] =	ssyncadd.s32 s2;
	_ =	sdelay $0x1  }
0x9e: {  	s21 =	simm.s32 $0x1B8B  }
0x9f: {  	_ =	swait.ge [sflag:s21], $0x1  }
0xa0: {  	[sflag:s21] =	ssyncset.done $0x0  }
0xa1: {  	s23 =	simm.s32 $0x1B8E;
	s22 =	sld [smem:$0x3FFE];
	[sflag:s21] =	ssyncadd.s32 $0xFFFFFFFF  }
0xa2: {  	s24 =	simm.s32 $execute0_lowered;
	[smem:$0x3FD2] =	sst s23  }
0xa3: {  	s3 =	sshll.u32 s24, $0x1;
	_ =	strace $0x80000046;
	[dreg:$0x1] =	wrdreg $0xFFFFFFFF  }
0xa4: {  	s25 =	simm.s32 $_size_execute0_lowered;
	s1 =	sadd.s32 s1, s3;
	[dreg:$0x0] =	wrdreg $0x0  }
0xa5: {  	s3 =	sshll.u32 s25, $0x1;
	[dreg:$0x2] =	wrdreg s1  }
0xa6: {  	[dreg:$0x3] =	wrdreg s3  }
0xa7: {  	[dreg:$0x4] =	wrdreg $0xC0  }
0xa8: {  	_ =	task [dreg:s5], $0x5FFFF  }
0xa9: {  	[dreg:$0x1] =	wrdreg $0xFFFFFFFF  }
0xaa: {  	[dreg:$0x0] =	wrdreg $0x60  }
0xab: {  	[dreg:$0x2] =	wrdreg s22  }
0xac: {  	[dreg:$0x3] =	wrdreg s0  }
0xad: {  	[dreg:$0x4] =	wrdreg $0xD000  }
0xae: {  	[dreg:$0x5] =	wrdreg $0xD200  }
0xaf: {  	[dreg:$0x6] =	wrdreg $0x9  }
0xb0: {  	_ =	task.clear_ibuf [dreg:s5], $0x7FFFF;
	_ =	strace $0x90000046  }
0xb1: {  	s26 =	simm.s32 $0x9;
	_ =	strace $0x80000048  }
0xb2: {  	_ =	swait.ge [sflag:s26], $0x1  }
0xb3: {  	[sflag:s26] =	ssyncadd.s32 $0xFFFFFFFF  }
0xb4: {  	_ =	strace $0x90000048  }
0xb5: {  	_ =	sfence  }
0xb6: {  	s28 =	sld [smem:$0x0];
	_ =	sdelay $0x1  }
0xb7: {  	s29 =	srdreg.scid  }
0xb8: {  	s30 =	sshll.u32 s29, $0xD;
	s31 =	sshrl.u32 s29, $0x2  }
0xb9: {  	s2 =	sand.u32 $0x4000, s30;
	s1 =	sand.u32 $0x1, s29;
	s0 =	sadd.s32 s31, s28  }
0xba: {  	s1 =	sor.u32 s2, s1;
	s0 =	sshll.u32 s0, $0x11  }
0xbb: {  	s0 =	sor.u32 s0, s1  }
0xbc: {  	s0 =	sadd.s32 $0x8F2B, s0  }
0xbd: {  	[sflag:s0] =	ssyncadd.remote.s32 $0x1  }
0xbe: {  	_ =	sfence.sel $0xFFFF  }
0xbf: {  	[dreg:$0x0] =	wrdreg $0xFFFFFFFF;
	(pc) =	sbr.abs _section_cstart, $3  }
0xc0: {  	[dreg:$0x1] =	wrdreg $0xFFFFFFFF  }
0xc1: {  	_ =	task.clear_ibuf [dreg:s5], $0x2FFFF;
	_ =	strace $0x9FFFFFFF  }
0xc2: {  	(tm) =	ssettm $0x7FFFFFFF  }
0xc3: {  	_ =	shalt  }
tec
execute0_lowered:
.L_overlay_start_1:
0x0: {  	(tag) =	ssettag $0x1  }
0x1: {  	vm4 =	vcmask $0x300;
	v0 =	vimm.s32 $0xF1  }
0x2: {  	vm3 =	vcmask $0x704;
	vm2 =	vcmask $0xB08;
	v1 =	vimm.s32 $0x89ABCDE  }
0x3: {  	vm1 =	vcmask $0xF0C;
	vm0 =	vcmask $0x1310;
	v2 =	vimm.s32 $0xF7F4F5F6  }
0x4: {  	vm5 =	vcmask $0x1B00;
	v3 =	vimm.s32 $0x89ABCD;
	vm14 =	vcmask $0x2B1C  }
0x5: {  	v5 =	vimm.s32 $0xF3F0F1F2;
	v6 =	vimm.s32 $0x89ABC;
	vm15 =	vcmask $0x1700  }
0x6: {  	v7 =	vimm.s32 $0xF6F7F4F5;
	v9 =	vimm.s32 $0xF5F6F7F4;
	vm8 =	vcmask $0x2718  }
0x7: {  	vm9 =	vcmask $0x2314;
	v52 =	vimm.s32 $0xFCFDFEFF;
	vm10 =	vcmask $0x1F10  }
0x8: {  	v10 =	vimm.s32 $0xF0F1F2F3;
	v11 =	vimm.s32 $0xF8F9FAFB;
	v12 =	vimm.s32 $0xF4F5F6F7  }
0x9: {  	v13 =	vimm.s32 $0xFBFCFDFE;
	v14 =	vimm.s32 $0xFFF0F1F2;
	v15 =	vimm.s32 $0xF7F8F9FA  }
0xa: {  	v16 =	vimm.s32 $0xF3F4F5F6;
	v17 =	vimm.s32 $0xFAFBFCFD;
	v18 =	vimm.s32 $0xFEFFF0F1  }
0xb: {  	v53 =	vimm.s32 $0xF6F7F8F9;
	v54 =	vimm.s32 $0xF2F3F4F5;
	v55 =	vimm.s32 $0xF9FAFBFC  }
0xc: {  	v56 =	vimm.s32 $0xFDFEFFF0;
	v57 =	vimm.s32 $0xF5F6F7F8;
	vm7 =	vcmask $0xF00  }
0xd: {  	vm6 =	vcmask $0x3B20;
	v60 =	vimm.s32 $0xCDEF89AB;
	vm11 =	vcmask $0x3720  }
0xe: {  	v61 =	vimm.s32 $0xF5F6F700;
	v63 =	vimm.s32 $0xBCDE089A;
	vm12 =	vcmask $0x2F10  }
0xf: {  	vm13 =	vcmask $0x1F14;
	v23 =	vimm.s32 $0x1E2;
	v38 =	vimm.s32 $0x2D3  }
0x10: {  	v39 =	vimm.s32 $0x3C4;
	v40 =	vimm.s32 $0x4B5;
	v41 =	vimm.s32 $0x5A6  }
0x11: {  	v42 =	vimm.s32 $0x697;
	v43 =	vimm.s32 $0x788;
	v44 =	vimm.s32 $0x879  }
0x12: {  	v45 =	vimm.s32 $0x96A;
	v46 =	vimm.s32 $0xA5B;
	v47 =	vimm.s32 $0xB4C  }
0x13: {  	v48 =	vimm.s32 $0xC3D;
	v49 =	vimm.s32 $0xD2E;
	v50 =	vimm.s32 $0xE1F  }
0x14: {  	v0 =	vsel vm4, $0x1E2, v0;
	v1 =	vunpack.c.l.s4.s8 v1;
	v2 =	vunpack.c.0.s8.s32 v2  }
0x15: {  	v3 =	vunpack.c.l.s4.s8 v3;
	v5 =	vunpack.c.0.s8.s32 v5;
	v6 =	vunpack.c.l.s4.s8 v6  }
0x16: {  	v7 =	vunpack.c.0.s8.s32 v7;
	v24 =	vunpack.c.0.s8.s32 v9;
	v9 =	vunpack.c.0.s8.s32 v52  }
0x17: {  	v10 =	vunpack.c.0.s8.s32 v10;
	v11 =	vunpack.c.0.s8.s32 v11;
	v12 =	vunpack.c.0.s8.s32 v12  }
0x18: {  	v13 =	vunpack.c.0.s8.s32 v13;
	v14 =	vunpack.c.0.s8.s32 v14;
	v15 =	vunpack.c.0.s8.s32 v15  }
0x19: {  	v16 =	vunpack.c.0.s8.s32 v16;
	v17 =	vunpack.c.0.s8.s32 v17;
	v18 =	vunpack.c.0.s8.s32 v18  }
0x1a: {  	v26 =	vunpack.c.0.s8.s32 v56;
	v52 =	vimm.s32 $0xF1F2F3F0;
	v0 =	vsel vm3, $0x2D3, v0  }
0x1b: {  	v0 =	vsel vm2, $0x3C4, v0;
	v1 =	vunpack.c.0.s8.s32 v1;
	v3 =	vunpack.c.0.s8.s32 v3  }
0x1c: {  	v6 =	vunpack.c.0.s8.s32 v6;
	v27 =	vsel vm10, v9, v10;
	v31 =	vsel vm10, v12, v11  }
0x1d: {  	v28 =	vsel vm10, v13, v14;
	v29 =	vsel vm10, v16, v15;
	v30 =	vsel vm10, v17, v18  }
0x1e: {  	v9 =	vunpack.c.0.s8.s32 v53;
	v11 =	vunpack.c.0.s8.s32 v54;
	v13 =	vunpack.c.0.s8.s32 v55  }
0x1f: {  	v17 =	vimm.s32 $0xF1F2F3F4;
	v15 =	vunpack.c.0.s8.s32 v57;
	v58 =	vnsel vm7, $0xFFFFFFF7, v16  }
0x20: {  	v36 =	vsel vm10, v10, v12;
	v22 =	vnsel vm7, $0xFFFFFFF2, v18;
	v0 =	vsel vm1, $0x4B5, v0  }
0x21: {  	v19 =	vunpack.c.0.s8.s32 v17;
	v4 =	vnsel vm5, $0xFFFFFFFF, v1;
	v0 =	vsel vm0, $0x5A6, v0  }
0x22: {  	v8 =	vnsel vm15, $0xFFFFFFFE, v3;
	v25 =	vsel vm9, v24, v6;
	v33 =	vsel vm10, v11, v9  }
0x23: {  	v32 =	vsel vm10, v13, v26;
	v9 =	vsel vm10, v14, v58;
	v59 =	vnsel vm7, $0xFFFFFFF6, v11  }
0x24: {  	vm15 =	vcmask $0x2B10;
	v13 =	vimm.s32 $0xABCD0089;
	vm9 =	vcmask $0x2F2C  }
0x25: {  	v4 =	vsel vm14, v2, v4;
	v8 =	vsel vm8, v7, v8;
	v34 =	vsel vm10, v19, v15  }
0x26: {  	v1 =	vsel vm6, v1, v9;
	v9 =	vunpack.c.l.s4.s8 v60;
	v35 =	vsel vm10, v26, v19  }
0x27: {  	vm14 =	vcmask $0x3F30;
	vm8 =	vcmask $0x3B2C;
	v15 =	vimm.s32 $0xF2F3F0F1  }
0x28: {  	v60 =	vimm.s32 $0x9ABC0008;
	[tilespmem:$0x1FDA0] =	vst v1;
	v1 =	vsel vm10, v18, v59;
	vm10 =	vcmask $0x1714  }
0x29: {  	v4 =	vsel vm8, v5, v4;
	v5 =	vsel vm4, $0x697, v41;
	v18 =	vlaneseq.u32  }
0x2a: {  	v41 =	vimm.s32 $0xDCBA9876;
	v17 =	vsel vm11, v3, v1;
	v62 =	vunpack.c.0.s8.s32 v9  }
0x2b: {  	v1 =	vunpack.c.0.s8.s32 v61;
	v9 =	vunpack.c.l.s4.s8 v63;
	[tilespmem:$0x1FDC0] =	vst v4;
	v4 =	vunpack.c.0.s8.s32 v15  }
0x2c: {  	vm11 =	vcmask $0x3728;
	v0 =	vsel vm10, $0x697, v0;
	v15 =	vsel vm4, $0xF10, v50  }
0x2d: {  	v5 =	vsel vm3, $0x788, v5;
	v16 =	vmul.u32 $0xF1, v18;
	v50 =	vimm.s32 $0x43210FED  }
0x2e: {  	v15 =	vsel vm3, $0xF1, v15;
	v5 =	vsel vm2, $0x879, v5;
	v3 =	vsel vm12, v62, v10  }
0x2f: {  	v37 =	vsel vm13, v1, v6;
	v11 =	vunpack.c.0.s8.s32 v9;
	vm12 =	vcmask $0x2710  }
0x30: {  	v8 =	vsel vm11, v4, v8;
	vm13 =	vcmask $0x1B18;
	v4 =	vsel vm4, $0x5A6, v40  }
0x31: {  	v6 =	vsel vm4, $0x788, v42;
	v9 =	vsel vm4, $0x96A, v44;
	v15 =	vsel vm2, $0x1E2, v15  }
0x32: {  	v5 =	vsel vm1, $0x96A, v5;
	v40 =	vcombine.low v34, v32;
	v42 =	vimm.s32 $0x543210FE  }
0x33: {  	v10 =	vsel vm14, v12, v3;
	v12 =	vnsel vm7, $0xFFFFFFF3, v14;
	v14 =	vunpack.c.l.s4.s8 v13  }
0x34: {  	v0 =	vsel vm13, $0x788, v0;
	v3 =	vsel vm4, $0x4B5, v39;
	v13 =	vsel vm4, $0xD2E, v48  }
0x35: {  	vm14 =	vcmask $0x1F1C;
	v4 =	vsel vm3, $0x697, v4;
	v6 =	vsel vm3, $0x879, v6  }
0x36: {  	v9 =	vsel vm3, $0xA5B, v9;
	v15 =	vsel vm1, $0x2D3, v15;
	v5 =	vsel vm0, $0xA5B, v5  }
0x37: {  	vm7 =	vcmask $0x2724;
	v39 =	vcombine.low v33, v30;
	v44 =	vunpack.c.l.s4.s8 v42  }
0x38: {  	[tilespmem:$0x1FDB0] =	vst v10;
	v1 =	vsel vm15, v11, v12;
	v10 =	vsel vm4, $0xA5B, v45;
	v11 =	vsel vm4, $0xB4C, v46  }
0x39: {  	v12 =	vsel vm4, $0xC3D, v47;
	v3 =	vsel vm3, $0x5A6, v3;
	v13 =	vsel vm3, $0xE1F, v13  }
0x3a: {  	v0 =	vsel vm14, $0x879, v0;
	v4 =	vsel vm2, $0x788, v4;
	v6 =	vsel vm2, $0x96A, v6  }
0x3b: {  	v9 =	vsel vm2, $0xB4C, v9;
	vm15 =	vcmask $0x2320;
	v15 =	vsel vm0, $0x3C4, v15  }
0x3c: {  	v5 =	vsel vm10, $0xB4C, v5;
	v45 =	vcombine.low v35, v37;
	v46 =	vimm.s32 $0xCBA98765  }
0x3d: {  	v1 =	vsel vm8, v2, v1;
	v21 =	vunpack.c.0.s8.s32 v14;
	v2 =	vsel vm4, $0x3C4, v38  }
0x3e: {  	v14 =	vsel vm4, $0xE1F, v49;
	v10 =	vsel vm3, $0xB4C, v10;
	v11 =	vsel vm3, $0xC3D, v11  }
0x3f: {  	v12 =	vsel vm3, $0xD2E, v12;
	v3 =	vsel vm2, $0x697, v3;
	v13 =	vsel vm2, $0xF10, v13  }
0x40: {  	v4 =	vsel vm1, $0x879, v4;
	v6 =	vsel vm1, $0xA5B, v6;
	v9 =	vsel vm1, $0xC3D, v9  }
0x41: {  	v0 =	vsel vm15, $0x96A, v0;
	v15 =	vsel vm10, $0x4B5, v15;
	v5 =	vsel vm13, $0xC3D, v5  }
0x42: {  	vm8 =	vcmask $0x2B28;
	v38 =	vcombine.low v29, v28;
	v2 =	vsel vm3, $0x4B5, v2  }
0x43: {  	v14 =	vsel vm3, $0xF10, v14;
	v10 =	vsel vm2, $0xC3D, v10;
	v11 =	vsel vm2, $0xD2E, v11  }
0x44: {  	v12 =	vsel vm2, $0xE1F, v12;
	v3 =	vsel vm1, $0x788, v3;
	v13 =	vsel vm1, $0xF1, v13  }
0x45: {  	v4 =	vsel vm0, $0x96A, v4;
	v6 =	vsel vm0, $0xB4C, v6;
	v9 =	vsel vm0, $0xD2E, v9  }
0x46: {  	v0 =	vsel vm7, $0xA5B, v0;
	v15 =	vsel vm13, $0x5A6, v15;
	v5 =	vsel vm14, $0xD2E, v5  }
0x47: {  	[tilespmem:$0x1FDD0] =	vst v1;
	v1 =	vsel vm12, v21, v22;
	v2 =	vsel vm2, $0x5A6, v2;
	v14 =	vsel vm2, $0xF1, v14  }
0x48: {  	v10 =	vsel vm1, $0xD2E, v10;
	v11 =	vsel vm1, $0xE1F, v11;
	v12 =	vsel vm1, $0xF10, v12  }
0x49: {  	v3 =	vsel vm0, $0x879, v3;
	v13 =	vsel vm0, $0x1E2, v13;
	v4 =	vsel vm10, $0xA5B, v4  }
0x4a: {  	v6 =	vsel vm10, $0xC3D, v6;
	v9 =	vsel vm10, $0xE1F, v9;
	v15 =	vsel vm14, $0x697, v15  }
0x4b: {  	v0 =	vsel vm8, $0xB4C, v0;
	v5 =	vsel vm15, $0xE1F, v5;
	vm12 =	vcmask $0x3B38  }
0x4c: {  	v21 =	vimm.s32 $0x89ABCDEF;
	v22 =	vsel vm11, v7, v1;
	v1 =	vsel vm4, $0x2D3, v23  }
0x4d: {  	v7 =	vsel vm4, $0x879, v43;
	v2 =	vsel vm1, $0x697, v2;
	v14 =	vsel vm1, $0x1E2, v14  }
0x4e: {  	v10 =	vsel vm0, $0xE1F, v10;
	v11 =	vsel vm0, $0xF10, v11;
	v12 =	vsel vm0, $0xF1, v12  }
0x4f: {  	v3 =	vsel vm10, $0x96A, v3;
	v13 =	vsel vm10, $0x2D3, v13;
	v4 =	vsel vm13, $0xB4C, v4  }
0x50: {  	v6 =	vsel vm13, $0xD2E, v6;
	v9 =	vsel vm13, $0xF10, v9;
	v15 =	vsel vm15, $0x788, v15  }
0x51: {  	v5 =	vsel vm7, $0xF10, v5;
	v0 =	vsel vm9, $0xC3D, v0;
	vm11 =	vcmask $0x3734  }
0x52: {  	v53 =	vsel vm12, $0xFFFFFFFF, v8;
	v63 =	vsel vm12, $0xFFFFFFF7, v17;
	v23 =	vimm.s32 $0x6543210F  }
0x53: {  	v43 =	vunpack.c.l.s4.s8 v41;
	v1 =	vsel vm3, $0x3C4, v1;
	v7 =	vsel vm3, $0x96A, v7  }
0x54: {  	v2 =	vsel vm0, $0x788, v2;
	v14 =	vsel vm0, $0x2D3, v14;
	v10 =	vsel vm10, $0xF10, v10  }
0x55: {  	v11 =	vsel vm10, $0xF1, v11;
	v12 =	vsel vm10, $0x1E2, v12;
	v3 =	vsel vm13, $0xA5B, v3  }
0x56: {  	v13 =	vsel vm13, $0x3C4, v13;
	v4 =	vsel vm14, $0xC3D, v4;
	v6 =	vsel vm14, $0xE1F, v6  }
0x57: {  	v9 =	vsel vm14, $0xF1, v9;
	v15 =	vsel vm7, $0x879, v15;
	v5 =	vsel vm8, $0xF1, v5  }
0x58: {  	v8 =	vsel vm12, $0xFFFFFFF3, v22;
	v22 =	vimm.s32 $0xEDCBA987;
	v1 =	vsel vm2, $0x4B5, v1  }
0x59: {  	v7 =	vsel vm2, $0xA5B, v7;
	v2 =	vsel vm10, $0x879, v2;
	v14 =	vsel vm10, $0x3C4, v14  }
0x5a: {  	v10 =	vsel vm13, $0xF1, v10;
	v11 =	vsel vm13, $0x1E2, v11;
	v12 =	vsel vm13, $0x2D3, v12  }
0x5b: {  	v3 =	vsel vm14, $0xB4C, v3;
	v13 =	vsel vm14, $0x4B5, v13;
	v4 =	vsel vm15, $0xD2E, v4  }
0x5c: {  	v6 =	vsel vm15, $0xF10, v6;
	v9 =	vsel vm15, $0x1E2, v9;
	v15 =	vsel vm8, $0x96A, v15  }
0x5d: {  	v5 =	vsel vm9, $0x1E2, v5;
	v49 =	vunpack.c.0.s8.s32 v43;
	v1 =	vsel vm1, $0x5A6, v1  }
0x5e: {  	v7 =	vsel vm1, $0xB4C, v7;
	v2 =	vsel vm13, $0x96A, v2;
	v14 =	vsel vm13, $0x4B5, v14  }
0x5f: {  	v10 =	vsel vm14, $0x1E2, v10;
	v11 =	vsel vm14, $0x2D3, v11;
	v12 =	vsel vm14, $0x3C4, v12  }
0x60: {  	v3 =	vsel vm15, $0xC3D, v3;
	v13 =	vsel vm15, $0x5A6, v13;
	v4 =	vsel vm7, $0xE1F, v4  }
0x61: {  	v6 =	vsel vm7, $0xF1, v6;
	v9 =	vsel vm7, $0x2D3, v9;
	v15 =	vsel vm9, $0xA5B, v15  }
0x62: {  	v1 =	vsel vm0, $0x697, v1;
	v7 =	vsel vm0, $0xC3D, v7;
	v2 =	vsel vm14, $0xA5B, v2  }
0x63: {  	v14 =	vsel vm14, $0x5A6, v14;
	v10 =	vsel vm15, $0x2D3, v10;
	v11 =	vsel vm15, $0x3C4, v11  }
0x64: {  	v12 =	vsel vm15, $0x4B5, v12;
	v3 =	vsel vm7, $0xD2E, v3;
	v13 =	vsel vm7, $0x697, v13  }
0x65: {  	v4 =	vsel vm8, $0xF10, v4;
	v6 =	vsel vm8, $0x1E2, v6;
	v9 =	vsel vm8, $0x3C4, v9  }
0x66: {  	s7 =	rddreg [dreg:$0x0];
	v1 =	vsel vm10, $0x788, v1;
	v7 =	vsel vm10, $0xD2E, v7;
	v2 =	vsel vm15, $0xB4C, v2  }
0x67: {  	s0 =	rddreg [dreg:$0x1];
	s3 =	stileid.u32;
	v14 =	vsel vm15, $0x697, v14;
	v10 =	vsel vm7, $0x3C4, v10;
	v11 =	vsel vm7, $0x4B5, v11  }
0x68: {  	s4 =	rddreg [dreg:$0x2];
	s6 =	smul.u32 $0xA0, s3;
	v12 =	vsel vm7, $0x5A6, v12;
	v3 =	vsel vm8, $0xE1F, v3;
	v13 =	vsel vm8, $0x788, v13  }
0x69: {  	s2 =	rddreg [dreg:$0x3];
	s5 =	simm.s32 $0x0;
	vm10 =	vcmask $0x3330;
	v4 =	vsel vm9, $0xF1, v4;
	v6 =	vsel vm9, $0x2D3, v6  }
0x6a: {  	[smem:$0x7FF] =	sst s5;
	s8 =	sadd.s32 s6, s7;
	v9 =	vsel vm9, $0x4B5, v9;
	v1 =	vsel vm13, $0x879, v1;
	v7 =	vsel vm13, $0xE1F, v7  }
0x6b: {  	s1 =	rddreg [dreg:$0x4];
	s6 =	sadd.s32 $0x800, s8;
	_ =	strace $0x80000047;
	v2 =	vsel vm7, $0xC3D, v2;
	v14 =	vsel vm7, $0x788, v14;
	v10 =	vsel vm8, $0x4B5, v10  }
0x6c: {  	[tilespmem:s5], [sflag:$0x1] =	stream.linear.gather [hbm4b:s6+s5], $0x500, $0x38;
	v11 =	vsel vm8, $0x5A6, v11;
	v12 =	vsel vm8, $0x697, v12;
	v3 =	vsel vm9, $0xF10, v3;
	[tilespmem:$0xD30] =	vst v63  }
0x6d: {  	s6 =	simm.s32 $0x1;
	v13 =	vsel vm9, $0x879, v13;
	v0 =	vsel vm10, $0xD2E, v0;
	v4 =	vsel vm10, $0x1E2, v4  }
0x6e: {  	_ =	swait.ge [sflag:s6], $0x500;
	v5 =	vsel vm10, $0x2D3, v5;
	v6 =	vsel vm10, $0x3C4, v6;
	v9 =	vsel vm10, $0x5A6, v9  }
0x6f: {  	[sflag:s6] =	ssyncset.done $0x0;
	v15 =	vsel vm10, $0xB4C, v15;
	vm13 =	vcmask $0x2310;
	v1 =	vsel vm14, $0x96A, v1  }
0x70: {  	s9 =	simm.s32 $0x500;
	s8 =	sadd.s32 $0x1200, s8;
	[sflag:s6] =	ssyncadd.s32 $0xFFFFFB00;
	v7 =	vsel vm14, $0xF10, v7;
	v2 =	vsel vm8, $0xD2E, v2;
	v14 =	vsel vm8, $0x879, v14  }
0x71: {  	[tilespmem:s9], [sflag:$0x1] =	stream.linear.gather [hbm4b:s8+s5], $0x500, $0x38;
	v10 =	vsel vm9, $0x5A6, v10;
	v11 =	vsel vm9, $0x697, v11;
	v12 =	vsel vm9, $0x788, v12;
	[tilespmem:$0xD30] =	vst v63  }
0x72: {  	_ =	swait.ge [sflag:s6], $0x500;
	v3 =	vsel vm10, $0xF1, v3;
	v13 =	vsel vm10, $0x96A, v13;
	v0 =	vsel vm11, $0xE1F, v0  }
0x73: {  	[sflag:s6] =	ssyncset.done $0x0;
	v4 =	vsel vm11, $0x2D3, v4;
	v5 =	vsel vm11, $0x3C4, v5;
	v6 =	vsel vm11, $0x4B5, v6  }
0x74: {  	s31 =	sadd.s32 $0x1C00, s7;
	s7 =	simm.s32 $0xA00;
	[sflag:s6] =	ssyncadd.s32 $0xFFFFFB00;
	v9 =	vsel vm11, $0x697, v9;
	v15 =	vsel vm11, $0xC3D, v15;
	vm14 =	vcmask $0x3324  }
0x75: {  	v1 =	vsel vm15, $0xA5B, v1;
	v7 =	vsel vm15, $0xF1, v7;
	v2 =	vsel vm9, $0xE1F, v2;
	[tilespmem:s7], [sflag:$0x1] =	stream.linear.gather [hbm4b:s31+s5], $0x80, $0x38;
	[tilespmem:$0xD30] =	vst v63  }
0x76: {  	v14 =	vsel vm9, $0x96A, v14;
	v10 =	vsel vm10, $0x697, v10;
	v0 =	vsel vm12, $0xF10, v0;
	_ =	swait.ge [sflag:s6], $0x80  }
0x77: {  	v11 =	vsel vm10, $0x788, v11;
	v12 =	vsel vm10, $0x879, v12;
	v3 =	vsel vm11, $0x1E2, v3;
	[tilespmem:$0x1FDE0] =	vst v0  }
0x78: {  	v13 =	vsel vm11, $0xA5B, v13;
	v56 =	vsel vm12, $0x3C4, v4;
	v55 =	vsel vm12, $0x2D3, v3;
	[tilespmem:$0x1FE00] =	vst v53  }
0x79: {  	v57 =	vsel vm12, $0x4B5, v5;
	v58 =	vsel vm12, $0x5A6, v6;
	v61 =	vsel vm12, $0x788, v9;
	[tilespmem:$0x1FE20] =	vst v55  }
0x7a: {  	v9 =	vsel vm12, $0xD2E, v15;
	vm15 =	vcmask $0x3F34;
	v15 =	vcombine.low v31, v27;
	[tilespmem:$0x1FE30] =	vst v56  }
0x7b: {  	v1 =	vsel vm7, $0xB4C, v1;
	v7 =	vsel vm7, $0x1E2, v7;
	v2 =	vsel vm10, $0xF10, v2;
	[tilespmem:$0x1FE40] =	vst v57  }
0x7c: {  	v14 =	vsel vm10, $0xA5B, v14;
	v10 =	vsel vm11, $0x788, v10;
	v11 =	vsel vm11, $0x879, v11;
	[tilespmem:$0x1FE50] =	vst v58  }
0x7d: {  	v12 =	vsel vm11, $0x96A, v12;
	v6 =	vsel vm12, $0xB4C, v13;
	v13 =	vadd.s32 $0xF1, v16;
	[tilespmem:$0x1FE70] =	vst v61  }
0x7e: {  	v1 =	vsel vm8, $0xC3D, v1;
	v7 =	vsel vm8, $0x2D3, v7;
	v2 =	vsel vm11, $0xF1, v2;
	[tilespmem:$0x1FE90] =	vst v63  }
0x7f: {  	v14 =	vsel vm11, $0xB4C, v14;
	v0 =	vunpack.c.0.s8.s32 v52;
	v62 =	vsel vm12, $0x879, v10;
	[tilespmem:$0x1FEC0] =	vst v6  }
0x80: {  	v4 =	vsel vm12, $0x96A, v11;
	v5 =	vsel vm12, $0xA5B, v12;
	[tilespmem:$0x1FEE0] =	vst v8;
	v10 =	vimm.s32 $0xFDFEFF00  }
0x81: {  	[sflag:s6] =	ssyncset.done $0x0;
	v11 =	vimm.s32 $0xF1F2F300;
	v52 =	vimm.s32 $0x3210FEDC;
	v53 =	vimm.s32 $0xA9876543  }
0x82: {  	[tilespmem:$0x1FF60] =	vst v39;
	v39 =	vunpack.c.0.s8.s32 v44;
	v57 =	vimm.s32 $0x98765432;
	v58 =	vimm.s32 $0xFEDCBA98;
	[sflag:s6] =	ssyncadd.s32 $0xFFFFFF80  }
0x83: {  	[tilespmem:$0x1FEF0] =	vst v9;
	v61 =	vimm.s32 $0x87654321;
	v1 =	vsel vm9, $0xD2E, v1;
	v7 =	vsel vm9, $0x3C4, v7;
	v19 =	vld [tilespmem:$0xA00]  }
0x84: {  	[tilespmem:$0x1FF30] =	vst v13;
	v54 =	vsel vm12, $0x1E2, v2;
	v2 =	vunpack.c.0.s8.s32 v10;
	v1 =	vsel vm10, $0xE1F, v1  }
0x85: {  	[tilespmem:$0x1FFA0] =	vst v45;
	v3 =	vunpack.c.0.s8.s32 v11;
	v55 =	vunpack.c.l.s4.s8 v53;
	v1 =	vsel vm11, $0xF10, v1  }
0x86: {  	[tilespmem:$0x1FE80] =	vst v62;
	v62 =	vimm.s32 $0xFEDCBA9;
	v51 =	vsel vm12, $0xF1, v1;
	v1 =	vunpack.c.l.s4.s8 v60  }
0x87: {  	[tilespmem:$0x1FEA0] =	vst v4;
	v4 =	vunpack.c.l.s4.s8 v61;
	v7 =	vsel vm10, $0x4B5, v7;
	v0 =	vsel vm14, v0, v25  }
0x88: {  	[tilespmem:$0x1FE10] =	vst v54;
	v54 =	vimm.s32 $0x210FEDCB;
	v1 =	vunpack.c.0.s8.s32 v1;
	(v2sf) =	vpush v19, $0x0  }
0x89: {  	[tilespmem:$0x1FEB0] =	vst v5;
	v45 =	vcombine.low v39, v49;
	v5 =	vunpack.c.l.s4.s8 v62;
	(v2sf) =	vpush v19, $0x1  }
0x8a: {  	[tilespmem:$0x1FF40] =	vst v15;
	v7 =	vsel vm11, $0x5A6, v7;
	v1 =	vsel vm13, v1, v26;
	(v2sf) =	vpush v19, $0x2  }
0x8b: {  	[tilespmem:$0x1FF50] =	vst v38;
	v0 =	vsel vm15, v2, v0;
	v2 =	vunpack.c.l.s4.s8 v22;
	v1 =	vsel vm14, v24, v1  }
0x8c: {  	[tilespmem:$0x1FF70] =	vst v40;
	v56 =	vunpack.c.l.s4.s8 v54;
	v12 =	vsel vm15, v3, v1;
	v1 =	vunpack.c.l.s4.s8 v21  }
0x8d: {  	v27 =	vunpack.c.0.s8.s32 v55;
	v59 =	vsel vm12, $0x697, v7;
	v7 =	vsel vm12, $0xC3D, v14;
	[tilespmem:$0x1FF00] =	vst v0  }
0x8e: {  	v14 =	vmul.u32 $0xFFFFFFFF, v18;
	v60 =	vimm.s32 $0x76543210;
	[tilespmem:$0x1FDF0] =	vst v51;
	v1 =	vunpack.c.0.s8.s32 v1  }
0x8f: {  	v53 =	vunpack.c.0.s8.s32 v5;
	[tilespmem:$0x1FE60] =	vst v59;
	v38 =	vunpack.c.0.s8.s32 v2;
	v51 =	vimm.s32 $0xBA987654  }
0x90: {  	[tilespmem:$0x1FED0] =	vst v7;
	v28 =	vunpack.c.0.s8.s32 v56;
	v3 =	vunpack.c.l.s4.s8 v23;
	v1 =	vcombine.low v36, v1  }
0x91: {  	v59 =	vimm.s32 $0x10FEDCBA;
	[tilespmem:$0x1FFB0] =	vst v27;
	v0 =	vadd.s32 $0xFFFFFFFF, v14;
	v2 =	vunpack.c.l.s4.s8 v51  }
0x92: {  	v47 =	vunpack.c.0.s8.s32 v3;
	v3 =	vunpack.c.l.s4.s8 v52;
	[tilespmem:$0x1FF80] =	vst v1;
	v1 =	vunpack.c.l.s4.s8 v50  }
0x93: {  	[tilespmem:$0x1FF90] =	vst v0;
	v0 =	vunpack.c.l.s4.s8 v46;
	v31 =	vcombine.low v28, v27;
	v42 =	vunpack.c.0.s8.s32 v2  }
0x94: {  	[tilespmem:$0x1FF20] =	vst v19;
	v44 =	vunpack.c.0.s8.s32 v3;
	v41 =	vunpack.c.0.s8.s32 v1;
	v1 =	vunpack.c.l.s4.s8 v58  }
.Ltmp0:
0x95: {  	v46 =	vimm.s32 $0x0;
	[tilespmem:$0x1FFC0] =	vst v28;
	v40 =	vunpack.c.0.s8.s32 v0;
	v3 =	vunpack.c.l.s4.s8 v60;
	(pc) =	sbr.rel .LBB2_1-.Ltmp0, $4  }
0x96: {  	v2 =	vunpack.c.l.s4.s8 v59;
	[tilespmem:$0x1FFF0] =	vst v31;
	v30 =	vcombine.low v44, v42;
	v1 =	vunpack.c.0.s8.s32 v1  }
0x97: {  	v0 =	vunpack.c.l.s4.s8 v57;
	[tilespmem:$0x1FF10] =	vst v12;
	v3 =	vunpack.c.0.s8.s32 v3;
	v29 =	vcombine.low v41, v40;
	s9 =	spop (v2sf)  }
0x98: {  	s11 =	sshll.u32 s3, $0x6;
	v51 =	vunpack.c.0.s8.s32 v2;
	v52 =	vunpack.c.0.s8.s32 v4;
	[tilespmem:$0x1FFE0] =	vst v30;
	v63 =	vand.u32 $0xF, v1;
	s10 =	spop (v2sf)  }
0x99: {  	s12 =	simm.s32 $0xA80;
	s11 =	sshrl.u32 s11, $0x2;
	v48 =	vcombine.low v47, v38;
	v50 =	vunpack.c.0.s8.s32 v0;
	[tilespmem:$0x1FFD0] =	vst v29;
	v54 =	vcombine.low v63, v3;
	s8 =	spop (v2sf)  }
.LBB2_4:
0x9a: {  	v43 =	vld [tilespmem:s16+$0x0];
	v9 =	vadd.s32 v24, v9  }
0x9b: {  	v10 =	vadd.s32 v25, v10;
	v11 =	vadd.s32 v26, v11;
	v12 =	vadd.s32 v27, v12  }
0x9c: {  	v13 =	vadd.s32 v28, v13;
	v24 =	vadd.s32 v29, v14;
	v15 =	vadd.s32 v30, v15  }
0x9d: {  	v16 =	vadd.s32 v33, v16;
	v17 =	vadd.s32 v34, v17;
	v18 =	vadd.s32 v35, v18  }
0x9e: {  	v4 =	vadd.s32 v4, v19;
	v19 =	vadd.s32 v36, v20;
	v20 =	vadd.s32 v31, v21  }
0x9f: {  	v36 =	vadd.s32 v32, v22;
	v37 =	vadd.s32 v37, v23;
	vm0 =	vge.s32 v43, v55  }
0xa0: {  	vm1 =	vge.s32 v43, v58;
	vm2 =	vge.s32 v43, v7;
	vm3 =	vge.s32 v43, v56  }
0xa1: {  	vm4 =	vge.s32 v43, v57;
	vm5 =	vge.s32 v43, v61;
	vm6 =	vge.s32 v43, v59  }
0xa2: {  	vm7 =	vge.s32 v43, v62;
	vm8 =	vge.s32 v43, v63;
	vm9 =	vge.s32 v43, v5  }
0xa3: {  	vm10 =	vge.s32 v43, v0;
	vm11 =	vge.s32 v43, v1;
	vm12 =	vge.s32 v43, v2  }
0xa4: {  	vm13 =	vge.s32 v43, v3;
	vm14 =	vge.s32 v43, v6;
	v7 =	vsel vm2, $0x1, v46  }
0xa5: {  	vm2 =	vge.s32 v43, v60;
	v0 =	vsel vm0, $0x1, v46;
	v2 =	vsel vm1, $0x1, v46  }
0xa6: {  	v3 =	vsel vm3, $0x1, v46;
	v6 =	vsel vm4, $0x1, v46;
	v61 =	vsel vm5, $0x1, v46  }
0xa7: {  	v25 =	vsel vm6, $0x1, v46;
	v26 =	vsel vm7, $0x1, v46;
	v27 =	vsel vm8, $0x1, v46  }
0xa8: {  	v28 =	vsel vm9, $0x1, v46;
	v29 =	vsel vm10, $0x1, v46;
	v30 =	vsel vm11, $0x1, v46  }
0xa9: {  	v31 =	vsel vm12, $0x1, v46;
	v62 =	vsel vm13, $0x1, v46;
	v63 =	vsel vm14, $0x1, v46  }
0xaa: {  	v7 =	vadd.s32 v7, v8;
	v8 =	vsel vm2, $0x1, v46;
	v5 =	vadd.s32 v2, v10  }
0xab: {  	v10 =	vadd.s32 v6, v12;
	v6 =	vadd.s32 v25, v15;
	v15 =	vadd.s32 v28, v18;
	v28 =	vld [tilespmem:$0x1FFC0]  }
0xac: {  	v1 =	vadd.s32 v0, v9;
	v9 =	vadd.s32 v3, v11;
	v4 =	vadd.s32 v29, v4;
	v29 =	vld [tilespmem:$0x1FFD0]  }
0xad: {  	v11 =	vadd.s32 v61, v24;
	v12 =	vadd.s32 v26, v16;
	v2 =	vadd.s32 v31, v20;
	v31 =	vld [tilespmem:$0x1FFF0]  }
0xae: {  	v3 =	vadd.s32 v62, v36;
	v14 =	vadd.s32 v8, v13;
	v13 =	vadd.s32 v27, v17;
	v27 =	vld [tilespmem:$0x1FFB0]  }
0xaf: {  	v0 =	vadd.s32 v63, v37;
	v18 =	vlaneseq.u32;
	v8 =	vadd.s32 v30, v19;
	v30 =	vld [tilespmem:$0x1FFE0]  }
.LBB2_5:
0xb0: {  	_ = 	snop  }
0xb1: {  	v1 =	vperm.xlane v1, v18;
	v5 =	vperm.xlane v5, v48  }
0xb2: {  	v9 =	vperm.xlane v9, v45  }
0xb3: {  	v36 =	vcombine.low v51, v50;
	v34 =	vperm.xlane v10, v29;
	v1 =	vadd.s32 v1, v5  }
0xb4: {  	v43 =	vcombine.low v53, v52;
	v1 =	vadd.s32 v9, v1;
	v35 =	vperm.xlane v14, v30  }
0xb5: {  	v55 =	vcombine.low v38, v47;
	v37 =	vperm.xlane v11, v31;
	v1 =	vadd.s32 v34, v1  }
0xb6: {  	v57 =	vperm.xlane v13, v54;
	v6 =	vperm.xlane v6, v36;
	v1 =	vadd.s32 v35, v1  }
0xb7: {  	v58 =	vcombine.low v49, v39;
	v56 =	vperm.xlane v12, v43;
	v1 =	vadd.s32 v37, v1  }
0xb8: {  	v59 =	vcombine.low v40, v41;
	v60 =	vcombine.low v42, v44;
	v1 =	vadd.s32 v6, v1  }
0xb9: {  	v63 =	vcombine.low v50, v51;
	v9 =	vperm.xlane v15, v55;
	v1 =	vadd.s32 v56, v1  }
0xba: {  	v4 =	vperm.xlane v4, v58;
	v61 =	vperm.xlane v8, v59;
	v1 =	vadd.s32 v57, v1  }
0xbb: {  	v62 =	vcombine.low v27, v28;
	v6 =	vand.u32 $0xF, v60;
	v1 =	vadd.s32 v9, v1  }
0xbc: {  	v11 =	vcombine.low v52, v53;
	v2 =	vperm.xlane v2, v6;
	v1 =	vadd.s32 v4, v1  }
0xbd: {  	v12 =	vand.u32 $0xF, v63;
	v3 =	vperm.xlane v3, v62;
	v1 =	vadd.s32 v61, v1  }
0xbe: {  	v0 =	vperm.xlane v0, v12;
	v13 =	vand.u32 $0xF, v11;
	v1 =	vadd.s32 v2, v1  }
0xbf: {  	s15 =	sshll.u32 s5, $0x8;
	v14 =	vperm.xlane v7, v13;
	v1 =	vadd.s32 v3, v1  }
0xc0: {  	s15 =	sand.u32 $0x100, s15;
	v0 =	vadd.s32 v0, v1  }
0xc1: {  	s15 =	sadd.s32 s15, s4;
	v0 =	vadd.s32 v14, v0  }
0xc2: {  	s16 =	sadd.s32 s11, s15;
	[tilespmem:$0xA00] =	vst v0  }
0xc3: {  	[spmem:s16] =	stream.linear.scatter [tilespmem:s7], [sflag:$0x1], $0x10, $0x38;
	[tilespmem:$0xD30] =	vst v63  }
0xc4: {  	_ =	swait.ge [sflag:s6], $0x10  }
0xc5: {  	[sflag:s6] =	ssyncset.done $0x0  }
0xc6: {  	[sflag:s6] =	ssyncadd.s32 $0xFFFFFFF0  }
0xc7: {  	[bflag:$0x0] =	sbarrier.arrive $0xFFFF  }
0xc8: {  	[tilespmem:s12], [sflag:$0x1] =	stream.linear.gather [spmem:s15], $0x100, $0x38;
	[tilespmem:$0xD30] =	vst v63  }
0xc9: {  	_ =	swait.ge [sflag:s6], $0x100  }
0xca: {  	[sflag:s6] =	ssyncset.done $0x0  }
0xcb: {  	[sflag:s6] =	ssyncadd.s32 $0xFFFFFF00  }
0xcc: {  	v15 =	vld [tilespmem:$0xA80]  }
0xcd: {  	v21 =	vld [tilespmem:$0xA90]  }
0xce: {  	v22 =	vld [tilespmem:$0xAA0]  }
0xcf: {  	v23 =	vld [tilespmem:$0xAB0]  }
0xd0: {  	v32 =	vld [tilespmem:$0xAC0]  }
0xd1: {  	v33 =	vld [tilespmem:$0xAD0]  }
0xd2: {  	v34 =	vld [tilespmem:$0xAE0];
	v0 =	vadd.s32 v15, v21  }
0xd3: {  	v35 =	vld [tilespmem:$0xAF0];
	v0 =	vadd.s32 v22, v0  }
0xd4: {  	v36 =	vld [tilespmem:$0xB00];
	v0 =	vadd.s32 v23, v0  }
0xd5: {  	v37 =	vld [tilespmem:$0xB10];
	v0 =	vadd.s32 v32, v0  }
0xd6: {  	v43 =	vld [tilespmem:$0xB20];
	v0 =	vadd.s32 v33, v0  }
0xd7: {  	v55 =	vld [tilespmem:$0xB30];
	v0 =	vadd.s32 v34, v0  }
0xd8: {  	v56 =	vld [tilespmem:$0xB40];
	v0 =	vadd.s32 v35, v0  }
0xd9: {  	v57 =	vld [tilespmem:$0xB50];
	v0 =	vadd.s32 v36, v0  }
0xda: {  	v58 =	vld [tilespmem:$0xB60];
	v0 =	vadd.s32 v37, v0  }
0xdb: {  	v59 =	vld [tilespmem:$0xB70];
	v0 =	vadd.s32 v43, v0  }
0xdc: {  	v0 =	vadd.s32 v55, v0  }
0xdd: {  	v0 =	vadd.s32 v56, v0  }
0xde: {  	v0 =	vadd.s32 v57, v0  }
0xdf: {  	v0 =	vadd.s32 v58, v0  }
0xe0: {  	v0 =	vadd.s32 v59, v0  }
0xe1: {  	vm0 =	vgt.s32 v0, $0x7CF  }
0xe2: {  	v60 =	vsel vm0, $0x1, v46  }
0xe3: {  	v61 =	vperm.xlane v60, v54;
	_ =	sdelay $0x1  }
0xe4: {  	v1 =	vadd.s32 v60, v61  }
0xe5: {  	v3 =	vperm.xlane v1, v6;
	_ =	sdelay $0x1  }
0xe6: {  	v1 =	vadd.s32 v3, v1  }
0xe7: {  	v3 =	vperm.xlane v1, v12;
	_ =	sdelay $0x1  }
0xe8: {  	v1 =	vadd.s32 v3, v1  }
0xe9: {  	v3 =	vperm.xlane v1, v13;
	_ =	sdelay $0x1  }
0xea: {  	v1 =	vadd.s32 v3, v1  }
0xeb: {  	(v2sf) =	vpush v1, $0x0;
	_ =	sdelay $0xe  }
0xec: {  	s15 =	spop (v2sf)  }
0xed: {  	s25 =	ssub.s32 $0xF, s15  }
0xee: {  	v62 =	vmov s25  }
0xef: {  	p0 =	slt.s32 s13, $0x0;
	s16 =	sadd.s32 $0x11, s13;
	vm15 =	veq.s32 v62, v18  }
0xf0: {  	s13 =	smov.u32 @p0 s16;
	s17 =	ssub.s32 $0x11, s15;
	v1 =	vnsel vm15, $0x0, v0  }
0xf1: {  	s20 =	ssub.s32 $0x10, s15;
	s16 =	smul.u32 s13, s17;
	v63 =	vperm.xlane v1, v54  }
0xf2: {  	s21 =	sadd.s32 $0xFFFFFFEF, s15;
	s26 =	smul.u32 s13, s20  }
0xf3: {  	s28 =	smul.u32 s14, s21;
	v1 =	vadd.s32 v63, v1  }
0xf4: {  	s25 =	smul.u32 $0xF10, s13;
	v3 =	vperm.xlane v1, v6  }
0xf5: {  	s17 =	smulhi.u32 $0x87878787, s16  }
0xf6: {  	s22 =	simm.s32 $0x1;
	s5 =	sadd.s32 $0x1, s5;
	s19 =	smul.u32 $0xF0F0F0F1, s16;
	v1 =	vadd.s32 v3, v1  }
0xf7: {  	s31 =	sshll.u32 s13, $0x14;
	p6 =	sgt.s32 s13, $0x0;
	s29 =	smulhi.u32 $0x87878787, s26;
	v3 =	vperm.xlane v1, v12  }
0xf8: {  	s18 =	sshra.s32 s16, $0x1F;
	p4 =	slt.s32 s16, $0x1;
	s24 =	smul.u32 $0xF0F0F0F1, s26  }
0xf9: {  	s30 =	sshra.s32 s26, $0x1F;
	p5 =	sgt.s32 s26, $0x0;
	s18 =	smul.u32 $0x87878787, s18;
	v1 =	vadd.s32 v3, v1  }
0xfa: {  	s21 =	smul.u32 $0x87878787, s30;
	s17 =	ssub.s32 s17, s16;
	s19 =	sadd.s32 $0x7878787, s19;
	v2 =	vperm.xlane v1, v13  }
0xfb: {  	s17 =	sadd.s32 s18, s17;
	p1 =	sgt.u32 s19, $0xF0F0F0E;
	s19 =	sadd.s32 s10, s28  }
0xfc: {  	s28 =	sadd.s32 $0x787, s25;
	s18 =	sshrl.u32 s17, $0x1F;
	s17 =	sshra.s32 s17, $0x3;
	v1 =	vadd.s32 v2, v1  }
0xfd: {  	p0 =	por !p4, !p1;
	s16 =	sand.u32 $0xFFF7, s28;
	s17 =	sadd.s32 s18, s17;
	(v2sf) =	vpush v1, $0x0  }
0xfe: {  	p0 =	por !p0, !p0;
	s18 =	ssub.s32 s29, s26;
	s26 =	sadd.s32 $0x7878787, s24;
	(v2sf) =	vpush v0, $0xF  }
0xff: {  	p3 =	slt.u32 s16, $0xF0F;
	s16 =	simm.s32 $0x1;
	s17 =	sadd.s32 s17, s19  }
0x100: {  	s22 =	simm.s32 @!p0 $0x0;
	s18 =	sadd.s32 s21, s18;
	s19 =	sshra.s32 s31, $0x10  }
0x101: {  	p0 =	sgt.s32 s15, $0x0;
	s15 =	sadd.s32 $0xFFFFFFF0, s15;
	p2 =	slt.u32 s26, $0xF0F0F0F  }
0x102: {  	s31 =	sshll.u32 s14, $0x4;
	s21 =	sshrl.u32 s18, $0x1F;
	s19 =	smul.u32 $0xFFFF8787, s19  }
0x103: {  	s18 =	sshra.s32 s18, $0x3;
	s17 =	sadd.s32 s22, s17;
	s15 =	smul.u32 s14, s15  }
0x104: {  	p1 =	por p5, p2;
	p2 =	sgt.s32 s20, $0x0;
	s18 =	sadd.s32 s21, s18  }
0x105: {  	s21 =	simm.s32 $0x1;
	s23 =	sshrl.u32 s19, $0x1F;
	s19 =	sshra.s32 s19, $0x13  }
0x106: {  	s15 =	sadd.s32 s10, s15;
	s21 =	simm.s32 @!p1 $0x0;
	s19 =	sadd.s32 s23, s19  }
0x107: {  	p1 =	por p6, p3;
	s29 =	sadd.s32 s18, s15;
	s30 =	sadd.s32 s19, s10  }
0x108: {  	s16 =	simm.s32 @!p1 $0x0;
	s13 =	ssub.s32 s29, s21;
	s14 =	ssub.s32 s30, s31  }
0x109: {  	p3 =	sgt.s32 s9, s17;
	p1 =	slt.s32 s10, s13;
	s14 =	ssub.s32 s14, s16  }
0x10a: {  	s13 =	smov.u32 @p1 s10;
	s16 =	smov.u32 s10;
	p1 =	slt.s32 s10, s14  }
0x10b: {  	s17 =	smov.u32 @p3 s9;
	s16 =	smov.u32 @p2 s13;
	s14 =	smov.u32 @p1 s10  }
0x10c: {  	s13 =	smov.u32 s8;
	s14 =	smov.u32 @p0 s16;
	s22 =	spop (v2sf)  }
0x10d: {  	s16 =	smov.u32 s9;
	s15 =	spop (v2sf);
	s13 =	smov.u32 @p2 s22  }
0x10e: {  	s16 =	smov.u32 @p0 s17;
	s15 =	smov.u32 @p0 s13;
	p0 =	sne.s32 s5, $0x8  }
.Ltmp1:
0x10f: {  	_ = 	snop;
	(pc) =	sbr.rel @!p0 .LBB2_6-.Ltmp1, $3  }
0x110: {  	_ =	sdelay $0x1  }
0x111: {  	p1 =	sgt.s32 s10, s9  }
0x112: {  	s10 =	smov.u32 @p1 s14;
	s9 =	smov.u32 @p1 s16;
	s8 =	smov.u32 @p1 s15  }
.LBB2_1:
0x113: {  	s15 =	ssub.s32 s10, s9  }
0x114: {  	s13 =	smulhi.u32 $0x78787879, s15;
	s14 =	sshra.s32 s15, $0x1F  }
0x115: {  	s16 =	smul.u32 $0x78787879, s14;
	_ =	sdelay $0x1  }
0x116: {  	s13 =	sadd.s32 s16, s13  }
0x117: {  	s16 =	sshrl.u32 s13, $0x1F;
	s13 =	sshra.s32 s13, $0x3  }
0x118: {  	s16 =	sadd.s32 s16, s13  }
0x119: {  	p0 =	sne.s32 s10, s9;
	s13 =	simm.s32 $0x1;
	s17 =	smul.u32 $0xFFFFFFEF, s16  }
0x11a: {  	s13 =	simm.s32 @!p0 $0x0  }
0x11b: {  	s14 =	sor.u32 s13, s14;
	s13 =	sadd.s32 s15, s17  }
0x11c: {  	p6 =	sne.s32 s14, $0x1;
	p1 =	sne.s32 s13, $0x0  }
0x11d: {  	v1 =	vimm.s32 $0x0;
	p0 =	por !p1, !p6;
	p1 =	sle.s32 s10, s9  }
.Ltmp2:
0x11e: {  	v5 =	vimm.s32 $0x0;
	v9 =	vimm.s32 $0x0;
	v10 =	vimm.s32 $0x0;
	(pc) =	sbr.rel @p1 .LBB2_5-.Ltmp2, $4  }
0x11f: {  	v14 =	vimm.s32 $0x0;
	v11 =	vimm.s32 $0x0;
	v6 =	vimm.s32 $0x0  }
0x120: {  	v12 =	vimm.s32 $0x0;
	v13 =	vimm.s32 $0x0;
	v15 =	vimm.s32 $0x0;
	s14 =	simm.s32 $0x1;
	p0 =	por !p0, !p0  }
0x121: {  	v4 =	vimm.s32 $0x0;
	v8 =	vimm.s32 $0x0;
	v2 =	vimm.s32 $0x0;
	s14 =	simm.s32 @!p0 $0x0  }
0x122: {  	v3 =	vimm.s32 $0x0;
	v0 =	vimm.s32 $0x0;
	v7 =	vimm.s32 $0x0;
	s14 =	ssub.s32 s16, s14  }
0x123: {  	v0 =	vld [tilespmem:$0x1FF30]  }
0x124: {  	v1 =	vld [tilespmem:$0x1FF90];
	_ =	sdelay $0x1  }
0x125: {  	s16 =	smul.u32 $0xFFFFFFEF, s14;
	_ =	sdelay $0x1  }
0x126: {  	s15 =	sadd.s32 s15, s16  }
0x127: {  	v0 =	vmul.u32 s15, v0;
	v1 =	vmul.u32 s14, v1  }
0x128: {  	v2 =	vld [tilespmem:$0x1FDF0]  }
0x129: {  	v3 =	vld [tilespmem:$0x1FE00];
	v0 =	vshra.s32 v0, $0xC;
	v1 =	vadd.s32 s10, v1  }
0x12a: {  	v55 =	vsub.s32 v1, v0;
	v0 =	vld [tilespmem:$0x1FDE0]  }
0x12b: {  	v1 =	vld [tilespmem:$0x1FDC0]  }
0x12c: {  	v4 =	vld [tilespmem:$0x1FE10]  }
0x12d: {  	v5 =	vld [tilespmem:$0x1FF00];
	v2 =	vmul.u32 s15, v2  }
0x12e: {  	v3 =	vmul.u32 s14, v3  }
0x12f: {  	v2 =	vshra.s32 v2, $0xC  }
0x130: {  	v3 =	vadd.s32 s10, v3;
	v0 =	vmul.u32 s15, v0;
	v1 =	vmul.u32 s14, v1  }
0x131: {  	v4 =	vmul.u32 s15, v4;
	v56 =	vsub.s32 v3, v2;
	v2 =	vld [tilespmem:$0x1FE30]  }
0x132: {  	v5 =	vmul.u32 s14, v5;
	v3 =	vld [tilespmem:$0x1FF50];
	v0 =	vshra.s32 v0, $0xC;
	v1 =	vadd.s32 s10, v1  }
0x133: {  	v58 =	vsub.s32 v1, v0;
	v0 =	vld [tilespmem:$0x1FE20]  }
0x134: {  	v4 =	vshra.s32 v4, $0xC;
	v5 =	vadd.s32 s10, v5;
	v1 =	vld [tilespmem:$0x1FF40]  }
0x135: {  	v57 =	vsub.s32 v5, v4;
	v4 =	vld [tilespmem:$0x1FE40]  }
0x136: {  	v5 =	vld [tilespmem:$0x1FF60];
	v2 =	vmul.u32 s15, v2  }
0x137: {  	v3 =	vmul.u32 s14, v3  }
0x138: {  	v6 =	vld [tilespmem:$0x1FDB0];
	v2 =	vshra.s32 v2, $0xC  }
0x139: {  	v7 =	vld [tilespmem:$0x1FEE0];
	v3 =	vadd.s32 s10, v3;
	v0 =	vmul.u32 s15, v0;
	v1 =	vmul.u32 s14, v1  }
0x13a: {  	v4 =	vmul.u32 s15, v4;
	v61 =	vsub.s32 v3, v2;
	v2 =	vld [tilespmem:$0x1FE60]  }
0x13b: {  	v5 =	vmul.u32 s14, v5;
	v3 =	vld [tilespmem:$0x1FF80];
	v0 =	vshra.s32 v0, $0xC;
	v1 =	vadd.s32 s10, v1  }
0x13c: {  	v60 =	vsub.s32 v1, v0;
	v0 =	vld [tilespmem:$0x1FE50]  }
0x13d: {  	v11 =	vimm.s32 $0x0;
	v4 =	vshra.s32 v4, $0xC;
	v5 =	vadd.s32 s10, v5;
	v1 =	vld [tilespmem:$0x1FF70]  }
0x13e: {  	v12 =	vimm.s32 $0x0;
	v13 =	vimm.s32 $0x0;
	v59 =	vsub.s32 v5, v4;
	v4 =	vld [tilespmem:$0x1FE70]  }
0x13f: {  	v14 =	vimm.s32 $0x0;
	v15 =	vimm.s32 $0x0;
	v5 =	vld [tilespmem:$0x1FDA0];
	v2 =	vmul.u32 s15, v2  }
0x140: {  	v8 =	vld [tilespmem:$0x1FEF0];
	v16 =	vimm.s32 $0x0;
	v17 =	vimm.s32 $0x0;
	v3 =	vmul.u32 s14, v3  }
0x141: {  	s31 =	simm.s32 $0x0;
	v10 =	vld [tilespmem:$0x1FF10];
	v18 =	vimm.s32 $0x0;
	v19 =	vimm.s32 $0x0;
	v2 =	vshra.s32 v2, $0xC  }
0x142: {  	v9 =	vld [tilespmem:s31+$0x0];
	v3 =	vadd.s32 s10, v3;
	v0 =	vmul.u32 s15, v0;
	v1 =	vmul.u32 s14, v1  }
0x143: {  	v20 =	vimm.s32 $0x0;
	v4 =	vmul.u32 s15, v4;
	v63 =	vsub.s32 v3, v2;
	v2 =	vld [tilespmem:$0x1FEA0]  }
0x144: {  	v5 =	vmul.u32 s14, v5;
	v3 =	vld [tilespmem:$0x1FFA0];
	v0 =	vshra.s32 v0, $0xC;
	v1 =	vadd.s32 s10, v1  }
0x145: {  	v21 =	vimm.s32 $0x0;
	v6 =	vmul.u32 s14, v6;
	v62 =	vsub.s32 v1, v0;
	v0 =	vld [tilespmem:$0x1FE80]  }
0x146: {  	v7 =	vmul.u32 s14, v7;
	v4 =	vshra.s32 v4, $0xC;
	v5 =	vadd.s32 s10, v5;
	v1 =	vld [tilespmem:$0x1FE90]  }
0x147: {  	v8 =	vmul.u32 s15, v8;
	v10 =	vmul.u32 s14, v10;
	v5 =	vsub.s32 v5, v4;
	v4 =	vld [tilespmem:$0x1FEB0]  }
0x148: {  	v22 =	vimm.s32 $0x0;
	v23 =	vimm.s32 $0x0;
	v6 =	vadd.s32 s10, v6  }
0x149: {  	v7 =	vadd.s32 s10, v7;
	v8 =	vshra.s32 v8, $0xC;
	v10 =	vadd.s32 s10, v10  }
0x14a: {  	vm0 =	vge.s32 v9, v55;
	vm3 =	vge.s32 v9, v56;
	v2 =	vmul.u32 s15, v2  }
0x14b: {  	v3 =	vmul.u32 s14, v3;
	v0 =	vmul.u32 s15, v0;
	v1 =	vmul.u32 s14, v1  }
0x14c: {  	vm4 =	vge.s32 v9, v57;
	v4 =	vmul.u32 s15, v4;
	v2 =	vshra.s32 v2, $0xC  }
0x14d: {  	v3 =	vadd.s32 s10, v3;
	v0 =	vshra.s32 v0, $0xC;
	v1 =	vadd.s32 s10, v1  }
0x14e: {  	v4 =	vshra.s32 v4, $0xC;
	v0 =	vsub.s32 v1, v0;
	v1 =	vsub.s32 v3, v2;
	v3 =	vld [tilespmem:$0x1FEC0]  }
0x14f: {  	v24 =	vsel vm0, $0x1, v46;
	v26 =	vsel vm3, $0x1, v46;
	v2 =	vsub.s32 v6, v4;
	v4 =	vld [tilespmem:$0x1FDD0]  }
0x150: {  	v27 =	vsel vm4, $0x1, v46;
	vm1 =	vge.s32 v9, v58;
	vm5 =	vge.s32 v9, v61;
	v6 =	vld [tilespmem:$0x1FED0]  }
0x151: {  	vm6 =	vge.s32 v9, v59;
	v25 =	vsel vm1, $0x1, v46;
	v29 =	vsel vm5, $0x1, v46  }
0x152: {  	v30 =	vsel vm6, $0x1, v46;
	vm8 =	vge.s32 v9, v63;
	vm9 =	vge.s32 v9, v5  }
0x153: {  	v34 =	vsel vm8, $0x1, v46;
	v35 =	vsel vm9, $0x1, v46;
	vm7 =	vge.s32 v9, v62  }
0x154: {  	v33 =	vsel vm7, $0x1, v46;
	vm11 =	vge.s32 v9, v1;
	vm12 =	vge.s32 v9, v2  }
0x155: {  	v3 =	vmul.u32 s15, v3;
	v4 =	vmul.u32 s14, v4;
	v6 =	vmul.u32 s15, v6  }
0x156: {  	vm10 =	vge.s32 v9, v0;
	v36 =	vsel vm11, $0x1, v46;
	v31 =	vsel vm12, $0x1, v46  }
0x157: {  	v3 =	vshra.s32 v3, $0xC;
	v4 =	vadd.s32 s10, v4;
	v6 =	vshra.s32 v6, $0xC  }
0x158: {  	v3 =	vsub.s32 v4, v3;
	v6 =	vsub.s32 v7, v6;
	v7 =	vsub.s32 v10, v8  }
0x159: {  	v10 =	vimm.s32 $0x0;
	vm2 =	vge.s32 v9, v7;
	vm13 =	vge.s32 v9, v3  }
0x15a: {  	vm14 =	vge.s32 v9, v6;
	v4 =	vsel vm2, $0x1, v46;
	vm2 =	vge.s32 v9, v60  }
0x15b: {  	v32 =	vsel vm13, $0x1, v46;
	v37 =	vsel vm14, $0x1, v46;
	v9 =	vimm.s32 $0x0  }
0x15c: {  	s16 =	simm.s32 $0x10;
	s15 =	simm.s32 $0x80;
	v8 =	vadd.s32 v4, v46;
	v28 =	vsel vm2, $0x1, v46;
	v4 =	vsel vm10, $0x1, v46  }
.LBB2_3:
0x15d: {  	p0 =	sne.s32 s15, $0x13C0;
	v43 =	vld [tilespmem:s16+$0x0];
	v9 =	vadd.s32 v24, v9;
	v10 =	vadd.s32 v25, v10;
	v11 =	vadd.s32 v26, v11  }
0x15e: {  	v12 =	vadd.s32 v27, v12;
	v13 =	vadd.s32 v28, v13;
	v14 =	vadd.s32 v29, v14  }
0x15f: {  	v15 =	vadd.s32 v30, v15;
	v16 =	vadd.s32 v33, v16;
	v17 =	vadd.s32 v34, v17  }
0x160: {  	v18 =	vadd.s32 v35, v18;
	v19 =	vadd.s32 v4, v19;
	v20 =	vadd.s32 v36, v20  }
0x161: {  	v21 =	vadd.s32 v31, v21;
	v22 =	vadd.s32 v32, v22;
	v23 =	vadd.s32 v37, v23  }
0x162: {  	vm0 =	vge.s32 v43, v55;
	vm1 =	vge.s32 v43, v58;
	vm2 =	vge.s32 v43, v7  }
0x163: {  	vm3 =	vge.s32 v43, v56;
	vm4 =	vge.s32 v43, v57;
	v4 =	vsel vm2, $0x1, v46  }
0x164: {  	vm5 =	vge.s32 v43, v61;
	vm2 =	vge.s32 v43, v60;
	v8 =	vadd.s32 v4, v8  }
0x165: {  	vm6 =	vge.s32 v43, v59;
	vm7 =	vge.s32 v43, v62;
	vm8 =	vge.s32 v43, v63  }
0x166: {  	vm9 =	vge.s32 v43, v5;
	vm10 =	vge.s32 v43, v0;
	vm11 =	vge.s32 v43, v1  }
0x167: {  	vm12 =	vge.s32 v43, v2;
	vm13 =	vge.s32 v43, v3;
	vm14 =	vge.s32 v43, v6  }
.Ltmp3:
0x168: {  	v24 =	vsel vm0, $0x1, v46;
	v25 =	vsel vm1, $0x1, v46;
	v26 =	vsel vm3, $0x1, v46;
	(pc) =	sbr.rel @p0 .LBB2_3-.Ltmp3, $4  }
0x169: {  	v27 =	vsel vm4, $0x1, v46;
	v29 =	vsel vm5, $0x1, v46;
	v28 =	vsel vm2, $0x1, v46  }
0x16a: {  	v30 =	vsel vm6, $0x1, v46;
	v33 =	vsel vm7, $0x1, v46;
	v34 =	vsel vm8, $0x1, v46  }
0x16b: {  	v35 =	vsel vm9, $0x1, v46;
	v36 =	vsel vm11, $0x1, v46;
	v4 =	vsel vm10, $0x1, v46  }
0x16c: {  	s16 =	sshra.s32 s15, $0x2;
	s15 =	sadd.s32 $0x40, s15;
	v31 =	vsel vm12, $0x1, v46;
	v32 =	vsel vm13, $0x1, v46;
	v37 =	vsel vm14, $0x1, v46  }
.Ltmp4:
0x16d: {  	_ = 	snop;
	(pc) =	sbr.rel .LBB2_4-.Ltmp4, $1  }
0x16e: {  	_ =	sdelay $0x3  }
.LBB2_6:
0x16f: {  	v0 =	vld [tilespmem:$0x1FF20];
	_ =	sdelay $0x4  }
0x170: {  	(v2sf) =	vpush v0, $0x3;
	_ =	sdelay $0xe  }
0x171: {  	s5 =	spop (v2sf)  }
0x172: {  	s6 =	simm.s32 $0x0;
	p0 =	sgt.s32 s5, $0x7D0  }
0x173: {  	v3 =	vld [tilespmem:s6+$0x0];
	s9 =	simm.s32 @!p0 $0x3E7FFFFF  }
0x174: {  	v1 =	vimm.s32 $0x0;
	v2 =	vimm.s32 $0x0;
	s5 =	simm.s32 $0x40;
	v0 =	vmov s9  }
.LBB2_7:
0x175: {  	p1 =	sne.s32 s5, $0x13C0  }
.Ltmp5:
0x176: {  	_ = 	snop;
	(pc) =	sbr.rel @p1 .LBB2_7-.Ltmp5, $4  }
0x177: {  	_ = 	snop  }
0x178: {  	s6 =	sshra.s32 s5, $0x2;
	s5 =	sadd.s32 $0x40, s5;
	vm0 =	veq.s32 v3, v0  }
0x179: {  	v3 =	vld [tilespmem:s6+$0x0];
	v4 =	vsel vm0, $0x1, v1  }
0x17a: {  	v2 =	vadd.s32 v4, v2  }
0x17b: {  	v4 =	vimm.s32 $0xFEDCBA98  }
0x17c: {  	v5 =	vimm.s32 $0x76543210;
	v4 =	vunpack.c.l.s4.s8 v4  }
0x17d: {  	v5 =	vunpack.c.l.s4.s8 v5  }
0x17e: {  	v4 =	vunpack.c.0.s8.s32 v4  }
0x17f: {  	vm0 =	veq.s32 v3, v0;
	v3 =	vunpack.c.0.s8.s32 v5  }
0x180: {  	v5 =	vsel vm0, $0x1, v1;
	v1 =	vand.u32 $0xF, v4;
	v4 =	vimm.s32 $0x3210FEDC  }
0x181: {  	v1 =	vcombine.low v1, v3;
	v3 =	vunpack.c.l.s4.s8 v4;
	v4 =	vimm.s32 $0xBA987654  }
0x182: {  	v2 =	vadd.s32 v5, v2;
	v4 =	vunpack.c.l.s4.s8 v4  }
0x183: {  	v5 =	vperm.xlane v2, v1;
	v6 =	vunpack.c.0.s8.s32 v3  }
0x184: {  	v3 =	vimm.s32 $0x10FEDCBA;
	v12 =	vunpack.c.0.s8.s32 v4;
	v4 =	vimm.s32 $0x98765432  }
0x185: {  	v3 =	vunpack.c.l.s4.s8 v3;
	v7 =	vunpack.c.l.s4.s8 v4  }
0x186: {  	v8 =	vimm.s32 $0x87654321;
	v2 =	vadd.s32 v2, v5;
	v4 =	vcombine.low v12, v6  }
0x187: {  	v3 =	vunpack.c.0.s8.s32 v3;
	v5 =	vunpack.c.0.s8.s32 v7;
	v7 =	vimm.s32 $0xFEDCBA9  }
0x188: {  	v8 =	vunpack.c.l.s4.s8 v8;
	v9 =	vperm.xlane v2, v4;
	v7 =	vunpack.c.l.s4.s8 v7  }
0x189: {  	v3 =	vcombine.low v5, v3  }
0x18a: {  	v5 =	vadd.s32 v9, v2;
	v2 =	vunpack.c.0.s8.s32 v7;
	v7 =	vunpack.c.0.s8.s32 v8  }
0x18b: {  	v8 =	vperm.xlane v5, v3  }
0x18c: {  	v2 =	vcombine.low v7, v2  }
0x18d: {  	v5 =	vadd.s32 v8, v5  }
0x18e: {  	v7 =	vperm.xlane v5, v2;
	_ =	sdelay $0x1  }
0x18f: {  	v5 =	vadd.s32 v7, v5  }
0x190: {  	(v2sf) =	vpush v5, $0x0;
	_ =	sdelay $0xa  }
0x191: {  	vm0 =	vmmov $0x1  }
0x192: {  	s5 =	sshll.u32 s3, $0x4;
	v5 =	vnsel vm0, $0x0, v5  }
0x193: {  	s7 =	simm.s32 $0xA00;
	s6 =	sadd.s32 s5, s4;
	[tilespmem:$0xA00] =	vst v5  }
0x194: {  	[spmem:s6] =	stream.linear.scatter [tilespmem:s7], [sflag:$0x1], $0x10, $0x38;
	[tilespmem:$0xD30] =	vst v63  }
0x195: {  	s26 =	simm.s32 $0x1;
	s6 =	spop (v2sf)  }
0x196: {  	_ =	swait.ge [sflag:s26], $0x10  }
0x197: {  	[sflag:s26] =	ssyncset.done $0x0  }
0x198: {  	[sflag:s26] =	ssyncadd.s32 $0xFFFFFFF0  }
0x199: {  	s9 =	simm.s32 $0xA80;
	[bflag:$0x0] =	sbarrier.arrive $0xFFFF  }
0x19a: {  	[tilespmem:s9], [sflag:$0x1] =	stream.linear.gather [spmem:s4], $0x100, $0x38;
	[tilespmem:$0xD30] =	vst v63  }
0x19b: {  	_ =	swait.ge [sflag:s26], $0x100  }
0x19c: {  	[sflag:s26] =	ssyncset.done $0x0  }
0x19d: {  	[sflag:s26] =	ssyncadd.s32 $0xFFFFFF00  }
0x19e: {  	v5 =	vld [tilespmem:$0xA80]  }
0x19f: {  	v7 =	vld [tilespmem:$0xA90]  }
0x1a0: {  	v8 =	vld [tilespmem:$0xAA0]  }
0x1a1: {  	v9 =	vld [tilespmem:$0xAB0]  }
0x1a2: {  	v10 =	vld [tilespmem:$0xAC0]  }
0x1a3: {  	p1 =	seq.s32 s3, $0x0;
	p2 =	sgt.u32 s3, $0x1;
	v11 =	vld [tilespmem:$0xAD0]  }
0x1a4: {  	p4 =	sgt.u32 s3, $0x2;
	v13 =	vld [tilespmem:$0xAE0];
	v5 =	vpsel p1, $0x0, v5;
	v7 =	vpsel !p2, $0x0, v7  }
0x1a5: {  	p5 =	sgt.u32 s3, $0x3;
	v8 =	vpsel !p4, $0x0, v8;
	v5 =	vadd.s32 v5, v7;
	v7 =	vld [tilespmem:$0xAF0]  }
0x1a6: {  	p6 =	sgt.u32 s3, $0x4;
	v9 =	vpsel !p5, $0x0, v9;
	v5 =	vadd.s32 v8, v5;
	v8 =	vld [tilespmem:$0xB00]  }
0x1a7: {  	v10 =	vpsel !p6, $0x0, v10;
	p2 =	sgt.u32 s3, $0x5;
	v5 =	vadd.s32 v9, v5;
	v9 =	vld [tilespmem:$0xB10]  }
0x1a8: {  	p3 =	sgt.u32 s3, $0x6;
	v11 =	vpsel !p2, $0x0, v11;
	v5 =	vadd.s32 v10, v5;
	v10 =	vld [tilespmem:$0xB20]  }
0x1a9: {  	v13 =	vpsel !p3, $0x0, v13;
	p4 =	sgt.u32 s3, $0x7;
	v5 =	vadd.s32 v11, v5;
	v11 =	vld [tilespmem:$0xB30]  }
0x1aa: {  	p5 =	sgt.u32 s3, $0x8;
	v7 =	vpsel !p4, $0x0, v7;
	v5 =	vadd.s32 v13, v5;
	v13 =	vld [tilespmem:$0xB40]  }
0x1ab: {  	p6 =	sgt.u32 s3, $0x9;
	v8 =	vpsel !p5, $0x0, v8;
	v5 =	vadd.s32 v7, v5;
	v7 =	vld [tilespmem:$0xB50]  }
0x1ac: {  	p2 =	sgt.u32 s3, $0xA;
	v9 =	vpsel !p6, $0x0, v9;
	v5 =	vadd.s32 v8, v5;
	v8 =	vld [tilespmem:$0xB60]  }
0x1ad: {  	p3 =	sgt.u32 s3, $0xB;
	v10 =	vpsel !p2, $0x0, v10;
	v5 =	vadd.s32 v9, v5  }
0x1ae: {  	p4 =	sgt.u32 s3, $0xC;
	v9 =	vpsel !p3, $0x0, v11;
	v5 =	vadd.s32 v10, v5  }
0x1af: {  	p5 =	sgt.u32 s3, $0xD;
	v10 =	vpsel !p4, $0x0, v13;
	v5 =	vadd.s32 v9, v5  }
0x1b0: {  	p6 =	seq.s32 s3, $0xF;
	v7 =	vpsel !p5, $0x0, v7;
	v5 =	vadd.s32 v10, v5  }
0x1b1: {  	v8 =	vpsel !p6, $0x0, v8;
	v5 =	vadd.s32 v7, v5  }
0x1b2: {  	s28 =	simm.s32 $0x0;
	v5 =	vadd.s32 v8, v5  }
0x1b3: {  	v13 =	vld [tilespmem:s28+$0x0];
	v7 =	vimm.s32 $0x6543210F;
	(v2sf) =	vpush v5, $0x0;
	v5 =	vimm.s32 $0xEDCBA987  }
0x1b4: {  	v7 =	vunpack.c.l.s4.s8 v7;
	v5 =	vunpack.c.l.s4.s8 v5;
	_ =	sdelay $0x1  }
0x1b5: {  	v8 =	vimm.s32 $0xDCBA9876;
	v7 =	vunpack.c.0.s8.s32 v7;
	v5 =	vunpack.c.0.s8.s32 v5  }
0x1b6: {  	v9 =	vimm.s32 $0x543210FE;
	v10 =	vimm.s32 $0x0;
	v11 =	vunpack.c.l.s4.s8 v8  }
0x1b7: {  	vm4 =	veq.s32 v13, v0;
	v8 =	vcombine.low v7, v5;
	v5 =	vunpack.c.l.s4.s8 v9  }
0x1b8: {  	v9 =	vlaneseq.u32;
	v7 =	vunpack.c.0.s8.s32 v11;
	v11 =	vsel vm4, $0x1, v10  }
0x1b9: {  	s30 =	simm.s32 $0x10;
	v15 =	vperm.xlane v11, v1;
	v5 =	vunpack.c.0.s8.s32 v5;
	v14 =	vperm.xlane v11, v8  }
0x1ba: {  	v17 =	vld [tilespmem:s30+$0x0];
	vm3 =	veq.s32 v9, $0x0  }
0x1bb: {  	v7 =	vcombine.low v5, v7;
	v5 =	vsel vm3, $0x0, v14;
	v14 =	vadd.s32 v11, v15  }
0x1bc: {  	v16 =	vperm.xlane v14, v4  }
0x1bd: {  	vm2 =	vmmov $0x3;
	vm1 =	vmmov $0xf;
	v15 =	vadd.s32 v11, v5  }
0x1be: {  	v6 =	vcombine.low v6, v12;
	v18 =	vperm.xlane v15, v7;
	v12 =	vadd.s32 v16, v14  }
0x1bf: {  	vm0 =	vmmov $0xff;
	vm6 =	veq.s32 v17, v0;
	v16 =	vperm.xlane v12, v3  }
0x1c0: {  	vm8 =	vgt.s32 v17, v0;
	vm5 =	vgt.s32 v13, v0;
	v14 =	vsel vm2, $0x0, v18  }
0x1c1: {  	s4 =	ssub.s32 $0x7D0, s8;
	vm7 =	vmmov vm5;
	v13 =	vadd.s32 v14, v15;
	v12 =	vadd.s32 v16, v12  }
0x1c2: {  	s4 =	simm.s32 @!p0 $0x0;
	s29 =	spop (v2sf);
	v14 =	vperm.xlane v13, v6;
	v16 =	vsel vm6, $0x1, v10;
	v15 =	vperm.xlane v12, v2  }
0x1c3: {  	vm5 =	vmmov vm6;
	s4 =	ssub.s32 s4, s29;
	v18 =	vperm.xlane v16, v8;
	v19 =	vperm.xlane v16, v1  }
0x1c4: {  	vm10 =	vmmov vm7;
	p0 =	sgt.s32 s4, $0x0;
	v14 =	vsel vm1, $0x0, v14;
	v12 =	vadd.s32 v15, v12  }
0x1c5: {  	s4 =	simm.s32 @!p0 $0x0;
	v13 =	vadd.s32 v14, v13;
	v14 =	vsel vm3, $0x0, v18;
	v15 =	vadd.s32 v16, v19  }
0x1c6: {  	s31 =	simm.s32 $0x20;
	p0 =	slt.s32 s6, s4;
	v14 =	vadd.s32 v16, v14;
	v16 =	vperm.xlane v15, v4;
	(v2sf) =	vpush v12, $0x0  }
0x1c7: {  	vm4 =	vmmov vm4;
	v18 =	vperm.xlane v13, v1;
	v12 =	vld [tilespmem:s31+$0x0];
	s4 =	smov.u32 @p0 s6;
	v17 =	vperm.xlane v14, v7  }
0x1c8: {  	vm9 =	vmmov vm4;
	v5 =	vmov s4;
	v15 =	vadd.s32 v16, v15  }
0x1c9: {  	v18 =	vsel vm0, $0x0, v18;
	s4 =	simm.s32 $0x0;
	v16 =	vsel vm2, $0x0, v17;
	v17 =	vperm.xlane v15, v3  }
0x1ca: {  	vm4 =	vmmov vm8;
	v14 =	vadd.s32 v16, v14;
	v16 =	vadd.s32 s4, v18  }
0x1cb: {  	v18 =	vperm.xlane v14, v6;
	v15 =	vadd.s32 v17, v15;
	v13 =	vadd.s32 v13, v16  }
0x1cc: {  	vm6 =	veq.s32 v12, v0;
	v16 =	vperm.xlane v15, v2;
	vm7 =	vle.s32 v13, v5  }
0x1cd: {  	v19 =	vsel vm6, $0x1, v10;
	vm8 =	vmand vm9, vm7;
	vm7 =	vgt.s32 v12, v0;
	v12 =	vld [tilespmem:s31+$0x500]  }
0x1ce: {  	v13 =	vsel vm1, $0x0, v18;
	v17 =	vperm.xlane v19, v8;
	v16 =	vadd.s32 v16, v15;
	v15 =	vld [tilespmem:s28+$0x500]  }
0x1cf: {  	v18 =	vperm.xlane v19, v1;
	v14 =	vadd.s32 v13, v14;
	v13 =	vld [tilespmem:s30+$0x500];
	(v2sf) =	vpush v16, $0x0  }
0x1d0: {  	v11 =	vimm.f32 $0.0e+00  }
0x1d1: {  	vm8 =	vmor vm10, vm8;
	v16 =	vsel vm3, $0x0, v17;
	v18 =	vadd.s32 v19, v18  }
0x1d2: {  	s7 =	simm.s32 $0x100;
	s6 =	simm.s32 $0x30;
	v17 =	vperm.xlane v14, v1;
	v16 =	vadd.s32 v19, v16;
	v19 =	vperm.xlane v18, v4  }
.LBB2_9:
0x1d3: {  	v21 =	vperm.xlane v16, v7  }
0x1d4: {  	p0 =	sne.s32 s7, $0x13C0;
	v20 =	vld [tilespmem:s6+$0x0];
	v17 =	vsel vm0, $0x0, v17;
	v22 =	vnsel vm8, $0x0, v15;
	v15 =	vmovc v13;
	v13 =	vmovc v12;
	vm9 =	vmmov vm5  }
0x1d5: {  	vm5 =	vmmov vm6;
	v12 =	vld [tilespmem:s6+$0x500];
	v18 =	vadd.s32 v19, v18;
	v11 =	vadd.f32 v22, v11;
	s6 =	spop (v2sf)  }
0x1d6: {  	vm8 =	vmmov vm4;
	v19 =	vsel vm2, $0x0, v21;
	v21 =	vperm.xlane v18, v3;
	s4 =	sadd.s32 s4, s6  }
0x1d7: {  	vm4 =	vmmov vm7;
	v16 =	vadd.s32 v19, v16;
	v17 =	vadd.s32 s4, v17  }
0x1d8: {  	v19 =	vperm.xlane v16, v6;
	v18 =	vadd.s32 v21, v18;
	v14 =	vadd.s32 v14, v17  }
0x1d9: {  	vm6 =	veq.s32 v20, v0;
	v17 =	vperm.xlane v18, v2;
	vm7 =	vle.s32 v14, v5  }
.Ltmp6:
0x1da: {  	v21 =	vsel vm6, $0x1, v10;
	v14 =	vsel vm1, $0x0, v19;
	vm9 =	vmand vm9, vm7;
	(pc) =	sbr.rel @p0 .LBB2_9-.Ltmp6, $4  }
0x1db: {  	v19 =	vperm.xlane v21, v8;
	v22 =	vperm.xlane v21, v1;
	v17 =	vadd.s32 v17, v18  }
0x1dc: {  	vm7 =	vgt.s32 v20, v0;
	v14 =	vadd.s32 v14, v16;
	(v2sf) =	vpush v17, $0x0  }
0x1dd: {  	v17 =	vperm.xlane v14, v1;
	v16 =	vsel vm3, $0x0, v19;
	v18 =	vadd.s32 v21, v22  }
0x1de: {  	s6 =	sshra.s32 s7, $0x2;
	s7 =	sadd.s32 $0x40, s7;
	vm8 =	vmor vm8, vm9;
	v16 =	vadd.s32 v21, v16;
	v19 =	vperm.xlane v18, v4  }
0x1df: {  	_ = 	snop  }
0x1e0: {  	v20 =	vld [tilespmem:s6+$0x0];
	v18 =	vadd.s32 v19, v18  }
0x1e1: {  	v19 =	vperm.xlane v18, v3;
	_ =	sdelay $0x1  }
0x1e2: {  	v18 =	vadd.s32 v19, v18  }
0x1e3: {  	v19 =	vperm.xlane v18, v2  }
0x1e4: {  	vm3 =	veq.s32 v20, v0  }
0x1e5: {  	v10 =	vsel vm3, $0x1, v10;
	v18 =	vadd.s32 v19, v18  }
0x1e6: {  	v43 =	vperm.xlane v10, v1;
	(v2sf) =	vpush v18, $0x0  }
0x1e7: {  	v44 =	vperm.xlane v16, v7;
	v17 =	vsel vm0, $0x0, v17  }
0x1e8: {  	v15 =	vnsel vm8, $0x0, v15;
	v8 =	vperm.xlane v10, v8;
	v19 =	vadd.s32 v10, v43  }
0x1e9: {  	vm12 =	vmmov vm5;
	vm9 =	veq.s32 v9, $0x0;
	v4 =	vperm.xlane v19, v4  }
0x1ea: {  	vm13 =	vmmov vm6;
	vm14 =	vmmov vm4;
	v8 =	vsel vm9, $0x0, v8  }
0x1eb: {  	vm15 =	vmmov vm7;
	v8 =	vadd.s32 v10, v8;
	v4 =	vadd.s32 v4, v19  }
0x1ec: {  	v46 =	vsel vm2, $0x0, v44;
	v47 =	vperm.xlane v8, v7;
	v48 =	vperm.xlane v4, v3  }
0x1ed: {  	s7 =	spop (v2sf);
	v45 =	vadd.f32 v15, v11;
	vm10 =	vmmov vm15;
	v49 =	vadd.s32 v46, v16  }
0x1ee: {  	s4 =	sadd.s32 s4, s7;
	v51 =	vperm.xlane v49, v6;
	v7 =	vsel vm2, $0x0, v47;
	v3 =	vadd.s32 v48, v4  }
0x1ef: {  	v50 =	vadd.s32 s4, v17;
	v7 =	vadd.s32 v7, v8;
	v53 =	vperm.xlane v3, v2  }
0x1f0: {  	v52 =	vadd.s32 v14, v50;
	v54 =	vsel vm1, $0x0, v51;
	v55 =	vperm.xlane v7, v6  }
0x1f1: {  	vm7 =	vle.s32 v52, v5;
	v4 =	vadd.s32 v54, v49;
	v2 =	vadd.s32 v53, v3  }
0x1f2: {  	v56 =	vperm.xlane v4, v1;
	v6 =	vsel vm1, $0x0, v55;
	(v2sf) =	vpush v2, $0x0  }
0x1f3: {  	vm8 =	vgt.s32 v20, v0;
	vm3 =	vmmov vm3;
	s29 =	spop (v2sf);
	v57 =	vadd.s32 v6, v7  }
0x1f4: {  	vm9 =	vmmov vm13;
	s4 =	sadd.s32 s4, s29;
	v58 =	vsel vm0, $0x0, v56;
	v60 =	vperm.xlane v57, v1  }
0x1f5: {  	vm2 =	vmand vm12, vm7;
	vm12 =	vmmov vm3;
	v2 =	vadd.s32 s4, v58;
	s30 =	spop (v2sf)  }
0x1f6: {  	vm2 =	vmor vm14, vm2;
	v2 =	vadd.s32 v4, v2;
	v1 =	vsel vm0, $0x0, v60;
	s4 =	sadd.s32 s4, s30  }
0x1f7: {  	v61 =	vld [tilespmem:s6+$0x500];
	v59 =	vnsel vm2, $0x0, v13;
	vm11 =	vle.s32 v2, v5;
	v1 =	vadd.s32 s4, v1  }
0x1f8: {  	vm1 =	vmmov vm8;
	vm2 =	vmand vm9, vm11;
	v0 =	vadd.s32 v57, v1  }
0x1f9: {  	v3 =	vadd.f32 v59, v45;
	vm0 =	vmor vm10, vm2;
	vm13 =	vle.s32 v0, v5  }
0x1fa: {  	vm14 =	vmmov vm1;
	v62 =	vnsel vm0, $0x0, v12;
	vm15 =	vmand vm12, vm13  }
0x1fb: {  	v0 =	vadd.f32 v62, v3;
	vm0 =	vmor vm14, vm15  }
0x1fc: {  	v63 =	vnsel vm0, $0x0, v61  }
0x1fd: {  	v0 =	vadd.f32 v63, v0;
	_ =	sdelay $0x1  }
0x1fe: {  	s5 =	sadd.s32 s5, s2;
	s4 =	simm.s32 $0xB80;
	[tilespmem:$0xB80] =	vst v0  }
0x1ff: {  	[spmem:s5] =	stream.linear.scatter [tilespmem:s4], [sflag:$0x1], $0x10, $0x38;
	[tilespmem:$0xD30] =	vst v63  }
0x200: {  	s31 =	spop (v2sf);
	s5 =	simm.s32 $0x1  }
0x201: {  	_ =	swait.ge [sflag:s5], $0x10  }
0x202: {  	[sflag:s5] =	ssyncset.done $0x0  }
0x203: {  	[sflag:s5] =	ssyncadd.s32 $0xFFFFFFF0  }
0x204: {  	p0 =	sne.s32 s3, $0x0;
	[bflag:$0x0] =	sbarrier.arrive $0xFFFF  }
0x205: {  	_ =	sfence.sel @p0 $0x180000  }
0x206: {  	[bflag:$0x0] =	sbarrier.arrive @p0 $0xFFFF  }
0x207: {  	_ =	strace @p0 $0x90000047  }
0x208: {  	[bflag:$0x2] =	sbarrier.arrive @p0 $0xFFFF  }
0x209: {  	_ =	shalt @p0  }
.LBB2_11:
0x20a: {  	s3 =	simm.s32 $0xC00  }
0x20b: {  	[tilespmem:s3], [sflag:$0x1] =	stream.linear.gather [spmem:s2], $0x100, $0x38;
	[tilespmem:$0xD30] =	vst v63  }
0x20c: {  	_ =	swait.ge [sflag:s5], $0x100  }
0x20d: {  	[sflag:s5] =	ssyncset.done $0x0  }
0x20e: {  	[sflag:s5] =	ssyncadd.s32 $0xFFFFFF00  }
0x20f: {  	v0 =	vld [tilespmem:$0xC00];
	_ =	sdelay $0x1  }
0x210: {  	v1 =	vld [tilespmem:$0xC10];
	_ =	sdelay $0x1  }
0x211: {  	v2 =	vld [tilespmem:$0xC20]  }
0x212: {  	v0 =	vadd.f32 $0.0e+00, v0  }
0x213: {  	v3 =	vld [tilespmem:$0xC30]  }
0x214: {  	v0 =	vadd.f32 v1, v0  }
0x215: {  	v42 =	vld [tilespmem:$0xC40]  }
0x216: {  	v0 =	vadd.f32 v2, v0  }
0x217: {  	v43 =	vld [tilespmem:$0xC50]  }
0x218: {  	v0 =	vadd.f32 v3, v0  }
0x219: {  	v44 =	vld [tilespmem:$0xC60]  }
0x21a: {  	v0 =	vadd.f32 v42, v0  }
0x21b: {  	v45 =	vld [tilespmem:$0xC70]  }
0x21c: {  	v0 =	vadd.f32 v43, v0  }
0x21d: {  	v46 =	vld [tilespmem:$0xC80]  }
0x21e: {  	v0 =	vadd.f32 v44, v0  }
0x21f: {  	v47 =	vld [tilespmem:$0xC90]  }
0x220: {  	v0 =	vadd.f32 v45, v0  }
0x221: {  	v48 =	vld [tilespmem:$0xCA0]  }
0x222: {  	v0 =	vadd.f32 v46, v0  }
0x223: {  	v49 =	vld [tilespmem:$0xCB0]  }
0x224: {  	v0 =	vadd.f32 v47, v0  }
0x225: {  	v50 =	vld [tilespmem:$0xCC0]  }
0x226: {  	v0 =	vadd.f32 v48, v0  }
0x227: {  	v51 =	vld [tilespmem:$0xCD0]  }
0x228: {  	v0 =	vadd.f32 v49, v0  }
0x229: {  	v4 =	vimm.s32 $0xFEDCBA98;
	v52 =	vld [tilespmem:$0xCE0]  }
0x22a: {  	v54 =	vimm.s32 $0x76543210;
	v4 =	vunpack.c.l.s4.s8 v4;
	v0 =	vadd.f32 v50, v0  }
0x22b: {  	v53 =	vld [tilespmem:$0xCF0];
	v1 =	vunpack.c.l.s4.s8 v54  }
0x22c: {  	v55 =	vunpack.c.0.s8.s32 v4;
	v0 =	vadd.f32 v51, v0  }
0x22d: {  	v56 =	vimm.s32 $0x3210FEDC;
	v1 =	vunpack.c.0.s8.s32 v1  }
0x22e: {  	v57 =	vimm.s32 $0xBA987654;
	v2 =	vand.u32 $0xF, v55;
	v0 =	vadd.f32 v52, v0  }
0x22f: {  	v1 =	vcombine.low v2, v1;
	v2 =	vunpack.c.l.s4.s8 v56;
	v3 =	vunpack.c.l.s4.s8 v57  }
0x230: {  	v0 =	vadd.f32 v53, v0  }
0x231: {  	v2 =	vunpack.c.0.s8.s32 v2;
	v3 =	vunpack.c.0.s8.s32 v3  }
0x232: {  	v1 =	vperm.xlane v0, v1  }
0x233: {  	v59 =	vimm.s32 $0x10FEDCBA;
	v60 =	vimm.s32 $0x98765432;
	v58 =	vcombine.low v3, v2  }
0x234: {  	v2 =	vunpack.c.l.s4.s8 v59;
	v3 =	vunpack.c.l.s4.s8 v60;
	v0 =	vadd.f32 v1, v0  }
0x235: {  	v62 =	vimm.s32 $0x87654321  }
0x236: {  	v2 =	vunpack.c.0.s8.s32 v2;
	v3 =	vunpack.c.0.s8.s32 v3;
	v1 =	vperm.xlane v0, v58  }
0x237: {  	v61 =	vimm.s32 $0xFEDCBA9;
	v63 =	vunpack.c.l.s4.s8 v62  }
0x238: {  	v2 =	vcombine.low v3, v2;
	v0 =	vadd.f32 v1, v0;
	v1 =	vunpack.c.l.s4.s8 v61;
	_ =	sdelay $0x1  }
0x239: {  	v3 =	vunpack.c.0.s8.s32 v63;
	v2 =	vperm.xlane v0, v2;
	v1 =	vunpack.c.0.s8.s32 v1;
	_ =	sdelay $0x1  }
0x23a: {  	v0 =	vadd.f32 v2, v0;
	v1 =	vcombine.low v3, v1;
	_ =	sdelay $0x1  }
0x23b: {  	v1 =	vperm.xlane v0, v1;
	_ =	sdelay $0x1  }
0x23c: {  	v0 =	vadd.f32 v1, v0;
	_ =	sdelay $0x1  }
0x23d: {  	s30 =	simm.s32 $0x0;
	[tilespmem:$0xB80] =	vst v0  }
0x23e: {  	[hbm4b:s0+s30] =	stream.linear.scatter [tilespmem:s4], [sflag:$0x1], $0x80, $0x38;
	[tilespmem:$0xD30] =	vst v63  }
0x23f: {  	_ =	swait.ge [sflag:s5], $0x80  }
0x240: {  	[sflag:s5] =	ssyncset.done $0x0  }
0x241: {  	[sflag:s5] =	ssyncadd.s32 $0xFFFFFF80  }
0x242: {  	_ =	sfence.sel $0x180000  }
0x243: {  	[bflag:$0x0] =	sbarrier.arrive $0xFFFF  }
0x244: {  	_ =	strace $0x90000047  }
0x245: {  	s31 =	sadd.s32 $0x100000, s1;
	[bflag:$0x2] =	sbarrier.arrive $0xFFFF  }
0x246: {  	[sflag:s31] =	ssyncadd.tile.s32 $0x1;
	_ =	shalt  }
.Lfunc_end2:
_tile_overlayer_lowered:
.L_overlay_start_2:
0x247: {  	(tag) =	ssettag $0x2  }
0x248: {  	s0 =	rddreg [dreg:$0x0];
	s2 =	stileid.u32  }
0x249: {  	s1 =	rddreg [dreg:$0x1];
	p0 =	sne.s32 s2, $0x0  }
0x24a: {  	s3 =	rddreg [dreg:$0x2];
	[bflag:$0x3] =	sbarrier.arrive $0xFFFF;
	s2 =	simm.s32 @!p0 $0x1C01  }
0x24b: {  	[timem:s3], [sflag:s2] =	dma.local @!p0 [hbm:s0], s1  }
0x24c: {  	s0 =	simm.s32 @!p0 $0x1  }
0x24d: {  	_ =	swait.ge @!p0 [sflag:s0], s1  }
0x24e: {  	s1 =	ssub.s32 @!p0 $0x0, s1;
	[sflag:s0] =	ssyncset.done @!p0 $0x0  }
0x24f: {  	[sflag:s0] =	ssyncadd.s32 @!p0 s1  }
0x250: {  	[bflag:$0x3] =	sbarrier.arrive $0xFFFF  }
0x251: {  	_ =	shalt  }

</sc_bundles>
